<compile_context>
chip_gen: v7x
topology: tpu7x:2x2x1
jax: 0.10.2.dev20260603
libtpu: 0.0.44.dev20260713+nightly
codegen_flags: <defaults>
</compile_context>

<pallas_src>
import functools

import jax
import jax.numpy as jnp
from jax import lax
from jax.experimental import pallas as pl
from jax.experimental.pallas import tpu as pltpu
from jax.experimental.pallas import tpu_sc as plsc

B = 16384
D = 64
L = 16

_info = plsc.get_sparse_core_info()
NC, NS = _info.num_cores, _info.num_subcores
NW = NC * NS
BPW = B // NW
NCHUNK = 4
CHUNK = BPW // NCHUNK
NBLK = BPW // L


def _sc_body(idx_hbm, w_hbm, v_hbm, u_hbm, out_hbm,
             idx_v, w_rows, v_rows, u_rows, out_v, sem):
    wid = lax.axis_index("s") * NC + lax.axis_index("c")

    pltpu.sync_copy(idx_hbm.at[wid], idx_v)

    handles = []
    for t, (tab, rows) in enumerate(
            ((w_hbm, w_rows), (v_hbm, v_rows), (u_hbm, u_rows))):
        for c in range(NCHUNK):
            handles.append(pltpu.async_copy(
                tab.at[idx_v.at[t, c]],
                rows.at[pl.ds(c * CHUNK, CHUNK), :],
                sem))
    for h in handles:
        h.wait()

    lane = jnp.arange(L, dtype=jnp.int32)

    def blk_body(blk, carry):
        base = blk * L
        thetas = jnp.zeros((L,), jnp.float32)
        for r in range(L):
            row = base + r
            acc = jnp.zeros((L,), jnp.float32)
            for c in range(D // L):
                sl = pl.ds(c * L, L)
                acc = acc + w_rows[row, sl] * v_rows[row, sl] * u_rows[row, sl]
            theta = jnp.sum(acc)
            thetas = thetas + jnp.where(lane == r, theta, 0.0)
        probs = 1.0 / (1.0 + jnp.exp(-thetas))
        out_v[pl.ds(base, L)] = probs
        return carry

    lax.fori_loop(0, NBLK, blk_body, 0)

    pltpu.sync_copy(out_v, out_hbm.at[pl.ds(wid * BPW, BPW)])


@functools.partial(jax.jit, static_argnums=())
def kernel(indices, W, V, U):
    idx = indices.astype(jnp.int32).T
    idx = idx.reshape(3, NW, NCHUNK, CHUNK).transpose(1, 0, 2, 3)

    mesh = plsc.VectorSubcoreMesh(core_axis_name="c", subcore_axis_name="s")
    run = pl.kernel(
        _sc_body,
        mesh=mesh,
        out_type=jax.ShapeDtypeStruct((B,), jnp.float32),
        scratch_types=[
            pltpu.VMEM((3, NCHUNK, CHUNK), jnp.int32),
            pltpu.VMEM((BPW, D), jnp.float32),
            pltpu.VMEM((BPW, D), jnp.float32),
            pltpu.VMEM((BPW, D), jnp.float32),
            pltpu.VMEM((BPW,), jnp.float32),
            pltpu.SemaphoreType.DMA,
        ],
        compiler_params=pltpu.CompilerParams(
            needs_layout_passes=False, use_tc_tiling_on_sc=False),
    )
    return run(idx, W, V, U)

# --- scband reference (transcript-rebuilt; emitter-appended) ---
"""Pipeline reference for scband-logistic-tensor-factor-model-90933047590999 (READ-ONLY COPY).

The authoritative reference and input builder live on the scoring server;
editing this copy changes nothing except your own understanding.
"""

import jax, jax.numpy as jnp
import numpy as np

I, J, K, D = 100000, 100000, 100000, 64
B = 16384

def setup_inputs(seed: int = 0) -> dict:
    key = jax.random.key(seed)
    k_idx, k_w, k_v, k_u = jax.random.split(key, 4)
    indices = jax.random.randint(k_idx, (B, 3), 0, 100000, dtype=jnp.int64) if jax.config.jax_enable_x64 else jax.random.randint(k_idx, (B, 3), 0, 100000, dtype=jnp.int32)
    W = jax.random.normal(k_w, (I, D), dtype=jnp.float32) * 0.1
    V = jax.random.normal(k_v, (J, D), dtype=jnp.float32) * 0.1
    U = jax.random.normal(k_u, (K, D), dtype=jnp.float32) * 0.1
    return {"indices": indices, "W": W, "V": V, "U": U}

def reference(indices, W, V, U):
    i_idx = indices[:, 0]
    j_idx = indices[:, 1]
    k_idx = indices[:, 2]
    w_selected = jnp.take(W, i_idx, axis=0)
    v_selected = jnp.take(V, j_idx, axis=0)
    u_selected = jnp.take(U, k_idx, axis=0)
    theta = jnp.sum(w_selected * v_selected * u_selected, axis=1)
    probs = jax.nn.sigmoid(theta)
    return probs

if __name__ == "__main__":
    import jax
    _d = setup_inputs()
    print(jax.jit(kernel)(*tuple(_d.values())))

</pallas_src>

<mosaic_0001>
#map = affine_map<(d0, d1) -> (0, 0, 0, 0)>
#map1 = affine_map<(d0, d1) -> (0, 0)>
#map2 = affine_map<(d0, d1) -> (0)>
module attributes {stable_mosaic.version = 14 : i64} {
  func.func @_sc_body(%arg0: i32, %arg1: i32, %arg2: memref<32x3x4x128xi32, #tpu.memory_space<hbm>>, %arg3: memref<100000x64xf32, #tpu.memory_space<hbm>>, %arg4: memref<100000x64xf32, #tpu.memory_space<hbm>>, %arg5: memref<100000x64xf32, #tpu.memory_space<hbm>>, %arg6: memref<16384xf32, #tpu.memory_space<hbm>>, %arg7: memref<3x4x128xi32, #tpu.memory_space<vmem>>, %arg8: memref<512x64xf32, #tpu.memory_space<vmem>>, %arg9: memref<512x64xf32, #tpu.memory_space<vmem>>, %arg10: memref<512x64xf32, #tpu.memory_space<vmem>>, %arg11: memref<512xf32, #tpu.memory_space<vmem>>, %arg12: memref<!tpu.dma_semaphore, #tpu.memory_space<semaphore_mem>>) attributes {dimension_semantics = [#tpu.dimension_semantics<core_parallel>, #tpu.dimension_semantics<subcore_parallel>], iteration_bounds = array<i64: 2, 16>, scalar_prefetch = 0 : i64, scratch_operands = 6 : i64, tpu.core_type = #tpu.core_type<sc_vector_subcore>, window_params = [{transform_indices = #map}, {transform_indices = #map1}, {transform_indices = #map1}, {transform_indices = #map1}, {transform_indices = #map2}]} {
    %mul3A = arith.constant 2 : i32
    %mul3A_0 = arith.muli %arg1, %mul3A : i32
    %add3A = arith.addi %mul3A_0, %arg0 : i32
    "tpu.region"() ({
      %run_scoped3A = tpu.sem_alloc : memref<!tpu.dma_semaphore, #tpu.memory_space<semaphore_mem>>
      %dma_start3A_270 = arith.constant 0 : i32
      %dma_start3A_271 = arith.constant 0 : i32
      %dma_start3A_272 = arith.constant 0 : i32
      %dma_start3A_273 = tpu.memref_slice %arg2[%add3A, %dma_start3A_270, %dma_start3A_271, %dma_start3A_272] : memref<32x3x4x128xi32, #tpu.memory_space<hbm>> -> memref<1x3x4x128xi32, #tpu.memory_space<hbm>>
      %dma_start3A_274 = tpu.memref_squeeze %dma_start3A_273 : memref<1x3x4x128xi32, #tpu.memory_space<hbm>> -> memref<3x4x128xi32, #tpu.memory_space<hbm>>
      %dma_start3A_275 = arith.constant 0 : i32
      %dma_start3A_276 = arith.constant 0 : i32
      %dma_start3A_277 = arith.constant 0 : i32
      %dma_start3A_278 = tpu.memref_slice %arg2[%add3A, %dma_start3A_275, %dma_start3A_276, %dma_start3A_277] : memref<32x3x4x128xi32, #tpu.memory_space<hbm>> -> memref<1x3x4x128xi32, #tpu.memory_space<hbm>>
      %dma_start3A_279 = tpu.memref_squeeze %dma_start3A_278 : memref<1x3x4x128xi32, #tpu.memory_space<hbm>> -> memref<3x4x128xi32, #tpu.memory_space<hbm>>
      tpu.enqueue_dma source(%dma_start3A_279 : memref<3x4x128xi32, #tpu.memory_space<hbm>>) target(%arg7 : memref<3x4x128xi32, #tpu.memory_space<vmem>>) target_semaphore(%run_scoped3A : memref<!tpu.dma_semaphore, #tpu.memory_space<semaphore_mem>>)
      %dma_wait3A_280 = arith.constant 0 : i32
      %dma_wait3A_281 = arith.constant 0 : i32
      %dma_wait3A_282 = arith.constant 0 : i32
      %dma_wait3A_283 = tpu.memref_slice %arg2[%add3A, %dma_wait3A_280, %dma_wait3A_281, %dma_wait3A_282] : memref<32x3x4x128xi32, #tpu.memory_space<hbm>> -> memref<1x3x4x128xi32, #tpu.memory_space<hbm>>
      %dma_wait3A_284 = tpu.memref_squeeze %dma_wait3A_283 : memref<1x3x4x128xi32, #tpu.memory_space<hbm>> -> memref<3x4x128xi32, #tpu.memory_space<hbm>>
      %dma_wait3A_285 = arith.constant 0 : i32
      %dma_wait3A_286 = arith.constant 0 : i32
      %dma_wait3A_287 = arith.constant 0 : i32
      %dma_wait3A_288 = tpu.memref_slice %arg2[%add3A, %dma_wait3A_285, %dma_wait3A_286, %dma_wait3A_287] : memref<32x3x4x128xi32, #tpu.memory_space<hbm>> -> memref<1x3x4x128xi32, #tpu.memory_space<hbm>>
      %dma_wait3A_289 = tpu.memref_squeeze %dma_wait3A_288 : memref<1x3x4x128xi32, #tpu.memory_space<hbm>> -> memref<3x4x128xi32, #tpu.memory_space<hbm>>
      tpu.wait_dma2 semaphore(%run_scoped3A : memref<!tpu.dma_semaphore, #tpu.memory_space<semaphore_mem>>) src(%dma_wait3A_289 : memref<3x4x128xi32, #tpu.memory_space<hbm>>) dst(%arg7 : memref<3x4x128xi32, #tpu.memory_space<vmem>>)
      tpu.yield
    }) : () -> ()
    %dma_start3A = arith.constant 0 : i32
    %dma_start3A_1 = arith.constant 0 : i32
    %dma_start3A_2 = arith.constant 0 : i32
    %dma_start3A_3 = arith.constant 0 : i32
    %dma_start3A_4 = tpu.memref_slice %arg8[%dma_start3A_2, %dma_start3A_3] : memref<512x64xf32, #tpu.memory_space<vmem>> -> memref<128x64xf32, #tpu.memory_space<vmem>>
    %dma_start3A_5 = arith.constant 0 : i32
    %dma_start3A_6 = tpu.memref_slice %arg7[%dma_start3A, %dma_start3A_1, %dma_start3A_5] : memref<3x4x128xi32, #tpu.memory_space<vmem>> -> memref<1x1x128xi32, #tpu.memory_space<vmem>>
    %dma_start3A_7 = tpu.memref_squeeze %dma_start3A_6 : memref<1x1x128xi32, #tpu.memory_space<vmem>> -> memref<128xi32, #tpu.memory_space<vmem>>
    %dma_start3A_8 = arith.constant 0 : i32
    %dma_start3A_9 = arith.constant 0 : i32
    %dma_start3A_10 = tpu.memref_slice %arg3[%dma_start3A_8, %dma_start3A_9] : memref<100000x64xf32, #tpu.memory_space<hbm>> -> memref<100000x64xf32, #tpu.memory_space<hbm>>
    tpu.enqueue_indirect_dma source(%dma_start3A_10 : memref<100000x64xf32, #tpu.memory_space<hbm>>) target(%dma_start3A_4 : memref<128x64xf32, #tpu.memory_space<vmem>>) offsets(%dma_start3A_7 : memref<128xi32, #tpu.memory_space<vmem>>) semaphore(%arg12 : memref<!tpu.dma_semaphore, #tpu.memory_space<semaphore_mem>>)
    %dma_start3A_11 = arith.constant 0 : i32
    %dma_start3A_12 = arith.constant 1 : i32
    %dma_start3A_13 = arith.constant 128 : i32
    %dma_start3A_14 = arith.constant 0 : i32
    %dma_start3A_15 = tpu.memref_slice %arg8[%dma_start3A_13, %dma_start3A_14] : memref<512x64xf32, #tpu.memory_space<vmem>> -> memref<128x64xf32, #tpu.memory_space<vmem>>
    %dma_start3A_16 = arith.constant 0 : i32
    %dma_start3A_17 = tpu.memref_slice %arg7[%dma_start3A_11, %dma_start3A_12, %dma_start3A_16] : memref<3x4x128xi32, #tpu.memory_space<vmem>> -> memref<1x1x128xi32, #tpu.memory_space<vmem>>
    %dma_start3A_18 = tpu.memref_squeeze %dma_start3A_17 : memref<1x1x128xi32, #tpu.memory_space<vmem>> -> memref<128xi32, #tpu.memory_space<vmem>>
    %dma_start3A_19 = arith.constant 0 : i32
    %dma_start3A_20 = arith.constant 0 : i32
    %dma_start3A_21 = tpu.memref_slice %arg3[%dma_start3A_19, %dma_start3A_20] : memref<100000x64xf32, #tpu.memory_space<hbm>> -> memref<100000x64xf32, #tpu.memory_space<hbm>>
    tpu.enqueue_indirect_dma source(%dma_start3A_21 : memref<100000x64xf32, #tpu.memory_space<hbm>>) target(%dma_start3A_15 : memref<128x64xf32, #tpu.memory_space<vmem>>) offsets(%dma_start3A_18 : memref<128xi32, #tpu.memory_space<vmem>>) semaphore(%arg12 : memref<!tpu.dma_semaphore, #tpu.memory_space<semaphore_mem>>)
    %dma_start3A_22 = arith.constant 0 : i32
    %dma_start3A_23 = arith.constant 2 : i32
    %dma_start3A_24 = arith.constant 256 : i32
    %dma_start3A_25 = arith.constant 0 : i32
    %dma_start3A_26 = tpu.memref_slice %arg8[%dma_start3A_24, %dma_start3A_25] : memref<512x64xf32, #tpu.memory_space<vmem>> -> memref<128x64xf32, #tpu.memory_space<vmem>>
    %dma_start3A_27 = arith.constant 0 : i32
    %dma_start3A_28 = tpu.memref_slice %arg7[%dma_start3A_22, %dma_start3A_23, %dma_start3A_27] : memref<3x4x128xi32, #tpu.memory_space<vmem>> -> memref<1x1x128xi32, #tpu.memory_space<vmem>>
    %dma_start3A_29 = tpu.memref_squeeze %dma_start3A_28 : memref<1x1x128xi32, #tpu.memory_space<vmem>> -> memref<128xi32, #tpu.memory_space<vmem>>
    %dma_start3A_30 = arith.constant 0 : i32
    %dma_start3A_31 = arith.constant 0 : i32
    %dma_start3A_32 = tpu.memref_slice %arg3[%dma_start3A_30, %dma_start3A_31] : memref<100000x64xf32, #tpu.memory_space<hbm>> -> memref<100000x64xf32, #tpu.memory_space<hbm>>
    tpu.enqueue_indirect_dma source(%dma_start3A_32 : memref<100000x64xf32, #tpu.memory_space<hbm>>) target(%dma_start3A_26 : memref<128x64xf32, #tpu.memory_space<vmem>>) offsets(%dma_start3A_29 : memref<128xi32, #tpu.memory_space<vmem>>) semaphore(%arg12 : memref<!tpu.dma_semaphore, #tpu.memory_space<semaphore_mem>>)
    %dma_start3A_33 = arith.constant 0 : i32
    %dma_start3A_34 = arith.constant 3 : i32
    %dma_start3A_35 = arith.constant 384 : i32
    %dma_start3A_36 = arith.constant 0 : i32
    %dma_start3A_37 = tpu.memref_slice %arg8[%dma_start3A_35, %dma_start3A_36] : memref<512x64xf32, #tpu.memory_space<vmem>> -> memref<128x64xf32, #tpu.memory_space<vmem>>
    %dma_start3A_38 = arith.constant 0 : i32
    %dma_start3A_39 = tpu.memref_slice %arg7[%dma_start3A_33, %dma_start3A_34, %dma_start3A_38] : memref<3x4x128xi32, #tpu.memory_space<vmem>> -> memref<1x1x128xi32, #tpu.memory_space<vmem>>
    %dma_start3A_40 = tpu.memref_squeeze %dma_start3A_39 : memref<1x1x128xi32, #tpu.memory_space<vmem>> -> memref<128xi32, #tpu.memory_space<vmem>>
    %dma_start3A_41 = arith.constant 0 : i32
    %dma_start3A_42 = arith.constant 0 : i32
    %dma_start3A_43 = tpu.memref_slice %arg3[%dma_start3A_41, %dma_start3A_42] : memref<100000x64xf32, #tpu.memory_space<hbm>> -> memref<100000x64xf32, #tpu.memory_space<hbm>>
    tpu.enqueue_indirect_dma source(%dma_start3A_43 : memref<100000x64xf32, #tpu.memory_space<hbm>>) target(%dma_start3A_37 : memref<128x64xf32, #tpu.memory_space<vmem>>) offsets(%dma_start3A_40 : memref<128xi32, #tpu.memory_space<vmem>>) semaphore(%arg12 : memref<!tpu.dma_semaphore, #tpu.memory_space<semaphore_mem>>)
    %dma_start3A_44 = arith.constant 1 : i32
    %dma_start3A_45 = arith.constant 0 : i32
    %dma_start3A_46 = arith.constant 0 : i32
    %dma_start3A_47 = arith.constant 0 : i32
    %dma_start3A_48 = tpu.memref_slice %arg9[%dma_start3A_46, %dma_start3A_47] : memref<512x64xf32, #tpu.memory_space<vmem>> -> memref<128x64xf32, #tpu.memory_space<vmem>>
    %dma_start3A_49 = arith.constant 0 : i32
    %dma_start3A_50 = tpu.memref_slice %arg7[%dma_start3A_44, %dma_start3A_45, %dma_start3A_49] : memref<3x4x128xi32, #tpu.memory_space<vmem>> -> memref<1x1x128xi32, #tpu.memory_space<vmem>>
    %dma_start3A_51 = tpu.memref_squeeze %dma_start3A_50 : memref<1x1x128xi32, #tpu.memory_space<vmem>> -> memref<128xi32, #tpu.memory_space<vmem>>
    %dma_start3A_52 = arith.constant 0 : i32
    %dma_start3A_53 = arith.constant 0 : i32
    %dma_start3A_54 = tpu.memref_slice %arg4[%dma_start3A_52, %dma_start3A_53] : memref<100000x64xf32, #tpu.memory_space<hbm>> -> memref<100000x64xf32, #tpu.memory_space<hbm>>
    tpu.enqueue_indirect_dma source(%dma_start3A_54 : memref<100000x64xf32, #tpu.memory_space<hbm>>) target(%dma_start3A_48 : memref<128x64xf32, #tpu.memory_space<vmem>>) offsets(%dma_start3A_51 : memref<128xi32, #tpu.memory_space<vmem>>) semaphore(%arg12 : memref<!tpu.dma_semaphore, #tpu.memory_space<semaphore_mem>>)
    %dma_start3A_55 = arith.constant 1 : i32
    %dma_start3A_56 = arith.constant 1 : i32
    %dma_start3A_57 = arith.constant 128 : i32
    %dma_start3A_58 = arith.constant 0 : i32
    %dma_start3A_59 = tpu.memref_slice %arg9[%dma_start3A_57, %dma_start3A_58] : memref<512x64xf32, #tpu.memory_space<vmem>> -> memref<128x64xf32, #tpu.memory_space<vmem>>
    %dma_start3A_60 = arith.constant 0 : i32
    %dma_start3A_61 = tpu.memref_slice %arg7[%dma_start3A_55, %dma_start3A_56, %dma_start3A_60] : memref<3x4x128xi32, #tpu.memory_space<vmem>> -> memref<1x1x128xi32, #tpu.memory_space<vmem>>
    %dma_start3A_62 = tpu.memref_squeeze %dma_start3A_61 : memref<1x1x128xi32, #tpu.memory_space<vmem>> -> memref<128xi32, #tpu.memory_space<vmem>>
    %dma_start3A_63 = arith.constant 0 : i32
    %dma_start3A_64 = arith.constant 0 : i32
    %dma_start3A_65 = tpu.memref_slice %arg4[%dma_start3A_63, %dma_start3A_64] : memref<100000x64xf32, #tpu.memory_space<hbm>> -> memref<100000x64xf32, #tpu.memory_space<hbm>>
    tpu.enqueue_indirect_dma source(%dma_start3A_65 : memref<100000x64xf32, #tpu.memory_space<hbm>>) target(%dma_start3A_59 : memref<128x64xf32, #tpu.memory_space<vmem>>) offsets(%dma_start3A_62 : memref<128xi32, #tpu.memory_space<vmem>>) semaphore(%arg12 : memref<!tpu.dma_semaphore, #tpu.memory_space<semaphore_mem>>)
    %dma_start3A_66 = arith.constant 1 : i32
    %dma_start3A_67 = arith.constant 2 : i32
    %dma_start3A_68 = arith.constant 256 : i32
    %dma_start3A_69 = arith.constant 0 : i32
    %dma_start3A_70 = tpu.memref_slice %arg9[%dma_start3A_68, %dma_start3A_69] : memref<512x64xf32, #tpu.memory_space<vmem>> -> memref<128x64xf32, #tpu.memory_space<vmem>>
    %dma_start3A_71 = arith.constant 0 : i32
    %dma_start3A_72 = tpu.memref_slice %arg7[%dma_start3A_66, %dma_start3A_67, %dma_start3A_71] : memref<3x4x128xi32, #tpu.memory_space<vmem>> -> memref<1x1x128xi32, #tpu.memory_space<vmem>>
    %dma_start3A_73 = tpu.memref_squeeze %dma_start3A_72 : memref<1x1x128xi32, #tpu.memory_space<vmem>> -> memref<128xi32, #tpu.memory_space<vmem>>
    %dma_start3A_74 = arith.constant 0 : i32
    %dma_start3A_75 = arith.constant 0 : i32
    %dma_start3A_76 = tpu.memref_slice %arg4[%dma_start3A_74, %dma_start3A_75] : memref<100000x64xf32, #tpu.memory_space<hbm>> -> memref<100000x64xf32, #tpu.memory_space<hbm>>
    tpu.enqueue_indirect_dma source(%dma_start3A_76 : memref<100000x64xf32, #tpu.memory_space<hbm>>) target(%dma_start3A_70 : memref<128x64xf32, #tpu.memory_space<vmem>>) offsets(%dma_start3A_73 : memref<128xi32, #tpu.memory_space<vmem>>) semaphore(%arg12 : memref<!tpu.dma_semaphore, #tpu.memory_space<semaphore_mem>>)
    %dma_start3A_77 = arith.constant 1 : i32
    %dma_start3A_78 = arith.constant 3 : i32
    %dma_start3A_79 = arith.constant 384 : i32
    %dma_start3A_80 = arith.constant 0 : i32
    %dma_start3A_81 = tpu.memref_slice %arg9[%dma_start3A_79, %dma_start3A_80] : memref<512x64xf32, #tpu.memory_space<vmem>> -> memref<128x64xf32, #tpu.memory_space<vmem>>
    %dma_start3A_82 = arith.constant 0 : i32
    %dma_start3A_83 = tpu.memref_slice %arg7[%dma_start3A_77, %dma_start3A_78, %dma_start3A_82] : memref<3x4x128xi32, #tpu.memory_space<vmem>> -> memref<1x1x128xi32, #tpu.memory_space<vmem>>
    %dma_start3A_84 = tpu.memref_squeeze %dma_start3A_83 : memref<1x1x128xi32, #tpu.memory_space<vmem>> -> memref<128xi32, #tpu.memory_space<vmem>>
    %dma_start3A_85 = arith.constant 0 : i32
    %dma_start3A_86 = arith.constant 0 : i32
    %dma_start3A_87 = tpu.memref_slice %arg4[%dma_start3A_85, %dma_start3A_86] : memref<100000x64xf32, #tpu.memory_space<hbm>> -> memref<100000x64xf32, #tpu.memory_space<hbm>>
    tpu.enqueue_indirect_dma source(%dma_start3A_87 : memref<100000x64xf32, #tpu.memory_space<hbm>>) target(%dma_start3A_81 : memref<128x64xf32, #tpu.memory_space<vmem>>) offsets(%dma_start3A_84 : memref<128xi32, #tpu.memory_space<vmem>>) semaphore(%arg12 : memref<!tpu.dma_semaphore, #tpu.memory_space<semaphore_mem>>)
    %dma_start3A_88 = arith.constant 2 : i32
    %dma_start3A_89 = arith.constant 0 : i32
    %dma_start3A_90 = arith.constant 0 : i32
    %dma_start3A_91 = arith.constant 0 : i32
    %dma_start3A_92 = tpu.memref_slice %arg10[%dma_start3A_90, %dma_start3A_91] : memref<512x64xf32, #tpu.memory_space<vmem>> -> memref<128x64xf32, #tpu.memory_space<vmem>>
    %dma_start3A_93 = arith.constant 0 : i32
    %dma_start3A_94 = tpu.memref_slice %arg7[%dma_start3A_88, %dma_start3A_89, %dma_start3A_93] : memref<3x4x128xi32, #tpu.memory_space<vmem>> -> memref<1x1x128xi32, #tpu.memory_space<vmem>>
    %dma_start3A_95 = tpu.memref_squeeze %dma_start3A_94 : memref<1x1x128xi32, #tpu.memory_space<vmem>> -> memref<128xi32, #tpu.memory_space<vmem>>
    %dma_start3A_96 = arith.constant 0 : i32
    %dma_start3A_97 = arith.constant 0 : i32
    %dma_start3A_98 = tpu.memref_slice %arg5[%dma_start3A_96, %dma_start3A_97] : memref<100000x64xf32, #tpu.memory_space<hbm>> -> memref<100000x64xf32, #tpu.memory_space<hbm>>
    tpu.enqueue_indirect_dma source(%dma_start3A_98 : memref<100000x64xf32, #tpu.memory_space<hbm>>) target(%dma_start3A_92 : memref<128x64xf32, #tpu.memory_space<vmem>>) offsets(%dma_start3A_95 : memref<128xi32, #tpu.memory_space<vmem>>) semaphore(%arg12 : memref<!tpu.dma_semaphore, #tpu.memory_space<semaphore_mem>>)
    %dma_start3A_99 = arith.constant 2 : i32
    %dma_start3A_100 = arith.constant 1 : i32
    %dma_start3A_101 = arith.constant 128 : i32
    %dma_start3A_102 = arith.constant 0 : i32
    %dma_start3A_103 = tpu.memref_slice %arg10[%dma_start3A_101, %dma_start3A_102] : memref<512x64xf32, #tpu.memory_space<vmem>> -> memref<128x64xf32, #tpu.memory_space<vmem>>
    %dma_start3A_104 = arith.constant 0 : i32
    %dma_start3A_105 = tpu.memref_slice %arg7[%dma_start3A_99, %dma_start3A_100, %dma_start3A_104] : memref<3x4x128xi32, #tpu.memory_space<vmem>> -> memref<1x1x128xi32, #tpu.memory_space<vmem>>
    %dma_start3A_106 = tpu.memref_squeeze %dma_start3A_105 : memref<1x1x128xi32, #tpu.memory_space<vmem>> -> memref<128xi32, #tpu.memory_space<vmem>>
    %dma_start3A_107 = arith.constant 0 : i32
    %dma_start3A_108 = arith.constant 0 : i32
    %dma_start3A_109 = tpu.memref_slice %arg5[%dma_start3A_107, %dma_start3A_108] : memref<100000x64xf32, #tpu.memory_space<hbm>> -> memref<100000x64xf32, #tpu.memory_space<hbm>>
    tpu.enqueue_indirect_dma source(%dma_start3A_109 : memref<100000x64xf32, #tpu.memory_space<hbm>>) target(%dma_start3A_103 : memref<128x64xf32, #tpu.memory_space<vmem>>) offsets(%dma_start3A_106 : memref<128xi32, #tpu.memory_space<vmem>>) semaphore(%arg12 : memref<!tpu.dma_semaphore, #tpu.memory_space<semaphore_mem>>)
    %dma_start3A_110 = arith.constant 2 : i32
    %dma_start3A_111 = arith.constant 2 : i32
    %dma_start3A_112 = arith.constant 256 : i32
    %dma_start3A_113 = arith.constant 0 : i32
    %dma_start3A_114 = tpu.memref_slice %arg10[%dma_start3A_112, %dma_start3A_113] : memref<512x64xf32, #tpu.memory_space<vmem>> -> memref<128x64xf32, #tpu.memory_space<vmem>>
    %dma_start3A_115 = arith.constant 0 : i32
    %dma_start3A_116 = tpu.memref_slice %arg7[%dma_start3A_110, %dma_start3A_111, %dma_start3A_115] : memref<3x4x128xi32, #tpu.memory_space<vmem>> -> memref<1x1x128xi32, #tpu.memory_space<vmem>>
    %dma_start3A_117 = tpu.memref_squeeze %dma_start3A_116 : memref<1x1x128xi32, #tpu.memory_space<vmem>> -> memref<128xi32, #tpu.memory_space<vmem>>
    %dma_start3A_118 = arith.constant 0 : i32
    %dma_start3A_119 = arith.constant 0 : i32
    %dma_start3A_120 = tpu.memref_slice %arg5[%dma_start3A_118, %dma_start3A_119] : memref<100000x64xf32, #tpu.memory_space<hbm>> -> memref<100000x64xf32, #tpu.memory_space<hbm>>
    tpu.enqueue_indirect_dma source(%dma_start3A_120 : memref<100000x64xf32, #tpu.memory_space<hbm>>) target(%dma_start3A_114 : memref<128x64xf32, #tpu.memory_space<vmem>>) offsets(%dma_start3A_117 : memref<128xi32, #tpu.memory_space<vmem>>) semaphore(%arg12 : memref<!tpu.dma_semaphore, #tpu.memory_space<semaphore_mem>>)
    %dma_start3A_121 = arith.constant 2 : i32
    %dma_start3A_122 = arith.constant 3 : i32
    %dma_start3A_123 = arith.constant 384 : i32
    %dma_start3A_124 = arith.constant 0 : i32
    %dma_start3A_125 = tpu.memref_slice %arg10[%dma_start3A_123, %dma_start3A_124] : memref<512x64xf32, #tpu.memory_space<vmem>> -> memref<128x64xf32, #tpu.memory_space<vmem>>
    %dma_start3A_126 = arith.constant 0 : i32
    %dma_start3A_127 = tpu.memref_slice %arg7[%dma_start3A_121, %dma_start3A_122, %dma_start3A_126] : memref<3x4x128xi32, #tpu.memory_space<vmem>> -> memref<1x1x128xi32, #tpu.memory_space<vmem>>
    %dma_start3A_128 = tpu.memref_squeeze %dma_start3A_127 : memref<1x1x128xi32, #tpu.memory_space<vmem>> -> memref<128xi32, #tpu.memory_space<vmem>>
    %dma_start3A_129 = arith.constant 0 : i32
    %dma_start3A_130 = arith.constant 0 : i32
    %dma_start3A_131 = tpu.memref_slice %arg5[%dma_start3A_129, %dma_start3A_130] : memref<100000x64xf32, #tpu.memory_space<hbm>> -> memref<100000x64xf32, #tpu.memory_space<hbm>>
    tpu.enqueue_indirect_dma source(%dma_start3A_131 : memref<100000x64xf32, #tpu.memory_space<hbm>>) target(%dma_start3A_125 : memref<128x64xf32, #tpu.memory_space<vmem>>) offsets(%dma_start3A_128 : memref<128xi32, #tpu.memory_space<vmem>>) semaphore(%arg12 : memref<!tpu.dma_semaphore, #tpu.memory_space<semaphore_mem>>)
    %dma_wait3A = arith.constant 0 : i32
    %dma_wait3A_132 = arith.constant 0 : i32
    %dma_wait3A_133 = arith.constant 0 : i32
    %dma_wait3A_134 = arith.constant 0 : i32
    %dma_wait3A_135 = tpu.memref_slice %arg8[%dma_wait3A_133, %dma_wait3A_134] : memref<512x64xf32, #tpu.memory_space<vmem>> -> memref<128x64xf32, #tpu.memory_space<vmem>>
    %dma_wait3A_136 = arith.constant 0 : i32
    %dma_wait3A_137 = tpu.memref_slice %arg7[%dma_wait3A, %dma_wait3A_132, %dma_wait3A_136] : memref<3x4x128xi32, #tpu.memory_space<vmem>> -> memref<1x1x128xi32, #tpu.memory_space<vmem>>
    %dma_wait3A_138 = tpu.memref_squeeze %dma_wait3A_137 : memref<1x1x128xi32, #tpu.memory_space<vmem>> -> memref<128xi32, #tpu.memory_space<vmem>>
    %dma_wait3A_139 = arith.constant 0 : i32
    %dma_wait3A_140 = arith.constant 0 : i32
    %dma_wait3A_141 = tpu.memref_slice %arg3[%dma_wait3A_139, %dma_wait3A_140] : memref<100000x64xf32, #tpu.memory_space<hbm>> -> memref<100000x64xf32, #tpu.memory_space<hbm>>
    tpu.wait_indirect_dma semaphore(%arg12 : memref<!tpu.dma_semaphore, #tpu.memory_space<semaphore_mem>>) src(%dma_wait3A_141 : memref<100000x64xf32, #tpu.memory_space<hbm>>) dst(%dma_wait3A_135 : memref<128x64xf32, #tpu.memory_space<vmem>>)
    %dma_wait3A_142 = arith.constant 0 : i32
    %dma_wait3A_143 = arith.constant 1 : i32
    %dma_wait3A_144 = arith.constant 128 : i32
    %dma_wait3A_145 = arith.constant 0 : i32
    %dma_wait3A_146 = tpu.memref_slice %arg8[%dma_wait3A_144, %dma_wait3A_145] : memref<512x64xf32, #tpu.memory_space<vmem>> -> memref<128x64xf32, #tpu.memory_space<vmem>>
    %dma_wait3A_147 = arith.constant 0 : i32
    %dma_wait3A_148 = tpu.memref_slice %arg7[%dma_wait3A_142, %dma_wait3A_143, %dma_wait3A_147] : memref<3x4x128xi32, #tpu.memory_space<vmem>> -> memref<1x1x128xi32, #tpu.memory_space<vmem>>
    %dma_wait3A_149 = tpu.memref_squeeze %dma_wait3A_148 : memref<1x1x128xi32, #tpu.memory_space<vmem>> -> memref<128xi32, #tpu.memory_space<vmem>>
    %dma_wait3A_150 = arith.constant 0 : i32
    %dma_wait3A_151 = arith.constant 0 : i32
    %dma_wait3A_152 = tpu.memref_slice %arg3[%dma_wait3A_150, %dma_wait3A_151] : memref<100000x64xf32, #tpu.memory_space<hbm>> -> memref<100000x64xf32, #tpu.memory_space<hbm>>
    tpu.wait_indirect_dma semaphore(%arg12 : memref<!tpu.dma_semaphore, #tpu.memory_space<semaphore_mem>>) src(%dma_wait3A_152 : memref<100000x64xf32, #tpu.memory_space<hbm>>) dst(%dma_wait3A_146 : memref<128x64xf32, #tpu.memory_space<vmem>>)
    %dma_wait3A_153 = arith.constant 0 : i32
    %dma_wait3A_154 = arith.constant 2 : i32
    %dma_wait3A_155 = arith.constant 256 : i32
    %dma_wait3A_156 = arith.constant 0 : i32
    %dma_wait3A_157 = tpu.memref_slice %arg8[%dma_wait3A_155, %dma_wait3A_156] : memref<512x64xf32, #tpu.memory_space<vmem>> -> memref<128x64xf32, #tpu.memory_space<vmem>>
    %dma_wait3A_158 = arith.constant 0 : i32
    %dma_wait3A_159 = tpu.memref_slice %arg7[%dma_wait3A_153, %dma_wait3A_154, %dma_wait3A_158] : memref<3x4x128xi32, #tpu.memory_space<vmem>> -> memref<1x1x128xi32, #tpu.memory_space<vmem>>
    %dma_wait3A_160 = tpu.memref_squeeze %dma_wait3A_159 : memref<1x1x128xi32, #tpu.memory_space<vmem>> -> memref<128xi32, #tpu.memory_space<vmem>>
    %dma_wait3A_161 = arith.constant 0 : i32
    %dma_wait3A_162 = arith.constant 0 : i32
    %dma_wait3A_163 = tpu.memref_slice %arg3[%dma_wait3A_161, %dma_wait3A_162] : memref<100000x64xf32, #tpu.memory_space<hbm>> -> memref<100000x64xf32, #tpu.memory_space<hbm>>
    tpu.wait_indirect_dma semaphore(%arg12 : memref<!tpu.dma_semaphore, #tpu.memory_space<semaphore_mem>>) src(%dma_wait3A_163 : memref<100000x64xf32, #tpu.memory_space<hbm>>) dst(%dma_wait3A_157 : memref<128x64xf32, #tpu.memory_space<vmem>>)
    %dma_wait3A_164 = arith.constant 0 : i32
    %dma_wait3A_165 = arith.constant 3 : i32
    %dma_wait3A_166 = arith.constant 384 : i32
    %dma_wait3A_167 = arith.constant 0 : i32
    %dma_wait3A_168 = tpu.memref_slice %arg8[%dma_wait3A_166, %dma_wait3A_167] : memref<512x64xf32, #tpu.memory_space<vmem>> -> memref<128x64xf32, #tpu.memory_space<vmem>>
    %dma_wait3A_169 = arith.constant 0 : i32
    %dma_wait3A_170 = tpu.memref_slice %arg7[%dma_wait3A_164, %dma_wait3A_165, %dma_wait3A_169] : memref<3x4x128xi32, #tpu.memory_space<vmem>> -> memref<1x1x128xi32, #tpu.memory_space<vmem>>
    %dma_wait3A_171 = tpu.memref_squeeze %dma_wait3A_170 : memref<1x1x128xi32, #tpu.memory_space<vmem>> -> memref<128xi32, #tpu.memory_space<vmem>>
    %dma_wait3A_172 = arith.constant 0 : i32
    %dma_wait3A_173 = arith.constant 0 : i32
    %dma_wait3A_174 = tpu.memref_slice %arg3[%dma_wait3A_172, %dma_wait3A_173] : memref<100000x64xf32, #tpu.memory_space<hbm>> -> memref<100000x64xf32, #tpu.memory_space<hbm>>
    tpu.wait_indirect_dma semaphore(%arg12 : memref<!tpu.dma_semaphore, #tpu.memory_space<semaphore_mem>>) src(%dma_wait3A_174 : memref<100000x64xf32, #tpu.memory_space<hbm>>) dst(%dma_wait3A_168 : memref<128x64xf32, #tpu.memory_space<vmem>>)
    %dma_wait3A_175 = arith.constant 1 : i32
    %dma_wait3A_176 = arith.constant 0 : i32
    %dma_wait3A_177 = arith.constant 0 : i32
    %dma_wait3A_178 = arith.constant 0 : i32
    %dma_wait3A_179 = tpu.memref_slice %arg9[%dma_wait3A_177, %dma_wait3A_178] : memref<512x64xf32, #tpu.memory_space<vmem>> -> memref<128x64xf32, #tpu.memory_space<vmem>>
    %dma_wait3A_180 = arith.constant 0 : i32
    %dma_wait3A_181 = tpu.memref_slice %arg7[%dma_wait3A_175, %dma_wait3A_176, %dma_wait3A_180] : memref<3x4x128xi32, #tpu.memory_space<vmem>> -> memref<1x1x128xi32, #tpu.memory_space<vmem>>
    %dma_wait3A_182 = tpu.memref_squeeze %dma_wait3A_181 : memref<1x1x128xi32, #tpu.memory_space<vmem>> -> memref<128xi32, #tpu.memory_space<vmem>>
    %dma_wait3A_183 = arith.constant 0 : i32
    %dma_wait3A_184 = arith.constant 0 : i32
    %dma_wait3A_185 = tpu.memref_slice %arg4[%dma_wait3A_183, %dma_wait3A_184] : memref<100000x64xf32, #tpu.memory_space<hbm>> -> memref<100000x64xf32, #tpu.memory_space<hbm>>
    tpu.wait_indirect_dma semaphore(%arg12 : memref<!tpu.dma_semaphore, #tpu.memory_space<semaphore_mem>>) src(%dma_wait3A_185 : memref<100000x64xf32, #tpu.memory_space<hbm>>) dst(%dma_wait3A_179 : memref<128x64xf32, #tpu.memory_space<vmem>>)
    %dma_wait3A_186 = arith.constant 1 : i32
    %dma_wait3A_187 = arith.constant 1 : i32
    %dma_wait3A_188 = arith.constant 128 : i32
    %dma_wait3A_189 = arith.constant 0 : i32
    %dma_wait3A_190 = tpu.memref_slice %arg9[%dma_wait3A_188, %dma_wait3A_189] : memref<512x64xf32, #tpu.memory_space<vmem>> -> memref<128x64xf32, #tpu.memory_space<vmem>>
    %dma_wait3A_191 = arith.constant 0 : i32
    %dma_wait3A_192 = tpu.memref_slice %arg7[%dma_wait3A_186, %dma_wait3A_187, %dma_wait3A_191] : memref<3x4x128xi32, #tpu.memory_space<vmem>> -> memref<1x1x128xi32, #tpu.memory_space<vmem>>
    %dma_wait3A_193 = tpu.memref_squeeze %dma_wait3A_192 : memref<1x1x128xi32, #tpu.memory_space<vmem>> -> memref<128xi32, #tpu.memory_space<vmem>>
    %dma_wait3A_194 = arith.constant 0 : i32
    %dma_wait3A_195 = arith.constant 0 : i32
    %dma_wait3A_196 = tpu.memref_slice %arg4[%dma_wait3A_194, %dma_wait3A_195] : memref<100000x64xf32, #tpu.memory_space<hbm>> -> memref<100000x64xf32, #tpu.memory_space<hbm>>
    tpu.wait_indirect_dma semaphore(%arg12 : memref<!tpu.dma_semaphore, #tpu.memory_space<semaphore_mem>>) src(%dma_wait3A_196 : memref<100000x64xf32, #tpu.memory_space<hbm>>) dst(%dma_wait3A_190 : memref<128x64xf32, #tpu.memory_space<vmem>>)
    %dma_wait3A_197 = arith.constant 1 : i32
    %dma_wait3A_198 = arith.constant 2 : i32
    %dma_wait3A_199 = arith.constant 256 : i32
    %dma_wait3A_200 = arith.constant 0 : i32
    %dma_wait3A_201 = tpu.memref_slice %arg9[%dma_wait3A_199, %dma_wait3A_200] : memref<512x64xf32, #tpu.memory_space<vmem>> -> memref<128x64xf32, #tpu.memory_space<vmem>>
    %dma_wait3A_202 = arith.constant 0 : i32
    %dma_wait3A_203 = tpu.memref_slice %arg7[%dma_wait3A_197, %dma_wait3A_198, %dma_wait3A_202] : memref<3x4x128xi32, #tpu.memory_space<vmem>> -> memref<1x1x128xi32, #tpu.memory_space<vmem>>
    %dma_wait3A_204 = tpu.memref_squeeze %dma_wait3A_203 : memref<1x1x128xi32, #tpu.memory_space<vmem>> -> memref<128xi32, #tpu.memory_space<vmem>>
    %dma_wait3A_205 = arith.constant 0 : i32
    %dma_wait3A_206 = arith.constant 0 : i32
    %dma_wait3A_207 = tpu.memref_slice %arg4[%dma_wait3A_205, %dma_wait3A_206] : memref<100000x64xf32, #tpu.memory_space<hbm>> -> memref<100000x64xf32, #tpu.memory_space<hbm>>
    tpu.wait_indirect_dma semaphore(%arg12 : memref<!tpu.dma_semaphore, #tpu.memory_space<semaphore_mem>>) src(%dma_wait3A_207 : memref<100000x64xf32, #tpu.memory_space<hbm>>) dst(%dma_wait3A_201 : memref<128x64xf32, #tpu.memory_space<vmem>>)
    %dma_wait3A_208 = arith.constant 1 : i32
    %dma_wait3A_209 = arith.constant 3 : i32
    %dma_wait3A_210 = arith.constant 384 : i32
    %dma_wait3A_211 = arith.constant 0 : i32
    %dma_wait3A_212 = tpu.memref_slice %arg9[%dma_wait3A_210, %dma_wait3A_211] : memref<512x64xf32, #tpu.memory_space<vmem>> -> memref<128x64xf32, #tpu.memory_space<vmem>>
    %dma_wait3A_213 = arith.constant 0 : i32
    %dma_wait3A_214 = tpu.memref_slice %arg7[%dma_wait3A_208, %dma_wait3A_209, %dma_wait3A_213] : memref<3x4x128xi32, #tpu.memory_space<vmem>> -> memref<1x1x128xi32, #tpu.memory_space<vmem>>
    %dma_wait3A_215 = tpu.memref_squeeze %dma_wait3A_214 : memref<1x1x128xi32, #tpu.memory_space<vmem>> -> memref<128xi32, #tpu.memory_space<vmem>>
    %dma_wait3A_216 = arith.constant 0 : i32
    %dma_wait3A_217 = arith.constant 0 : i32
    %dma_wait3A_218 = tpu.memref_slice %arg4[%dma_wait3A_216, %dma_wait3A_217] : memref<100000x64xf32, #tpu.memory_space<hbm>> -> memref<100000x64xf32, #tpu.memory_space<hbm>>
    tpu.wait_indirect_dma semaphore(%arg12 : memref<!tpu.dma_semaphore, #tpu.memory_space<semaphore_mem>>) src(%dma_wait3A_218 : memref<100000x64xf32, #tpu.memory_space<hbm>>) dst(%dma_wait3A_212 : memref<128x64xf32, #tpu.memory_space<vmem>>)
    %dma_wait3A_219 = arith.constant 2 : i32
    %dma_wait3A_220 = arith.constant 0 : i32
    %dma_wait3A_221 = arith.constant 0 : i32
    %dma_wait3A_222 = arith.constant 0 : i32
    %dma_wait3A_223 = tpu.memref_slice %arg10[%dma_wait3A_221, %dma_wait3A_222] : memref<512x64xf32, #tpu.memory_space<vmem>> -> memref<128x64xf32, #tpu.memory_space<vmem>>
    %dma_wait3A_224 = arith.constant 0 : i32
    %dma_wait3A_225 = tpu.memref_slice %arg7[%dma_wait3A_219, %dma_wait3A_220, %dma_wait3A_224] : memref<3x4x128xi32, #tpu.memory_space<vmem>> -> memref<1x1x128xi32, #tpu.memory_space<vmem>>
    %dma_wait3A_226 = tpu.memref_squeeze %dma_wait3A_225 : memref<1x1x128xi32, #tpu.memory_space<vmem>> -> memref<128xi32, #tpu.memory_space<vmem>>
    %dma_wait3A_227 = arith.constant 0 : i32
    %dma_wait3A_228 = arith.constant 0 : i32
    %dma_wait3A_229 = tpu.memref_slice %arg5[%dma_wait3A_227, %dma_wait3A_228] : memref<100000x64xf32, #tpu.memory_space<hbm>> -> memref<100000x64xf32, #tpu.memory_space<hbm>>
    tpu.wait_indirect_dma semaphore(%arg12 : memref<!tpu.dma_semaphore, #tpu.memory_space<semaphore_mem>>) src(%dma_wait3A_229 : memref<100000x64xf32, #tpu.memory_space<hbm>>) dst(%dma_wait3A_223 : memref<128x64xf32, #tpu.memory_space<vmem>>)
    %dma_wait3A_230 = arith.constant 2 : i32
    %dma_wait3A_231 = arith.constant 1 : i32
    %dma_wait3A_232 = arith.constant 128 : i32
    %dma_wait3A_233 = arith.constant 0 : i32
    %dma_wait3A_234 = tpu.memref_slice %arg10[%dma_wait3A_232, %dma_wait3A_233] : memref<512x64xf32, #tpu.memory_space<vmem>> -> memref<128x64xf32, #tpu.memory_space<vmem>>
    %dma_wait3A_235 = arith.constant 0 : i32
    %dma_wait3A_236 = tpu.memref_slice %arg7[%dma_wait3A_230, %dma_wait3A_231, %dma_wait3A_235] : memref<3x4x128xi32, #tpu.memory_space<vmem>> -> memref<1x1x128xi32, #tpu.memory_space<vmem>>
    %dma_wait3A_237 = tpu.memref_squeeze %dma_wait3A_236 : memref<1x1x128xi32, #tpu.memory_space<vmem>> -> memref<128xi32, #tpu.memory_space<vmem>>
    %dma_wait3A_238 = arith.constant 0 : i32
    %dma_wait3A_239 = arith.constant 0 : i32
    %dma_wait3A_240 = tpu.memref_slice %arg5[%dma_wait3A_238, %dma_wait3A_239] : memref<100000x64xf32, #tpu.memory_space<hbm>> -> memref<100000x64xf32, #tpu.memory_space<hbm>>
    tpu.wait_indirect_dma semaphore(%arg12 : memref<!tpu.dma_semaphore, #tpu.memory_space<semaphore_mem>>) src(%dma_wait3A_240 : memref<100000x64xf32, #tpu.memory_space<hbm>>) dst(%dma_wait3A_234 : memref<128x64xf32, #tpu.memory_space<vmem>>)
    %dma_wait3A_241 = arith.constant 2 : i32
    %dma_wait3A_242 = arith.constant 2 : i32
    %dma_wait3A_243 = arith.constant 256 : i32
    %dma_wait3A_244 = arith.constant 0 : i32
    %dma_wait3A_245 = tpu.memref_slice %arg10[%dma_wait3A_243, %dma_wait3A_244] : memref<512x64xf32, #tpu.memory_space<vmem>> -> memref<128x64xf32, #tpu.memory_space<vmem>>
    %dma_wait3A_246 = arith.constant 0 : i32
    %dma_wait3A_247 = tpu.memref_slice %arg7[%dma_wait3A_241, %dma_wait3A_242, %dma_wait3A_246] : memref<3x4x128xi32, #tpu.memory_space<vmem>> -> memref<1x1x128xi32, #tpu.memory_space<vmem>>
    %dma_wait3A_248 = tpu.memref_squeeze %dma_wait3A_247 : memref<1x1x128xi32, #tpu.memory_space<vmem>> -> memref<128xi32, #tpu.memory_space<vmem>>
    %dma_wait3A_249 = arith.constant 0 : i32
    %dma_wait3A_250 = arith.constant 0 : i32
    %dma_wait3A_251 = tpu.memref_slice %arg5[%dma_wait3A_249, %dma_wait3A_250] : memref<100000x64xf32, #tpu.memory_space<hbm>> -> memref<100000x64xf32, #tpu.memory_space<hbm>>
    tpu.wait_indirect_dma semaphore(%arg12 : memref<!tpu.dma_semaphore, #tpu.memory_space<semaphore_mem>>) src(%dma_wait3A_251 : memref<100000x64xf32, #tpu.memory_space<hbm>>) dst(%dma_wait3A_245 : memref<128x64xf32, #tpu.memory_space<vmem>>)
    %dma_wait3A_252 = arith.constant 2 : i32
    %dma_wait3A_253 = arith.constant 3 : i32
    %dma_wait3A_254 = arith.constant 384 : i32
    %dma_wait3A_255 = arith.constant 0 : i32
    %dma_wait3A_256 = tpu.memref_slice %arg10[%dma_wait3A_254, %dma_wait3A_255] : memref<512x64xf32, #tpu.memory_space<vmem>> -> memref<128x64xf32, #tpu.memory_space<vmem>>
    %dma_wait3A_257 = arith.constant 0 : i32
    %dma_wait3A_258 = tpu.memref_slice %arg7[%dma_wait3A_252, %dma_wait3A_253, %dma_wait3A_257] : memref<3x4x128xi32, #tpu.memory_space<vmem>> -> memref<1x1x128xi32, #tpu.memory_space<vmem>>
    %dma_wait3A_259 = tpu.memref_squeeze %dma_wait3A_258 : memref<1x1x128xi32, #tpu.memory_space<vmem>> -> memref<128xi32, #tpu.memory_space<vmem>>
    %dma_wait3A_260 = arith.constant 0 : i32
    %dma_wait3A_261 = arith.constant 0 : i32
    %dma_wait3A_262 = tpu.memref_slice %arg5[%dma_wait3A_260, %dma_wait3A_261] : memref<100000x64xf32, #tpu.memory_space<hbm>> -> memref<100000x64xf32, #tpu.memory_space<hbm>>
    tpu.wait_indirect_dma semaphore(%arg12 : memref<!tpu.dma_semaphore, #tpu.memory_space<semaphore_mem>>) src(%dma_wait3A_262 : memref<100000x64xf32, #tpu.memory_space<hbm>>) dst(%dma_wait3A_256 : memref<128x64xf32, #tpu.memory_space<vmem>>)
    %iota3A = tpu.iota {dimensions = array<i32: 0>} : vector<16xi32>
    %scan3A = arith.constant 0 : i32
    %scan3A_263 = arith.constant 0 : i32
    %scan3A_264 = arith.constant 32 : i32
    %scan3A_265 = arith.addi %scan3A_263, %scan3A_264 : i32
    %scan3A_266 = arith.constant 1 : i32
    scf.for %scan3A_270 = %scan3A_263 to %scan3A_265 step %scan3A_266  : i32 {
      %mul3A_271 = arith.constant 16 : i32
      %mul3A_272 = arith.muli %scan3A_270, %mul3A_271 : i32
      %broadcast_in_dim3A = arith.constant 0.000000e+00 : f32
      %broadcast_in_dim3A_273 = vector.broadcast %broadcast_in_dim3A : f32 to vector<16xf32>
      %add3A_274 = arith.constant 0 : i32
      %add3A_275 = arith.addi %mul3A_272, %add3A_274 : i32
      %broadcast_in_dim3A_276 = arith.constant 0.000000e+00 : f32
      %broadcast_in_dim3A_277 = vector.broadcast %broadcast_in_dim3A_276 : f32 to vector<16xf32>
      %get3A = arith.index_cast %add3A_275 : i32 to index
      %get3A_278 = arith.constant 0 : index
      %get3A_279 = tpu.vector_load %arg8[%get3A, %get3A_278] {strides = array<i32>} : memref<512x64xf32, #tpu.memory_space<vmem>>, vector<16xf32>,
      %get3A_280 = arith.index_cast %add3A_275 : i32 to index
      %get3A_281 = arith.constant 0 : index
      %get3A_282 = tpu.vector_load %arg9[%get3A_280, %get3A_281] {strides = array<i32>} : memref<512x64xf32, #tpu.memory_space<vmem>>, vector<16xf32>,
      %mul3A_283 = arith.mulf %get3A_279, %get3A_282 : vector<16xf32>
      %get3A_284 = arith.index_cast %add3A_275 : i32 to index
      %get3A_285 = arith.constant 0 : index
      %get3A_286 = tpu.vector_load %arg10[%get3A_284, %get3A_285] {strides = array<i32>} : memref<512x64xf32, #tpu.memory_space<vmem>>, vector<16xf32>,
      %mul3A_287 = arith.mulf %mul3A_283, %get3A_286 : vector<16xf32>
      %add3A_288 = arith.addf %broadcast_in_dim3A_277, %mul3A_287 : vector<16xf32>
      %get3A_289 = arith.index_cast %add3A_275 : i32 to index
      %get3A_290 = arith.constant 16 : index
      %get3A_291 = tpu.vector_load %arg8[%get3A_289, %get3A_290] {strides = array<i32>} : memref<512x64xf32, #tpu.memory_space<vmem>>, vector<16xf32>,
      %get3A_292 = arith.index_cast %add3A_275 : i32 to index
      %get3A_293 = arith.constant 16 : index
      %get3A_294 = tpu.vector_load %arg9[%get3A_292, %get3A_293] {strides = array<i32>} : memref<512x64xf32, #tpu.memory_space<vmem>>, vector<16xf32>,
      %mul3A_295 = arith.mulf %get3A_291, %get3A_294 : vector<16xf32>
      %get3A_296 = arith.index_cast %add3A_275 : i32 to index
      %get3A_297 = arith.constant 16 : index
      %get3A_298 = tpu.vector_load %arg10[%get3A_296, %get3A_297] {strides = array<i32>} : memref<512x64xf32, #tpu.memory_space<vmem>>, vector<16xf32>,
      %mul3A_299 = arith.mulf %mul3A_295, %get3A_298 : vector<16xf32>
      %add3A_300 = arith.addf %add3A_288, %mul3A_299 : vector<16xf32>
      %get3A_301 = arith.index_cast %add3A_275 : i32 to index
      %get3A_302 = arith.constant 32 : index
      %get3A_303 = tpu.vector_load %arg8[%get3A_301, %get3A_302] {strides = array<i32>} : memref<512x64xf32, #tpu.memory_space<vmem>>, vector<16xf32>,
      %get3A_304 = arith.index_cast %add3A_275 : i32 to index
      %get3A_305 = arith.constant 32 : index
      %get3A_306 = tpu.vector_load %arg9[%get3A_304, %get3A_305] {strides = array<i32>} : memref<512x64xf32, #tpu.memory_space<vmem>>, vector<16xf32>,
      %mul3A_307 = arith.mulf %get3A_303, %get3A_306 : vector<16xf32>
      %get3A_308 = arith.index_cast %add3A_275 : i32 to index
      %get3A_309 = arith.constant 32 : index
      %get3A_310 = tpu.vector_load %arg10[%get3A_308, %get3A_309] {strides = array<i32>} : memref<512x64xf32, #tpu.memory_space<vmem>>, vector<16xf32>,
      %mul3A_311 = arith.mulf %mul3A_307, %get3A_310 : vector<16xf32>
      %add3A_312 = arith.addf %add3A_300, %mul3A_311 : vector<16xf32>
      %get3A_313 = arith.index_cast %add3A_275 : i32 to index
      %get3A_314 = arith.constant 48 : index
      %get3A_315 = tpu.vector_load %arg8[%get3A_313, %get3A_314] {strides = array<i32>} : memref<512x64xf32, #tpu.memory_space<vmem>>, vector<16xf32>,
      %get3A_316 = arith.index_cast %add3A_275 : i32 to index
      %get3A_317 = arith.constant 48 : index
      %get3A_318 = tpu.vector_load %arg9[%get3A_316, %get3A_317] {strides = array<i32>} : memref<512x64xf32, #tpu.memory_space<vmem>>, vector<16xf32>,
      %mul3A_319 = arith.mulf %get3A_315, %get3A_318 : vector<16xf32>
      %get3A_320 = arith.index_cast %add3A_275 : i32 to index
      %get3A_321 = arith.constant 48 : index
      %get3A_322 = tpu.vector_load %arg10[%get3A_320, %get3A_321] {strides = array<i32>} : memref<512x64xf32, #tpu.memory_space<vmem>>, vector<16xf32>,
      %mul3A_323 = arith.mulf %mul3A_319, %get3A_322 : vector<16xf32>
      %add3A_324 = arith.addf %add3A_312, %mul3A_323 : vector<16xf32>
      %reduce_sum3A = arith.constant true
      %reduce_sum3A_325 = vector.broadcast %reduce_sum3A : i1 to vector<16xi1>
      %reduce_sum3A_326 = tpu.scan <sum>, %add3A_324 masked %reduce_sum3A_325 : vector<16xf32>, vector<16xi1> -> vector<16xf32>
      %reduce_sum3A_327 = vector.extract %reduce_sum3A_326[15] : f32 from vector<16xf32>
      %eq3A = arith.constant 0 : i32
      %eq3A_328 = vector.broadcast %eq3A : i32 to vector<16xi32>
      %eq3A_329 = arith.cmpi eq, %iota3A, %eq3A_328 : vector<16xi32>
      %jit3A = arith.constant 0.000000e+00 : f32
      %broadcast_in_dim3A_330 = vector.broadcast %reduce_sum3A_327 : f32 to vector<16xf32>
      %broadcast_in_dim3A_331 = vector.broadcast %jit3A : f32 to vector<16xf32>
      %select_n3A = arith.select %eq3A_329, %broadcast_in_dim3A_330, %broadcast_in_dim3A_331 : vector<16xi1>, vector<16xf32>
      %add3A_332 = arith.addf %broadcast_in_dim3A_273, %select_n3A : vector<16xf32>
      %add3A_333 = arith.constant 1 : i32
      %add3A_334 = arith.addi %mul3A_272, %add3A_333 : i32
      %broadcast_in_dim3A_335 = arith.constant 0.000000e+00 : f32
      %broadcast_in_dim3A_336 = vector.broadcast %broadcast_in_dim3A_335 : f32 to vector<16xf32>
      %get3A_337 = arith.index_cast %add3A_334 : i32 to index
      %get3A_338 = arith.constant 0 : index
      %get3A_339 = tpu.vector_load %arg8[%get3A_337, %get3A_338] {strides = array<i32>} : memref<512x64xf32, #tpu.memory_space<vmem>>, vector<16xf32>,
      %get3A_340 = arith.index_cast %add3A_334 : i32 to index
      %get3A_341 = arith.constant 0 : index
      %get3A_342 = tpu.vector_load %arg9[%get3A_340, %get3A_341] {strides = array<i32>} : memref<512x64xf32, #tpu.memory_space<vmem>>, vector<16xf32>,
      %mul3A_343 = arith.mulf %get3A_339, %get3A_342 : vector<16xf32>
      %get3A_344 = arith.index_cast %add3A_334 : i32 to index
      %get3A_345 = arith.constant 0 : index
      %get3A_346 = tpu.vector_load %arg10[%get3A_344, %get3A_345] {strides = array<i32>} : memref<512x64xf32, #tpu.memory_space<vmem>>, vector<16xf32>,
      %mul3A_347 = arith.mulf %mul3A_343, %get3A_346 : vector<16xf32>
      %add3A_348 = arith.addf %broadcast_in_dim3A_336, %mul3A_347 : vector<16xf32>
      %get3A_349 = arith.index_cast %add3A_334 : i32 to index
      %get3A_350 = arith.constant 16 : index
      %get3A_351 = tpu.vector_load %arg8[%get3A_349, %get3A_350] {strides = array<i32>} : memref<512x64xf32, #tpu.memory_space<vmem>>, vector<16xf32>,
      %get3A_352 = arith.index_cast %add3A_334 : i32 to index
      %get3A_353 = arith.constant 16 : index
      %get3A_354 = tpu.vector_load %arg9[%get3A_352, %get3A_353] {strides = array<i32>} : memref<512x64xf32, #tpu.memory_space<vmem>>, vector<16xf32>,
      %mul3A_355 = arith.mulf %get3A_351, %get3A_354 : vector<16xf32>
      %get3A_356 = arith.index_cast %add3A_334 : i32 to index
      %get3A_357 = arith.constant 16 : index
      %get3A_358 = tpu.vector_load %arg10[%get3A_356, %get3A_357] {strides = array<i32>} : memref<512x64xf32, #tpu.memory_space<vmem>>, vector<16xf32>,
      %mul3A_359 = arith.mulf %mul3A_355, %get3A_358 : vector<16xf32>
      %add3A_360 = arith.addf %add3A_348, %mul3A_359 : vector<16xf32>
      %get3A_361 = arith.index_cast %add3A_334 : i32 to index
      %get3A_362 = arith.constant 32 : index
      %get3A_363 = tpu.vector_load %arg8[%get3A_361, %get3A_362] {strides = array<i32>} : memref<512x64xf32, #tpu.memory_space<vmem>>, vector<16xf32>,
      %get3A_364 = arith.index_cast %add3A_334 : i32 to index
      %get3A_365 = arith.constant 32 : index
      %get3A_366 = tpu.vector_load %arg9[%get3A_364, %get3A_365] {strides = array<i32>} : memref<512x64xf32, #tpu.memory_space<vmem>>, vector<16xf32>,
      %mul3A_367 = arith.mulf %get3A_363, %get3A_366 : vector<16xf32>
      %get3A_368 = arith.index_cast %add3A_334 : i32 to index
      %get3A_369 = arith.constant 32 : index
      %get3A_370 = tpu.vector_load %arg10[%get3A_368, %get3A_369] {strides = array<i32>} : memref<512x64xf32, #tpu.memory_space<vmem>>, vector<16xf32>,
      %mul3A_371 = arith.mulf %mul3A_367, %get3A_370 : vector<16xf32>
      %add3A_372 = arith.addf %add3A_360, %mul3A_371 : vector<16xf32>
      %get3A_373 = arith.index_cast %add3A_334 : i32 to index
      %get3A_374 = arith.constant 48 : index
      %get3A_375 = tpu.vector_load %arg8[%get3A_373, %get3A_374] {strides = array<i32>} : memref<512x64xf32, #tpu.memory_space<vmem>>, vector<16xf32>,
      %get3A_376 = arith.index_cast %add3A_334 : i32 to index
      %get3A_377 = arith.constant 48 : index
      %get3A_378 = tpu.vector_load %arg9[%get3A_376, %get3A_377] {strides = array<i32>} : memref<512x64xf32, #tpu.memory_space<vmem>>, vector<16xf32>,
      %mul3A_379 = arith.mulf %get3A_375, %get3A_378 : vector<16xf32>
      %get3A_380 = arith.index_cast %add3A_334 : i32 to index
      %get3A_381 = arith.constant 48 : index
      %get3A_382 = tpu.vector_load %arg10[%get3A_380, %get3A_381] {strides = array<i32>} : memref<512x64xf32, #tpu.memory_space<vmem>>, vector<16xf32>,
      %mul3A_383 = arith.mulf %mul3A_379, %get3A_382 : vector<16xf32>
      %add3A_384 = arith.addf %add3A_372, %mul3A_383 : vector<16xf32>
      %reduce_sum3A_385 = arith.constant true
      %reduce_sum3A_386 = vector.broadcast %reduce_sum3A_385 : i1 to vector<16xi1>
      %reduce_sum3A_387 = tpu.scan <sum>, %add3A_384 masked %reduce_sum3A_386 : vector<16xf32>, vector<16xi1> -> vector<16xf32>
      %reduce_sum3A_388 = vector.extract %reduce_sum3A_387[15] : f32 from vector<16xf32>
      %eq3A_389 = arith.constant 1 : i32
      %eq3A_390 = vector.broadcast %eq3A_389 : i32 to vector<16xi32>
      %eq3A_391 = arith.cmpi eq, %iota3A, %eq3A_390 : vector<16xi32>
      %jit3A_392 = arith.constant 0.000000e+00 : f32
      %broadcast_in_dim3A_393 = vector.broadcast %reduce_sum3A_388 : f32 to vector<16xf32>
      %broadcast_in_dim3A_394 = vector.broadcast %jit3A_392 : f32 to vector<16xf32>
      %select_n3A_395 = arith.select %eq3A_391, %broadcast_in_dim3A_393, %broadcast_in_dim3A_394 : vector<16xi1>, vector<16xf32>
      %add3A_396 = arith.addf %add3A_332, %select_n3A_395 : vector<16xf32>
      %add3A_397 = arith.constant 2 : i32
      %add3A_398 = arith.addi %mul3A_272, %add3A_397 : i32
      %broadcast_in_dim3A_399 = arith.constant 0.000000e+00 : f32
      %broadcast_in_dim3A_400 = vector.broadcast %broadcast_in_dim3A_399 : f32 to vector<16xf32>
      %get3A_401 = arith.index_cast %add3A_398 : i32 to index
      %get3A_402 = arith.constant 0 : index
      %get3A_403 = tpu.vector_load %arg8[%get3A_401, %get3A_402] {strides = array<i32>} : memref<512x64xf32, #tpu.memory_space<vmem>>, vector<16xf32>,
      %get3A_404 = arith.index_cast %add3A_398 : i32 to index
      %get3A_405 = arith.constant 0 : index
      %get3A_406 = tpu.vector_load %arg9[%get3A_404, %get3A_405] {strides = array<i32>} : memref<512x64xf32, #tpu.memory_space<vmem>>, vector<16xf32>,
      %mul3A_407 = arith.mulf %get3A_403, %get3A_406 : vector<16xf32>
      %get3A_408 = arith.index_cast %add3A_398 : i32 to index
      %get3A_409 = arith.constant 0 : index
      %get3A_410 = tpu.vector_load %arg10[%get3A_408, %get3A_409] {strides = array<i32>} : memref<512x64xf32, #tpu.memory_space<vmem>>, vector<16xf32>,
      %mul3A_411 = arith.mulf %mul3A_407, %get3A_410 : vector<16xf32>
      %add3A_412 = arith.addf %broadcast_in_dim3A_400, %mul3A_411 : vector<16xf32>
      %get3A_413 = arith.index_cast %add3A_398 : i32 to index
      %get3A_414 = arith.constant 16 : index
      %get3A_415 = tpu.vector_load %arg8[%get3A_413, %get3A_414] {strides = array<i32>} : memref<512x64xf32, #tpu.memory_space<vmem>>, vector<16xf32>,
      %get3A_416 = arith.index_cast %add3A_398 : i32 to index
      %get3A_417 = arith.constant 16 : index
      %get3A_418 = tpu.vector_load %arg9[%get3A_416, %get3A_417] {strides = array<i32>} : memref<512x64xf32, #tpu.memory_space<vmem>>, vector<16xf32>,
      %mul3A_419 = arith.mulf %get3A_415, %get3A_418 : vector<16xf32>
      %get3A_420 = arith.index_cast %add3A_398 : i32 to index
      %get3A_421 = arith.constant 16 : index
      %get3A_422 = tpu.vector_load %arg10[%get3A_420, %get3A_421] {strides = array<i32>} : memref<512x64xf32, #tpu.memory_space<vmem>>, vector<16xf32>,
      %mul3A_423 = arith.mulf %mul3A_419, %get3A_422 : vector<16xf32>
      %add3A_424 = arith.addf %add3A_412, %mul3A_423 : vector<16xf32>
      %get3A_425 = arith.index_cast %add3A_398 : i32 to index
      %get3A_426 = arith.constant 32 : index
      %get3A_427 = tpu.vector_load %arg8[%get3A_425, %get3A_426] {strides = array<i32>} : memref<512x64xf32, #tpu.memory_space<vmem>>, vector<16xf32>,
      %get3A_428 = arith.index_cast %add3A_398 : i32 to index
      %get3A_429 = arith.constant 32 : index
      %get3A_430 = tpu.vector_load %arg9[%get3A_428, %get3A_429] {strides = array<i32>} : memref<512x64xf32, #tpu.memory_space<vmem>>, vector<16xf32>,
      %mul3A_431 = arith.mulf %get3A_427, %get3A_430 : vector<16xf32>
      %get3A_432 = arith.index_cast %add3A_398 : i32 to index
      %get3A_433 = arith.constant 32 : index
      %get3A_434 = tpu.vector_load %arg10[%get3A_432, %get3A_433] {strides = array<i32>} : memref<512x64xf32, #tpu.memory_space<vmem>>, vector<16xf32>,
      %mul3A_435 = arith.mulf %mul3A_431, %get3A_434 : vector<16xf32>
      %add3A_436 = arith.addf %add3A_424, %mul3A_435 : vector<16xf32>
      %get3A_437 = arith.index_cast %add3A_398 : i32 to index
      %get3A_438 = arith.constant 48 : index
      %get3A_439 = tpu.vector_load %arg8[%get3A_437, %get3A_438] {strides = array<i32>} : memref<512x64xf32, #tpu.memory_space<vmem>>, vector<16xf32>,
      %get3A_440 = arith.index_cast %add3A_398 : i32 to index
      %get3A_441 = arith.constant 48 : index
      %get3A_442 = tpu.vector_load %arg9[%get3A_440, %get3A_441] {strides = array<i32>} : memref<512x64xf32, #tpu.memory_space<vmem>>, vector<16xf32>,
      %mul3A_443 = arith.mulf %get3A_439, %get3A_442 : vector<16xf32>
      %get3A_444 = arith.index_cast %add3A_398 : i32 to index
      %get3A_445 = arith.constant 48 : index
      %get3A_446 = tpu.vector_load %arg10[%get3A_444, %get3A_445] {strides = array<i32>} : memref<512x64xf32, #tpu.memory_space<vmem>>, vector<16xf32>,
      %mul3A_447 = arith.mulf %mul3A_443, %get3A_446 : vector<16xf32>
      %add3A_448 = arith.addf %add3A_436, %mul3A_447 : vector<16xf32>
      %reduce_sum3A_449 = arith.constant true
      %reduce_sum3A_450 = vector.broadcast %reduce_sum3A_449 : i1 to vector<16xi1>
      %reduce_sum3A_451 = tpu.scan <sum>, %add3A_448 masked %reduce_sum3A_450 : vector<16xf32>, vector<16xi1> -> vector<16xf32>
      %reduce_sum3A_452 = vector.extract %reduce_sum3A_451[15] : f32 from vector<16xf32>
      %eq3A_453 = arith.constant 2 : i32
      %eq3A_454 = vector.broadcast %eq3A_453 : i32 to vector<16xi32>
      %eq3A_455 = arith.cmpi eq, %iota3A, %eq3A_454 : vector<16xi32>
      %jit3A_456 = arith.constant 0.000000e+00 : f32
      %broadcast_in_dim3A_457 = vector.broadcast %reduce_sum3A_452 : f32 to vector<16xf32>
      %broadcast_in_dim3A_458 = vector.broadcast %jit3A_456 : f32 to vector<16xf32>
      %select_n3A_459 = arith.select %eq3A_455, %broadcast_in_dim3A_457, %broadcast_in_dim3A_458 : vector<16xi1>, vector<16xf32>
      %add3A_460 = arith.addf %add3A_396, %select_n3A_459 : vector<16xf32>
      %add3A_461 = arith.constant 3 : i32
      %add3A_462 = arith.addi %mul3A_272, %add3A_461 : i32
      %broadcast_in_dim3A_463 = arith.constant 0.000000e+00 : f32
      %broadcast_in_dim3A_464 = vector.broadcast %broadcast_in_dim3A_463 : f32 to vector<16xf32>
      %get3A_465 = arith.index_cast %add3A_462 : i32 to index
      %get3A_466 = arith.constant 0 : index
      %get3A_467 = tpu.vector_load %arg8[%get3A_465, %get3A_466] {strides = array<i32>} : memref<512x64xf32, #tpu.memory_space<vmem>>, vector<16xf32>,
      %get3A_468 = arith.index_cast %add3A_462 : i32 to index
      %get3A_469 = arith.constant 0 : index
      %get3A_470 = tpu.vector_load %arg9[%get3A_468, %get3A_469] {strides = array<i32>} : memref<512x64xf32, #tpu.memory_space<vmem>>, vector<16xf32>,
      %mul3A_471 = arith.mulf %get3A_467, %get3A_470 : vector<16xf32>
      %get3A_472 = arith.index_cast %add3A_462 : i32 to index
      %get3A_473 = arith.constant 0 : index
      %get3A_474 = tpu.vector_load %arg10[%get3A_472, %get3A_473] {strides = array<i32>} : memref<512x64xf32, #tpu.memory_space<vmem>>, vector<16xf32>,
      %mul3A_475 = arith.mulf %mul3A_471, %get3A_474 : vector<16xf32>
      %add3A_476 = arith.addf %broadcast_in_dim3A_464, %mul3A_475 : vector<16xf32>
      %get3A_477 = arith.index_cast %add3A_462 : i32 to index
      %get3A_478 = arith.constant 16 : index
      %get3A_479 = tpu.vector_load %arg8[%get3A_477, %get3A_478] {strides = array<i32>} : memref<512x64xf32, #tpu.memory_space<vmem>>, vector<16xf32>,
      %get3A_480 = arith.index_cast %add3A_462 : i32 to index
      %get3A_481 = arith.constant 16 : index
      %get3A_482 = tpu.vector_load %arg9[%get3A_480, %get3A_481] {strides = array<i32>} : memref<512x64xf32, #tpu.memory_space<vmem>>, vector<16xf32>,
      %mul3A_483 = arith.mulf %get3A_479, %get3A_482 : vector<16xf32>
      %get3A_484 = arith.index_cast %add3A_462 : i32 to index
      %get3A_485 = arith.constant 16 : index
      %get3A_486 = tpu.vector_load %arg10[%get3A_484, %get3A_485] {strides = array<i32>} : memref<512x64xf32, #tpu.memory_space<vmem>>, vector<16xf32>,
      %mul3A_487 = arith.mulf %mul3A_483, %get3A_486 : vector<16xf32>
      %add3A_488 = arith.addf %add3A_476, %mul3A_487 : vector<16xf32>
      %get3A_489 = arith.index_cast %add3A_462 : i32 to index
      %get3A_490 = arith.constant 32 : index
      %get3A_491 = tpu.vector_load %arg8[%get3A_489, %get3A_490] {strides = array<i32>} : memref<512x64xf32, #tpu.memory_space<vmem>>, vector<16xf32>,
      %get3A_492 = arith.index_cast %add3A_462 : i32 to index
      %get3A_493 = arith.constant 32 : index
      %get3A_494 = tpu.vector_load %arg9[%get3A_492, %get3A_493] {strides = array<i32>} : memref<512x64xf32, #tpu.memory_space<vmem>>, vector<16xf32>,
      %mul3A_495 = arith.mulf %get3A_491, %get3A_494 : vector<16xf32>
      %get3A_496 = arith.index_cast %add3A_462 : i32 to index
      %get3A_497 = arith.constant 32 : index
      %get3A_498 = tpu.vector_load %arg10[%get3A_496, %get3A_497] {strides = array<i32>} : memref<512x64xf32, #tpu.memory_space<vmem>>, vector<16xf32>,
      %mul3A_499 = arith.mulf %mul3A_495, %get3A_498 : vector<16xf32>
      %add3A_500 = arith.addf %add3A_488, %mul3A_499 : vector<16xf32>
      %get3A_501 = arith.index_cast %add3A_462 : i32 to index
      %get3A_502 = arith.constant 48 : index
      %get3A_503 = tpu.vector_load %arg8[%get3A_501, %get3A_502] {strides = array<i32>} : memref<512x64xf32, #tpu.memory_space<vmem>>, vector<16xf32>,
      %get3A_504 = arith.index_cast %add3A_462 : i32 to index
      %get3A_505 = arith.constant 48 : index
      %get3A_506 = tpu.vector_load %arg9[%get3A_504, %get3A_505] {strides = array<i32>} : memref<512x64xf32, #tpu.memory_space<vmem>>, vector<16xf32>,
      %mul3A_507 = arith.mulf %get3A_503, %get3A_506 : vector<16xf32>
      %get3A_508 = arith.index_cast %add3A_462 : i32 to index
      %get3A_509 = arith.constant 48 : index
      %get3A_510 = tpu.vector_load %arg10[%get3A_508, %get3A_509] {strides = array<i32>} : memref<512x64xf32, #tpu.memory_space<vmem>>, vector<16xf32>,
      %mul3A_511 = arith.mulf %mul3A_507, %get3A_510 : vector<16xf32>
      %add3A_512 = arith.addf %add3A_500, %mul3A_511 : vector<16xf32>
      %reduce_sum3A_513 = arith.constant true
      %reduce_sum3A_514 = vector.broadcast %reduce_sum3A_513 : i1 to vector<16xi1>
      %reduce_sum3A_515 = tpu.scan <sum>, %add3A_512 masked %reduce_sum3A_514 : vector<16xf32>, vector<16xi1> -> vector<16xf32>
      %reduce_sum3A_516 = vector.extract %reduce_sum3A_515[15] : f32 from vector<16xf32>
      %eq3A_517 = arith.constant 3 : i32
      %eq3A_518 = vector.broadcast %eq3A_517 : i32 to vector<16xi32>
      %eq3A_519 = arith.cmpi eq, %iota3A, %eq3A_518 : vector<16xi32>
      %jit3A_520 = arith.constant 0.000000e+00 : f32
      %broadcast_in_dim3A_521 = vector.broadcast %reduce_sum3A_516 : f32 to vector<16xf32>
      %broadcast_in_dim3A_522 = vector.broadcast %jit3A_520 : f32 to vector<16xf32>
      %select_n3A_523 = arith.select %eq3A_519, %broadcast_in_dim3A_521, %broadcast_in_dim3A_522 : vector<16xi1>, vector<16xf32>
      %add3A_524 = arith.addf %add3A_460, %select_n3A_523 : vector<16xf32>
      %add3A_525 = arith.constant 4 : i32
      %add3A_526 = arith.addi %mul3A_272, %add3A_525 : i32
      %broadcast_in_dim3A_527 = arith.constant 0.000000e+00 : f32
      %broadcast_in_dim3A_528 = vector.broadcast %broadcast_in_dim3A_527 : f32 to vector<16xf32>
      %get3A_529 = arith.index_cast %add3A_526 : i32 to index
      %get3A_530 = arith.constant 0 : index
      %get3A_531 = tpu.vector_load %arg8[%get3A_529, %get3A_530] {strides = array<i32>} : memref<512x64xf32, #tpu.memory_space<vmem>>, vector<16xf32>,
      %get3A_532 = arith.index_cast %add3A_526 : i32 to index
      %get3A_533 = arith.constant 0 : index
      %get3A_534 = tpu.vector_load %arg9[%get3A_532, %get3A_533] {strides = array<i32>} : memref<512x64xf32, #tpu.memory_space<vmem>>, vector<16xf32>,
      %mul3A_535 = arith.mulf %get3A_531, %get3A_534 : vector<16xf32>
      %get3A_536 = arith.index_cast %add3A_526 : i32 to index
      %get3A_537 = arith.constant 0 : index
      %get3A_538 = tpu.vector_load %arg10[%get3A_536, %get3A_537] {strides = array<i32>} : memref<512x64xf32, #tpu.memory_space<vmem>>, vector<16xf32>,
      %mul3A_539 = arith.mulf %mul3A_535, %get3A_538 : vector<16xf32>
      %add3A_540 = arith.addf %broadcast_in_dim3A_528, %mul3A_539 : vector<16xf32>
      %get3A_541 = arith.index_cast %add3A_526 : i32 to index
      %get3A_542 = arith.constant 16 : index
      %get3A_543 = tpu.vector_load %arg8[%get3A_541, %get3A_542] {strides = array<i32>} : memref<512x64xf32, #tpu.memory_space<vmem>>, vector<16xf32>,
      %get3A_544 = arith.index_cast %add3A_526 : i32 to index
      %get3A_545 = arith.constant 16 : index
      %get3A_546 = tpu.vector_load %arg9[%get3A_544, %get3A_545] {strides = array<i32>} : memref<512x64xf32, #tpu.memory_space<vmem>>, vector<16xf32>,
      %mul3A_547 = arith.mulf %get3A_543, %get3A_546 : vector<16xf32>
      %get3A_548 = arith.index_cast %add3A_526 : i32 to index
      %get3A_549 = arith.constant 16 : index
      %get3A_550 = tpu.vector_load %arg10[%get3A_548, %get3A_549] {strides = array<i32>} : memref<512x64xf32, #tpu.memory_space<vmem>>, vector<16xf32>,
      %mul3A_551 = arith.mulf %mul3A_547, %get3A_550 : vector<16xf32>
      %add3A_552 = arith.addf %add3A_540, %mul3A_551 : vector<16xf32>
      %get3A_553 = arith.index_cast %add3A_526 : i32 to index
      %get3A_554 = arith.constant 32 : index
      %get3A_555 = tpu.vector_load %arg8[%get3A_553, %get3A_554] {strides = array<i32>} : memref<512x64xf32, #tpu.memory_space<vmem>>, vector<16xf32>,
      %get3A_556 = arith.index_cast %add3A_526 : i32 to index
      %get3A_557 = arith.constant 32 : index
      %get3A_558 = tpu.vector_load %arg9[%get3A_556, %get3A_557] {strides = array<i32>} : memref<512x64xf32, #tpu.memory_space<vmem>>, vector<16xf32>,
      %mul3A_559 = arith.mulf %get3A_555, %get3A_558 : vector<16xf32>
      %get3A_560 = arith.index_cast %add3A_526 : i32 to index
      %get3A_561 = arith.constant 32 : index
      %get3A_562 = tpu.vector_load %arg10[%get3A_560, %get3A_561] {strides = array<i32>} : memref<512x64xf32, #tpu.memory_space<vmem>>, vector<16xf32>,
      %mul3A_563 = arith.mulf %mul3A_559, %get3A_562 : vector<16xf32>
      %add3A_564 = arith.addf %add3A_552, %mul3A_563 : vector<16xf32>
      %get3A_565 = arith.index_cast %add3A_526 : i32 to index
      %get3A_566 = arith.constant 48 : index
      %get3A_567 = tpu.vector_load %arg8[%get3A_565, %get3A_566] {strides = array<i32>} : memref<512x64xf32, #tpu.memory_space<vmem>>, vector<16xf32>,
      %get3A_568 = arith.index_cast %add3A_526 : i32 to index
      %get3A_569 = arith.constant 48 : index
      %get3A_570 = tpu.vector_load %arg9[%get3A_568, %get3A_569] {strides = array<i32>} : memref<512x64xf32, #tpu.memory_space<vmem>>, vector<16xf32>,
      %mul3A_571 = arith.mulf %get3A_567, %get3A_570 : vector<16xf32>
      %get3A_572 = arith.index_cast %add3A_526 : i32 to index
      %get3A_573 = arith.constant 48 : index
      %get3A_574 = tpu.vector_load %arg10[%get3A_572, %get3A_573] {strides = array<i32>} : memref<512x64xf32, #tpu.memory_space<vmem>>, vector<16xf32>,
      %mul3A_575 = arith.mulf %mul3A_571, %get3A_574 : vector<16xf32>
      %add3A_576 = arith.addf %add3A_564, %mul3A_575 : vector<16xf32>
      %reduce_sum3A_577 = arith.constant true
      %reduce_sum3A_578 = vector.broadcast %reduce_sum3A_577 : i1 to vector<16xi1>
      %reduce_sum3A_579 = tpu.scan <sum>, %add3A_576 masked %reduce_sum3A_578 : vector<16xf32>, vector<16xi1> -> vector<16xf32>
      %reduce_sum3A_580 = vector.extract %reduce_sum3A_579[15] : f32 from vector<16xf32>
      %eq3A_581 = arith.constant 4 : i32
      %eq3A_582 = vector.broadcast %eq3A_581 : i32 to vector<16xi32>
      %eq3A_583 = arith.cmpi eq, %iota3A, %eq3A_582 : vector<16xi32>
      %jit3A_584 = arith.constant 0.000000e+00 : f32
      %broadcast_in_dim3A_585 = vector.broadcast %reduce_sum3A_580 : f32 to vector<16xf32>
      %broadcast_in_dim3A_586 = vector.broadcast %jit3A_584 : f32 to vector<16xf32>
      %select_n3A_587 = arith.select %eq3A_583, %broadcast_in_dim3A_585, %broadcast_in_dim3A_586 : vector<16xi1>, vector<16xf32>
      %add3A_588 = arith.addf %add3A_524, %select_n3A_587 : vector<16xf32>
      %add3A_589 = arith.constant 5 : i32
      %add3A_590 = arith.addi %mul3A_272, %add3A_589 : i32
      %broadcast_in_dim3A_591 = arith.constant 0.000000e+00 : f32
      %broadcast_in_dim3A_592 = vector.broadcast %broadcast_in_dim3A_591 : f32 to vector<16xf32>
      %get3A_593 = arith.index_cast %add3A_590 : i32 to index
      %get3A_594 = arith.constant 0 : index
      %get3A_595 = tpu.vector_load %arg8[%get3A_593, %get3A_594] {strides = array<i32>} : memref<512x64xf32, #tpu.memory_space<vmem>>, vector<16xf32>,
      %get3A_596 = arith.index_cast %add3A_590 : i32 to index
      %get3A_597 = arith.constant 0 : index
      %get3A_598 = tpu.vector_load %arg9[%get3A_596, %get3A_597] {strides = array<i32>} : memref<512x64xf32, #tpu.memory_space<vmem>>, vector<16xf32>,
      %mul3A_599 = arith.mulf %get3A_595, %get3A_598 : vector<16xf32>
      %get3A_600 = arith.index_cast %add3A_590 : i32 to index
      %get3A_601 = arith.constant 0 : index
      %get3A_602 = tpu.vector_load %arg10[%get3A_600, %get3A_601] {strides = array<i32>} : memref<512x64xf32, #tpu.memory_space<vmem>>, vector<16xf32>,
      %mul3A_603 = arith.mulf %mul3A_599, %get3A_602 : vector<16xf32>
      %add3A_604 = arith.addf %broadcast_in_dim3A_592, %mul3A_603 : vector<16xf32>
      %get3A_605 = arith.index_cast %add3A_590 : i32 to index
      %get3A_606 = arith.constant 16 : index
      %get3A_607 = tpu.vector_load %arg8[%get3A_605, %get3A_606] {strides = array<i32>} : memref<512x64xf32, #tpu.memory_space<vmem>>, vector<16xf32>,
      %get3A_608 = arith.index_cast %add3A_590 : i32 to index
      %get3A_609 = arith.constant 16 : index
      %get3A_610 = tpu.vector_load %arg9[%get3A_608, %get3A_609] {strides = array<i32>} : memref<512x64xf32, #tpu.memory_space<vmem>>, vector<16xf32>,
      %mul3A_611 = arith.mulf %get3A_607, %get3A_610 : vector<16xf32>
      %get3A_612 = arith.index_cast %add3A_590 : i32 to index
      %get3A_613 = arith.constant 16 : index
      %get3A_614 = tpu.vector_load %arg10[%get3A_612, %get3A_613] {strides = array<i32>} : memref<512x64xf32, #tpu.memory_space<vmem>>, vector<16xf32>,
      %mul3A_615 = arith.mulf %mul3A_611, %get3A_614 : vector<16xf32>
      %add3A_616 = arith.addf %add3A_604, %mul3A_615 : vector<16xf32>
      %get3A_617 = arith.index_cast %add3A_590 : i32 to index
      %get3A_618 = arith.constant 32 : index
      %get3A_619 = tpu.vector_load %arg8[%get3A_617, %get3A_618] {strides = array<i32>} : memref<512x64xf32, #tpu.memory_space<vmem>>, vector<16xf32>,
      %get3A_620 = arith.index_cast %add3A_590 : i32 to index
      %get3A_621 = arith.constant 32 : index
      %get3A_622 = tpu.vector_load %arg9[%get3A_620, %get3A_621] {strides = array<i32>} : memref<512x64xf32, #tpu.memory_space<vmem>>, vector<16xf32>,
      %mul3A_623 = arith.mulf %get3A_619, %get3A_622 : vector<16xf32>
      %get3A_624 = arith.index_cast %add3A_590 : i32 to index
      %get3A_625 = arith.constant 32 : index
      %get3A_626 = tpu.vector_load %arg10[%get3A_624, %get3A_625] {strides = array<i32>} : memref<512x64xf32, #tpu.memory_space<vmem>>, vector<16xf32>,
      %mul3A_627 = arith.mulf %mul3A_623, %get3A_626 : vector<16xf32>
      %add3A_628 = arith.addf %add3A_616, %mul3A_627 : vector<16xf32>
      %get3A_629 = arith.index_cast %add3A_590 : i32 to index
      %get3A_630 = arith.constant 48 : index
      %get3A_631 = tpu.vector_load %arg8[%get3A_629, %get3A_630] {strides = array<i32>} : memref<512x64xf32, #tpu.memory_space<vmem>>, vector<16xf32>,
      %get3A_632 = arith.index_cast %add3A_590 : i32 to index
      %get3A_633 = arith.constant 48 : index
      %get3A_634 = tpu.vector_load %arg9[%get3A_632, %get3A_633] {strides = array<i32>} : memref<512x64xf32, #tpu.memory_space<vmem>>, vector<16xf32>,
      %mul3A_635 = arith.mulf %get3A_631, %get3A_634 : vector<16xf32>
      %get3A_636 = arith.index_cast %add3A_590 : i32 to index
      %get3A_637 = arith.constant 48 : index
      %get3A_638 = tpu.vector_load %arg10[%get3A_636, %get3A_637] {strides = array<i32>} : memref<512x64xf32, #tpu.memory_space<vmem>>, vector<16xf32>,
      %mul3A_639 = arith.mulf %mul3A_635, %get3A_638 : vector<16xf32>
      %add3A_640 = arith.addf %add3A_628, %mul3A_639 : vector<16xf32>
      %reduce_sum3A_641 = arith.constant true
      %reduce_sum3A_642 = vector.broadcast %reduce_sum3A_641 : i1 to vector<16xi1>
      %reduce_sum3A_643 = tpu.scan <sum>, %add3A_640 masked %reduce_sum3A_642 : vector<16xf32>, vector<16xi1> -> vector<16xf32>
      %reduce_sum3A_644 = vector.extract %reduce_sum3A_643[15] : f32 from vector<16xf32>
      %eq3A_645 = arith.constant 5 : i32
      %eq3A_646 = vector.broadcast %eq3A_645 : i32 to vector<16xi32>
      %eq3A_647 = arith.cmpi eq, %iota3A, %eq3A_646 : vector<16xi32>
      %jit3A_648 = arith.constant 0.000000e+00 : f32
      %broadcast_in_dim3A_649 = vector.broadcast %reduce_sum3A_644 : f32 to vector<16xf32>
      %broadcast_in_dim3A_650 = vector.broadcast %jit3A_648 : f32 to vector<16xf32>
      %select_n3A_651 = arith.select %eq3A_647, %broadcast_in_dim3A_649, %broadcast_in_dim3A_650 : vector<16xi1>, vector<16xf32>
      %add3A_652 = arith.addf %add3A_588, %select_n3A_651 : vector<16xf32>
      %add3A_653 = arith.constant 6 : i32
      %add3A_654 = arith.addi %mul3A_272, %add3A_653 : i32
      %broadcast_in_dim3A_655 = arith.constant 0.000000e+00 : f32
      %broadcast_in_dim3A_656 = vector.broadcast %broadcast_in_dim3A_655 : f32 to vector<16xf32>
      %get3A_657 = arith.index_cast %add3A_654 : i32 to index
      %get3A_658 = arith.constant 0 : index
      %get3A_659 = tpu.vector_load %arg8[%get3A_657, %get3A_658] {strides = array<i32>} : memref<512x64xf32, #tpu.memory_space<vmem>>, vector<16xf32>,
      %get3A_660 = arith.index_cast %add3A_654 : i32 to index
      %get3A_661 = arith.constant 0 : index
      %get3A_662 = tpu.vector_load %arg9[%get3A_660, %get3A_661] {strides = array<i32>} : memref<512x64xf32, #tpu.memory_space<vmem>>, vector<16xf32>,
      %mul3A_663 = arith.mulf %get3A_659, %get3A_662 : vector<16xf32>
      %get3A_664 = arith.index_cast %add3A_654 : i32 to index
      %get3A_665 = arith.constant 0 : index
      %get3A_666 = tpu.vector_load %arg10[%get3A_664, %get3A_665] {strides = array<i32>} : memref<512x64xf32, #tpu.memory_space<vmem>>, vector<16xf32>,
      %mul3A_667 = arith.mulf %mul3A_663, %get3A_666 : vector<16xf32>
      %add3A_668 = arith.addf %broadcast_in_dim3A_656, %mul3A_667 : vector<16xf32>
      %get3A_669 = arith.index_cast %add3A_654 : i32 to index
      %get3A_670 = arith.constant 16 : index
      %get3A_671 = tpu.vector_load %arg8[%get3A_669, %get3A_670] {strides = array<i32>} : memref<512x64xf32, #tpu.memory_space<vmem>>, vector<16xf32>,
      %get3A_672 = arith.index_cast %add3A_654 : i32 to index
      %get3A_673 = arith.constant 16 : index
      %get3A_674 = tpu.vector_load %arg9[%get3A_672, %get3A_673] {strides = array<i32>} : memref<512x64xf32, #tpu.memory_space<vmem>>, vector<16xf32>,
      %mul3A_675 = arith.mulf %get3A_671, %get3A_674 : vector<16xf32>
      %get3A_676 = arith.index_cast %add3A_654 : i32 to index
      %get3A_677 = arith.constant 16 : index
      %get3A_678 = tpu.vector_load %arg10[%get3A_676, %get3A_677] {strides = array<i32>} : memref<512x64xf32, #tpu.memory_space<vmem>>, vector<16xf32>,
      %mul3A_679 = arith.mulf %mul3A_675, %get3A_678 : vector<16xf32>
      %add3A_680 = arith.addf %add3A_668, %mul3A_679 : vector<16xf32>
      %get3A_681 = arith.index_cast %add3A_654 : i32 to index
      %get3A_682 = arith.constant 32 : index
      %get3A_683 = tpu.vector_load %arg8[%get3A_681, %get3A_682] {strides = array<i32>} : memref<512x64xf32, #tpu.memory_space<vmem>>, vector<16xf32>,
      %get3A_684 = arith.index_cast %add3A_654 : i32 to index
      %get3A_685 = arith.constant 32 : index
      %get3A_686 = tpu.vector_load %arg9[%get3A_684, %get3A_685] {strides = array<i32>} : memref<512x64xf32, #tpu.memory_space<vmem>>, vector<16xf32>,
      %mul3A_687 = arith.mulf %get3A_683, %get3A_686 : vector<16xf32>
      %get3A_688 = arith.index_cast %add3A_654 : i32 to index
      %get3A_689 = arith.constant 32 : index
      %get3A_690 = tpu.vector_load %arg10[%get3A_688, %get3A_689] {strides = array<i32>} : memref<512x64xf32, #tpu.memory_space<vmem>>, vector<16xf32>,
      %mul3A_691 = arith.mulf %mul3A_687, %get3A_690 : vector<16xf32>
      %add3A_692 = arith.addf %add3A_680, %mul3A_691 : vector<16xf32>
      %get3A_693 = arith.index_cast %add3A_654 : i32 to index
      %get3A_694 = arith.constant 48 : index
      %get3A_695 = tpu.vector_load %arg8[%get3A_693, %get3A_694] {strides = array<i32>} : memref<512x64xf32, #tpu.memory_space<vmem>>, vector<16xf32>,
      %get3A_696 = arith.index_cast %add3A_654 : i32 to index
      %get3A_697 = arith.constant 48 : index
      %get3A_698 = tpu.vector_load %arg9[%get3A_696, %get3A_697] {strides = array<i32>} : memref<512x64xf32, #tpu.memory_space<vmem>>, vector<16xf32>,
      %mul3A_699 = arith.mulf %get3A_695, %get3A_698 : vector<16xf32>
      %get3A_700 = arith.index_cast %add3A_654 : i32 to index
      %get3A_701 = arith.constant 48 : index
      %get3A_702 = tpu.vector_load %arg10[%get3A_700, %get3A_701] {strides = array<i32>} : memref<512x64xf32, #tpu.memory_space<vmem>>, vector<16xf32>,
      %mul3A_703 = arith.mulf %mul3A_699, %get3A_702 : vector<16xf32>
      %add3A_704 = arith.addf %add3A_692, %mul3A_703 : vector<16xf32>
      %reduce_sum3A_705 = arith.constant true
      %reduce_sum3A_706 = vector.broadcast %reduce_sum3A_705 : i1 to vector<16xi1>
      %reduce_sum3A_707 = tpu.scan <sum>, %add3A_704 masked %reduce_sum3A_706 : vector<16xf32>, vector<16xi1> -> vector<16xf32>
      %reduce_sum3A_708 = vector.extract %reduce_sum3A_707[15] : f32 from vector<16xf32>
      %eq3A_709 = arith.constant 6 : i32
      %eq3A_710 = vector.broadcast %eq3A_709 : i32 to vector<16xi32>
      %eq3A_711 = arith.cmpi eq, %iota3A, %eq3A_710 : vector<16xi32>
      %jit3A_712 = arith.constant 0.000000e+00 : f32
      %broadcast_in_dim3A_713 = vector.broadcast %reduce_sum3A_708 : f32 to vector<16xf32>
      %broadcast_in_dim3A_714 = vector.broadcast %jit3A_712 : f32 to vector<16xf32>
      %select_n3A_715 = arith.select %eq3A_711, %broadcast_in_dim3A_713, %broadcast_in_dim3A_714 : vector<16xi1>, vector<16xf32>
      %add3A_716 = arith.addf %add3A_652, %select_n3A_715 : vector<16xf32>
      %add3A_717 = arith.constant 7 : i32
      %add3A_718 = arith.addi %mul3A_272, %add3A_717 : i32
      %broadcast_in_dim3A_719 = arith.constant 0.000000e+00 : f32
      %broadcast_in_dim3A_720 = vector.broadcast %broadcast_in_dim3A_719 : f32 to vector<16xf32>
      %get3A_721 = arith.index_cast %add3A_718 : i32 to index
      %get3A_722 = arith.constant 0 : index
      %get3A_723 = tpu.vector_load %arg8[%get3A_721, %get3A_722] {strides = array<i32>} : memref<512x64xf32, #tpu.memory_space<vmem>>, vector<16xf32>,
      %get3A_724 = arith.index_cast %add3A_718 : i32 to index
      %get3A_725 = arith.constant 0 : index
      %get3A_726 = tpu.vector_load %arg9[%get3A_724, %get3A_725] {strides = array<i32>} : memref<512x64xf32, #tpu.memory_space<vmem>>, vector<16xf32>,
      %mul3A_727 = arith.mulf %get3A_723, %get3A_726 : vector<16xf32>
      %get3A_728 = arith.index_cast %add3A_718 : i32 to index
      %get3A_729 = arith.constant 0 : index
      %get3A_730 = tpu.vector_load %arg10[%get3A_728, %get3A_729] {strides = array<i32>} : memref<512x64xf32, #tpu.memory_space<vmem>>, vector<16xf32>,
      %mul3A_731 = arith.mulf %mul3A_727, %get3A_730 : vector<16xf32>
      %add3A_732 = arith.addf %broadcast_in_dim3A_720, %mul3A_731 : vector<16xf32>
      %get3A_733 = arith.index_cast %add3A_718 : i32 to index
      %get3A_734 = arith.constant 16 : index
      %get3A_735 = tpu.vector_load %arg8[%get3A_733, %get3A_734] {strides = array<i32>} : memref<512x64xf32, #tpu.memory_space<vmem>>, vector<16xf32>,
      %get3A_736 = arith.index_cast %add3A_718 : i32 to index
      %get3A_737 = arith.constant 16 : index
      %get3A_738 = tpu.vector_load %arg9[%get3A_736, %get3A_737] {strides = array<i32>} : memref<512x64xf32, #tpu.memory_space<vmem>>, vector<16xf32>,
      %mul3A_739 = arith.mulf %get3A_735, %get3A_738 : vector<16xf32>
      %get3A_740 = arith.index_cast %add3A_718 : i32 to index
      %get3A_741 = arith.constant 16 : index
      %get3A_742 = tpu.vector_load %arg10[%get3A_740, %get3A_741] {strides = array<i32>} : memref<512x64xf32, #tpu.memory_space<vmem>>, vector<16xf32>,
      %mul3A_743 = arith.mulf %mul3A_739, %get3A_742 : vector<16xf32>
      %add3A_744 = arith.addf %add3A_732, %mul3A_743 : vector<16xf32>
      %get3A_745 = arith.index_cast %add3A_718 : i32 to index
      %get3A_746 = arith.constant 32 : index
      %get3A_747 = tpu.vector_load %arg8[%get3A_745, %get3A_746] {strides = array<i32>} : memref<512x64xf32, #tpu.memory_space<vmem>>, vector<16xf32>,
      %get3A_748 = arith.index_cast %add3A_718 : i32 to index
      %get3A_749 = arith.constant 32 : index
      %get3A_750 = tpu.vector_load %arg9[%get3A_748, %get3A_749] {strides = array<i32>} : memref<512x64xf32, #tpu.memory_space<vmem>>, vector<16xf32>,
      %mul3A_751 = arith.mulf %get3A_747, %get3A_750 : vector<16xf32>
      %get3A_752 = arith.index_cast %add3A_718 : i32 to index
      %get3A_753 = arith.constant 32 : index
      %get3A_754 = tpu.vector_load %arg10[%get3A_752, %get3A_753] {strides = array<i32>} : memref<512x64xf32, #tpu.memory_space<vmem>>, vector<16xf32>,
      %mul3A_755 = arith.mulf %mul3A_751, %get3A_754 : vector<16xf32>
      %add3A_756 = arith.addf %add3A_744, %mul3A_755 : vector<16xf32>
      %get3A_757 = arith.index_cast %add3A_718 : i32 to index
      %get3A_758 = arith.constant 48 : index
      %get3A_759 = tpu.vector_load %arg8[%get3A_757, %get3A_758] {strides = array<i32>} : memref<512x64xf32, #tpu.memory_space<vmem>>, vector<16xf32>,
      %get3A_760 = arith.index_cast %add3A_718 : i32 to index
      %get3A_761 = arith.constant 48 : index
      %get3A_762 = tpu.vector_load %arg9[%get3A_760, %get3A_761] {strides = array<i32>} : memref<512x64xf32, #tpu.memory_space<vmem>>, vector<16xf32>,
      %mul3A_763 = arith.mulf %get3A_759, %get3A_762 : vector<16xf32>
      %get3A_764 = arith.index_cast %add3A_718 : i32 to index
      %get3A_765 = arith.constant 48 : index
      %get3A_766 = tpu.vector_load %arg10[%get3A_764, %get3A_765] {strides = array<i32>} : memref<512x64xf32, #tpu.memory_space<vmem>>, vector<16xf32>,
      %mul3A_767 = arith.mulf %mul3A_763, %get3A_766 : vector<16xf32>
      %add3A_768 = arith.addf %add3A_756, %mul3A_767 : vector<16xf32>
      %reduce_sum3A_769 = arith.constant true
      %reduce_sum3A_770 = vector.broadcast %reduce_sum3A_769 : i1 to vector<16xi1>
      %reduce_sum3A_771 = tpu.scan <sum>, %add3A_768 masked %reduce_sum3A_770 : vector<16xf32>, vector<16xi1> -> vector<16xf32>
      %reduce_sum3A_772 = vector.extract %reduce_sum3A_771[15] : f32 from vector<16xf32>
      %eq3A_773 = arith.constant 7 : i32
      %eq3A_774 = vector.broadcast %eq3A_773 : i32 to vector<16xi32>
      %eq3A_775 = arith.cmpi eq, %iota3A, %eq3A_774 : vector<16xi32>
      %jit3A_776 = arith.constant 0.000000e+00 : f32
      %broadcast_in_dim3A_777 = vector.broadcast %reduce_sum3A_772 : f32 to vector<16xf32>
      %broadcast_in_dim3A_778 = vector.broadcast %jit3A_776 : f32 to vector<16xf32>
      %select_n3A_779 = arith.select %eq3A_775, %broadcast_in_dim3A_777, %broadcast_in_dim3A_778 : vector<16xi1>, vector<16xf32>
      %add3A_780 = arith.addf %add3A_716, %select_n3A_779 : vector<16xf32>
      %add3A_781 = arith.constant 8 : i32
      %add3A_782 = arith.addi %mul3A_272, %add3A_781 : i32
      %broadcast_in_dim3A_783 = arith.constant 0.000000e+00 : f32
      %broadcast_in_dim3A_784 = vector.broadcast %broadcast_in_dim3A_783 : f32 to vector<16xf32>
      %get3A_785 = arith.index_cast %add3A_782 : i32 to index
      %get3A_786 = arith.constant 0 : index
      %get3A_787 = tpu.vector_load %arg8[%get3A_785, %get3A_786] {strides = array<i32>} : memref<512x64xf32, #tpu.memory_space<vmem>>, vector<16xf32>,
      %get3A_788 = arith.index_cast %add3A_782 : i32 to index
      %get3A_789 = arith.constant 0 : index
      %get3A_790 = tpu.vector_load %arg9[%get3A_788, %get3A_789] {strides = array<i32>} : memref<512x64xf32, #tpu.memory_space<vmem>>, vector<16xf32>,
      %mul3A_791 = arith.mulf %get3A_787, %get3A_790 : vector<16xf32>
      %get3A_792 = arith.index_cast %add3A_782 : i32 to index
      %get3A_793 = arith.constant 0 : index
      %get3A_794 = tpu.vector_load %arg10[%get3A_792, %get3A_793] {strides = array<i32>} : memref<512x64xf32, #tpu.memory_space<vmem>>, vector<16xf32>,
      %mul3A_795 = arith.mulf %mul3A_791, %get3A_794 : vector<16xf32>
      %add3A_796 = arith.addf %broadcast_in_dim3A_784, %mul3A_795 : vector<16xf32>
      %get3A_797 = arith.index_cast %add3A_782 : i32 to index
      %get3A_798 = arith.constant 16 : index
      %get3A_799 = tpu.vector_load %arg8[%get3A_797, %get3A_798] {strides = array<i32>} : memref<512x64xf32, #tpu.memory_space<vmem>>, vector<16xf32>,
      %get3A_800 = arith.index_cast %add3A_782 : i32 to index
      %get3A_801 = arith.constant 16 : index
      %get3A_802 = tpu.vector_load %arg9[%get3A_800, %get3A_801] {strides = array<i32>} : memref<512x64xf32, #tpu.memory_space<vmem>>, vector<16xf32>,
      %mul3A_803 = arith.mulf %get3A_799, %get3A_802 : vector<16xf32>
      %get3A_804 = arith.index_cast %add3A_782 : i32 to index
      %get3A_805 = arith.constant 16 : index
      %get3A_806 = tpu.vector_load %arg10[%get3A_804, %get3A_805] {strides = array<i32>} : memref<512x64xf32, #tpu.memory_space<vmem>>, vector<16xf32>,
      %mul3A_807 = arith.mulf %mul3A_803, %get3A_806 : vector<16xf32>
      %add3A_808 = arith.addf %add3A_796, %mul3A_807 : vector<16xf32>
      %get3A_809 = arith.index_cast %add3A_782 : i32 to index
      %get3A_810 = arith.constant 32 : index
      %get3A_811 = tpu.vector_load %arg8[%get3A_809, %get3A_810] {strides = array<i32>} : memref<512x64xf32, #tpu.memory_space<vmem>>, vector<16xf32>,
      %get3A_812 = arith.index_cast %add3A_782 : i32 to index
      %get3A_813 = arith.constant 32 : index
      %get3A_814 = tpu.vector_load %arg9[%get3A_812, %get3A_813] {strides = array<i32>} : memref<512x64xf32, #tpu.memory_space<vmem>>, vector<16xf32>,
      %mul3A_815 = arith.mulf %get3A_811, %get3A_814 : vector<16xf32>
      %get3A_816 = arith.index_cast %add3A_782 : i32 to index
      %get3A_817 = arith.constant 32 : index
      %get3A_818 = tpu.vector_load %arg10[%get3A_816, %get3A_817] {strides = array<i32>} : memref<512x64xf32, #tpu.memory_space<vmem>>, vector<16xf32>,
      %mul3A_819 = arith.mulf %mul3A_815, %get3A_818 : vector<16xf32>
      %add3A_820 = arith.addf %add3A_808, %mul3A_819 : vector<16xf32>
      %get3A_821 = arith.index_cast %add3A_782 : i32 to index
      %get3A_822 = arith.constant 48 : index
      %get3A_823 = tpu.vector_load %arg8[%get3A_821, %get3A_822] {strides = array<i32>} : memref<512x64xf32, #tpu.memory_space<vmem>>, vector<16xf32>,
      %get3A_824 = arith.index_cast %add3A_782 : i32 to index
      %get3A_825 = arith.constant 48 : index
      %get3A_826 = tpu.vector_load %arg9[%get3A_824, %get3A_825] {strides = array<i32>} : memref<512x64xf32, #tpu.memory_space<vmem>>, vector<16xf32>,
      %mul3A_827 = arith.mulf %get3A_823, %get3A_826 : vector<16xf32>
      %get3A_828 = arith.index_cast %add3A_782 : i32 to index
      %get3A_829 = arith.constant 48 : index
      %get3A_830 = tpu.vector_load %arg10[%get3A_828, %get3A_829] {strides = array<i32>} : memref<512x64xf32, #tpu.memory_space<vmem>>, vector<16xf32>,
      %mul3A_831 = arith.mulf %mul3A_827, %get3A_830 : vector<16xf32>
      %add3A_832 = arith.addf %add3A_820, %mul3A_831 : vector<16xf32>
      %reduce_sum3A_833 = arith.constant true
      %reduce_sum3A_834 = vector.broadcast %reduce_sum3A_833 : i1 to vector<16xi1>
      %reduce_sum3A_835 = tpu.scan <sum>, %add3A_832 masked %reduce_sum3A_834 : vector<16xf32>, vector<16xi1> -> vector<16xf32>
      %reduce_sum3A_836 = vector.extract %reduce_sum3A_835[15] : f32 from vector<16xf32>
      %eq3A_837 = arith.constant 8 : i32
      %eq3A_838 = vector.broadcast %eq3A_837 : i32 to vector<16xi32>
      %eq3A_839 = arith.cmpi eq, %iota3A, %eq3A_838 : vector<16xi32>
      %jit3A_840 = arith.constant 0.000000e+00 : f32
      %broadcast_in_dim3A_841 = vector.broadcast %reduce_sum3A_836 : f32 to vector<16xf32>
      %broadcast_in_dim3A_842 = vector.broadcast %jit3A_840 : f32 to vector<16xf32>
      %select_n3A_843 = arith.select %eq3A_839, %broadcast_in_dim3A_841, %broadcast_in_dim3A_842 : vector<16xi1>, vector<16xf32>
      %add3A_844 = arith.addf %add3A_780, %select_n3A_843 : vector<16xf32>
      %add3A_845 = arith.constant 9 : i32
      %add3A_846 = arith.addi %mul3A_272, %add3A_845 : i32
      %broadcast_in_dim3A_847 = arith.constant 0.000000e+00 : f32
      %broadcast_in_dim3A_848 = vector.broadcast %broadcast_in_dim3A_847 : f32 to vector<16xf32>
      %get3A_849 = arith.index_cast %add3A_846 : i32 to index
      %get3A_850 = arith.constant 0 : index
      %get3A_851 = tpu.vector_load %arg8[%get3A_849, %get3A_850] {strides = array<i32>} : memref<512x64xf32, #tpu.memory_space<vmem>>, vector<16xf32>,
      %get3A_852 = arith.index_cast %add3A_846 : i32 to index
      %get3A_853 = arith.constant 0 : index
      %get3A_854 = tpu.vector_load %arg9[%get3A_852, %get3A_853] {strides = array<i32>} : memref<512x64xf32, #tpu.memory_space<vmem>>, vector<16xf32>,
      %mul3A_855 = arith.mulf %get3A_851, %get3A_854 : vector<16xf32>
      %get3A_856 = arith.index_cast %add3A_846 : i32 to index
      %get3A_857 = arith.constant 0 : index
      %get3A_858 = tpu.vector_load %arg10[%get3A_856, %get3A_857] {strides = array<i32>} : memref<512x64xf32, #tpu.memory_space<vmem>>, vector<16xf32>,
      %mul3A_859 = arith.mulf %mul3A_855, %get3A_858 : vector<16xf32>
      %add3A_860 = arith.addf %broadcast_in_dim3A_848, %mul3A_859 : vector<16xf32>
      %get3A_861 = arith.index_cast %add3A_846 : i32 to index
      %get3A_862 = arith.constant 16 : index
      %get3A_863 = tpu.vector_load %arg8[%get3A_861, %get3A_862] {strides = array<i32>} : memref<512x64xf32, #tpu.memory_space<vmem>>, vector<16xf32>,
      %get3A_864 = arith.index_cast %add3A_846 : i32 to index
      %get3A_865 = arith.constant 16 : index
      %get3A_866 = tpu.vector_load %arg9[%get3A_864, %get3A_865] {strides = array<i32>} : memref<512x64xf32, #tpu.memory_space<vmem>>, vector<16xf32>,
      %mul3A_867 = arith.mulf %get3A_863, %get3A_866 : vector<16xf32>
      %get3A_868 = arith.index_cast %add3A_846 : i32 to index
      %get3A_869 = arith.constant 16 : index
      %get3A_870 = tpu.vector_load %arg10[%get3A_868, %get3A_869] {strides = array<i32>} : memref<512x64xf32, #tpu.memory_space<vmem>>, vector<16xf32>,
      %mul3A_871 = arith.mulf %mul3A_867, %get3A_870 : vector<16xf32>
      %add3A_872 = arith.addf %add3A_860, %mul3A_871 : vector<16xf32>
      %get3A_873 = arith.index_cast %add3A_846 : i32 to index
      %get3A_874 = arith.constant 32 : index
      %get3A_875 = tpu.vector_load %arg8[%get3A_873, %get3A_874] {strides = array<i32>} : memref<512x64xf32, #tpu.memory_space<vmem>>, vector<16xf32>,
      %get3A_876 = arith.index_cast %add3A_846 : i32 to index
      %get3A_877 = arith.constant 32 : index
      %get3A_878 = tpu.vector_load %arg9[%get3A_876, %get3A_877] {strides = array<i32>} : memref<512x64xf32, #tpu.memory_space<vmem>>, vector<16xf32>,
      %mul3A_879 = arith.mulf %get3A_875, %get3A_878 : vector<16xf32>
      %get3A_880 = arith.index_cast %add3A_846 : i32 to index
      %get3A_881 = arith.constant 32 : index
      %get3A_882 = tpu.vector_load %arg10[%get3A_880, %get3A_881] {strides = array<i32>} : memref<512x64xf32, #tpu.memory_space<vmem>>, vector<16xf32>,
      %mul3A_883 = arith.mulf %mul3A_879, %get3A_882 : vector<16xf32>
      %add3A_884 = arith.addf %add3A_872, %mul3A_883 : vector<16xf32>
      %get3A_885 = arith.index_cast %add3A_846 : i32 to index
      %get3A_886 = arith.constant 48 : index
      %get3A_887 = tpu.vector_load %arg8[%get3A_885, %get3A_886] {strides = array<i32>} : memref<512x64xf32, #tpu.memory_space<vmem>>, vector<16xf32>,
      %get3A_888 = arith.index_cast %add3A_846 : i32 to index
      %get3A_889 = arith.constant 48 : index
      %get3A_890 = tpu.vector_load %arg9[%get3A_888, %get3A_889] {strides = array<i32>} : memref<512x64xf32, #tpu.memory_space<vmem>>, vector<16xf32>,
      %mul3A_891 = arith.mulf %get3A_887, %get3A_890 : vector<16xf32>
      %get3A_892 = arith.index_cast %add3A_846 : i32 to index
      %get3A_893 = arith.constant 48 : index
      %get3A_894 = tpu.vector_load %arg10[%get3A_892, %get3A_893] {strides = array<i32>} : memref<512x64xf32, #tpu.memory_space<vmem>>, vector<16xf32>,
      %mul3A_895 = arith.mulf %mul3A_891, %get3A_894 : vector<16xf32>
      %add3A_896 = arith.addf %add3A_884, %mul3A_895 : vector<16xf32>
      %reduce_sum3A_897 = arith.constant true
      %reduce_sum3A_898 = vector.broadcast %reduce_sum3A_897 : i1 to vector<16xi1>
      %reduce_sum3A_899 = tpu.scan <sum>, %add3A_896 masked %reduce_sum3A_898 : vector<16xf32>, vector<16xi1> -> vector<16xf32>
      %reduce_sum3A_900 = vector.extract %reduce_sum3A_899[15] : f32 from vector<16xf32>
      %eq3A_901 = arith.constant 9 : i32
      %eq3A_902 = vector.broadcast %eq3A_901 : i32 to vector<16xi32>
      %eq3A_903 = arith.cmpi eq, %iota3A, %eq3A_902 : vector<16xi32>
      %jit3A_904 = arith.constant 0.000000e+00 : f32
      %broadcast_in_dim3A_905 = vector.broadcast %reduce_sum3A_900 : f32 to vector<16xf32>
      %broadcast_in_dim3A_906 = vector.broadcast %jit3A_904 : f32 to vector<16xf32>
      %select_n3A_907 = arith.select %eq3A_903, %broadcast_in_dim3A_905, %broadcast_in_dim3A_906 : vector<16xi1>, vector<16xf32>
      %add3A_908 = arith.addf %add3A_844, %select_n3A_907 : vector<16xf32>
      %add3A_909 = arith.constant 10 : i32
      %add3A_910 = arith.addi %mul3A_272, %add3A_909 : i32
      %broadcast_in_dim3A_911 = arith.constant 0.000000e+00 : f32
      %broadcast_in_dim3A_912 = vector.broadcast %broadcast_in_dim3A_911 : f32 to vector<16xf32>
      %get3A_913 = arith.index_cast %add3A_910 : i32 to index
      %get3A_914 = arith.constant 0 : index
      %get3A_915 = tpu.vector_load %arg8[%get3A_913, %get3A_914] {strides = array<i32>} : memref<512x64xf32, #tpu.memory_space<vmem>>, vector<16xf32>,
      %get3A_916 = arith.index_cast %add3A_910 : i32 to index
      %get3A_917 = arith.constant 0 : index
      %get3A_918 = tpu.vector_load %arg9[%get3A_916, %get3A_917] {strides = array<i32>} : memref<512x64xf32, #tpu.memory_space<vmem>>, vector<16xf32>,
      %mul3A_919 = arith.mulf %get3A_915, %get3A_918 : vector<16xf32>
      %get3A_920 = arith.index_cast %add3A_910 : i32 to index
      %get3A_921 = arith.constant 0 : index
      %get3A_922 = tpu.vector_load %arg10[%get3A_920, %get3A_921] {strides = array<i32>} : memref<512x64xf32, #tpu.memory_space<vmem>>, vector<16xf32>,
      %mul3A_923 = arith.mulf %mul3A_919, %get3A_922 : vector<16xf32>
      %add3A_924 = arith.addf %broadcast_in_dim3A_912, %mul3A_923 : vector<16xf32>
      %get3A_925 = arith.index_cast %add3A_910 : i32 to index
      %get3A_926 = arith.constant 16 : index
      %get3A_927 = tpu.vector_load %arg8[%get3A_925, %get3A_926] {strides = array<i32>} : memref<512x64xf32, #tpu.memory_space<vmem>>, vector<16xf32>,
      %get3A_928 = arith.index_cast %add3A_910 : i32 to index
      %get3A_929 = arith.constant 16 : index
      %get3A_930 = tpu.vector_load %arg9[%get3A_928, %get3A_929] {strides = array<i32>} : memref<512x64xf32, #tpu.memory_space<vmem>>, vector<16xf32>,
      %mul3A_931 = arith.mulf %get3A_927, %get3A_930 : vector<16xf32>
      %get3A_932 = arith.index_cast %add3A_910 : i32 to index
      %get3A_933 = arith.constant 16 : index
      %get3A_934 = tpu.vector_load %arg10[%get3A_932, %get3A_933] {strides = array<i32>} : memref<512x64xf32, #tpu.memory_space<vmem>>, vector<16xf32>,
      %mul3A_935 = arith.mulf %mul3A_931, %get3A_934 : vector<16xf32>
      %add3A_936 = arith.addf %add3A_924, %mul3A_935 : vector<16xf32>
      %get3A_937 = arith.index_cast %add3A_910 : i32 to index
      %get3A_938 = arith.constant 32 : index
      %get3A_939 = tpu.vector_load %arg8[%get3A_937, %get3A_938] {strides = array<i32>} : memref<512x64xf32, #tpu.memory_space<vmem>>, vector<16xf32>,
      %get3A_940 = arith.index_cast %add3A_910 : i32 to index
      %get3A_941 = arith.constant 32 : index
      %get3A_942 = tpu.vector_load %arg9[%get3A_940, %get3A_941] {strides = array<i32>} : memref<512x64xf32, #tpu.memory_space<vmem>>, vector<16xf32>,
      %mul3A_943 = arith.mulf %get3A_939, %get3A_942 : vector<16xf32>
      %get3A_944 = arith.index_cast %add3A_910 : i32 to index
      %get3A_945 = arith.constant 32 : index
      %get3A_946 = tpu.vector_load %arg10[%get3A_944, %get3A_945] {strides = array<i32>} : memref<512x64xf32, #tpu.memory_space<vmem>>, vector<16xf32>,
      %mul3A_947 = arith.mulf %mul3A_943, %get3A_946 : vector<16xf32>
      %add3A_948 = arith.addf %add3A_936, %mul3A_947 : vector<16xf32>
      %get3A_949 = arith.index_cast %add3A_910 : i32 to index
      %get3A_950 = arith.constant 48 : index
      %get3A_951 = tpu.vector_load %arg8[%get3A_949, %get3A_950] {strides = array<i32>} : memref<512x64xf32, #tpu.memory_space<vmem>>, vector<16xf32>,
      %get3A_952 = arith.index_cast %add3A_910 : i32 to index
      %get3A_953 = arith.constant 48 : index
      %get3A_954 = tpu.vector_load %arg9[%get3A_952, %get3A_953] {strides = array<i32>} : memref<512x64xf32, #tpu.memory_space<vmem>>, vector<16xf32>,
      %mul3A_955 = arith.mulf %get3A_951, %get3A_954 : vector<16xf32>
      %get3A_956 = arith.index_cast %add3A_910 : i32 to index
      %get3A_957 = arith.constant 48 : index
      %get3A_958 = tpu.vector_load %arg10[%get3A_956, %get3A_957] {strides = array<i32>} : memref<512x64xf32, #tpu.memory_space<vmem>>, vector<16xf32>,
      %mul3A_959 = arith.mulf %mul3A_955, %get3A_958 : vector<16xf32>
      %add3A_960 = arith.addf %add3A_948, %mul3A_959 : vector<16xf32>
      %reduce_sum3A_961 = arith.constant true
      %reduce_sum3A_962 = vector.broadcast %reduce_sum3A_961 : i1 to vector<16xi1>
      %reduce_sum3A_963 = tpu.scan <sum>, %add3A_960 masked %reduce_sum3A_962 : vector<16xf32>, vector<16xi1> -> vector<16xf32>
      %reduce_sum3A_964 = vector.extract %reduce_sum3A_963[15] : f32 from vector<16xf32>
      %eq3A_965 = arith.constant 10 : i32
      %eq3A_966 = vector.broadcast %eq3A_965 : i32 to vector<16xi32>
      %eq3A_967 = arith.cmpi eq, %iota3A, %eq3A_966 : vector<16xi32>
      %jit3A_968 = arith.constant 0.000000e+00 : f32
      %broadcast_in_dim3A_969 = vector.broadcast %reduce_sum3A_964 : f32 to vector<16xf32>
      %broadcast_in_dim3A_970 = vector.broadcast %jit3A_968 : f32 to vector<16xf32>
      %select_n3A_971 = arith.select %eq3A_967, %broadcast_in_dim3A_969, %broadcast_in_dim3A_970 : vector<16xi1>, vector<16xf32>
      %add3A_972 = arith.addf %add3A_908, %select_n3A_971 : vector<16xf32>
      %add3A_973 = arith.constant 11 : i32
      %add3A_974 = arith.addi %mul3A_272, %add3A_973 : i32
      %broadcast_in_dim3A_975 = arith.constant 0.000000e+00 : f32
      %broadcast_in_dim3A_976 = vector.broadcast %broadcast_in_dim3A_975 : f32 to vector<16xf32>
      %get3A_977 = arith.index_cast %add3A_974 : i32 to index
      %get3A_978 = arith.constant 0 : index
      %get3A_979 = tpu.vector_load %arg8[%get3A_977, %get3A_978] {strides = array<i32>} : memref<512x64xf32, #tpu.memory_space<vmem>>, vector<16xf32>,
      %get3A_980 = arith.index_cast %add3A_974 : i32 to index
      %get3A_981 = arith.constant 0 : index
      %get3A_982 = tpu.vector_load %arg9[%get3A_980, %get3A_981] {strides = array<i32>} : memref<512x64xf32, #tpu.memory_space<vmem>>, vector<16xf32>,
      %mul3A_983 = arith.mulf %get3A_979, %get3A_982 : vector<16xf32>
      %get3A_984 = arith.index_cast %add3A_974 : i32 to index
      %get3A_985 = arith.constant 0 : index
      %get3A_986 = tpu.vector_load %arg10[%get3A_984, %get3A_985] {strides = array<i32>} : memref<512x64xf32, #tpu.memory_space<vmem>>, vector<16xf32>,
      %mul3A_987 = arith.mulf %mul3A_983, %get3A_986 : vector<16xf32>
      %add3A_988 = arith.addf %broadcast_in_dim3A_976, %mul3A_987 : vector<16xf32>
      %get3A_989 = arith.index_cast %add3A_974 : i32 to index
      %get3A_990 = arith.constant 16 : index
      %get3A_991 = tpu.vector_load %arg8[%get3A_989, %get3A_990] {strides = array<i32>} : memref<512x64xf32, #tpu.memory_space<vmem>>, vector<16xf32>,
      %get3A_992 = arith.index_cast %add3A_974 : i32 to index
      %get3A_993 = arith.constant 16 : index
      %get3A_994 = tpu.vector_load %arg9[%get3A_992, %get3A_993] {strides = array<i32>} : memref<512x64xf32, #tpu.memory_space<vmem>>, vector<16xf32>,
      %mul3A_995 = arith.mulf %get3A_991, %get3A_994 : vector<16xf32>
      %get3A_996 = arith.index_cast %add3A_974 : i32 to index
      %get3A_997 = arith.constant 16 : index
      %get3A_998 = tpu.vector_load %arg10[%get3A_996, %get3A_997] {strides = array<i32>} : memref<512x64xf32, #tpu.memory_space<vmem>>, vector<16xf32>,
      %mul3A_999 = arith.mulf %mul3A_995, %get3A_998 : vector<16xf32>
      %add3A_1000 = arith.addf %add3A_988, %mul3A_999 : vector<16xf32>
      %get3A_1001 = arith.index_cast %add3A_974 : i32 to index
      %get3A_1002 = arith.constant 32 : index
      %get3A_1003 = tpu.vector_load %arg8[%get3A_1001, %get3A_1002] {strides = array<i32>} : memref<512x64xf32, #tpu.memory_space<vmem>>, vector<16xf32>,
      %get3A_1004 = arith.index_cast %add3A_974 : i32 to index
      %get3A_1005 = arith.constant 32 : index
      %get3A_1006 = tpu.vector_load %arg9[%get3A_1004, %get3A_1005] {strides = array<i32>} : memref<512x64xf32, #tpu.memory_space<vmem>>, vector<16xf32>,
      %mul3A_1007 = arith.mulf %get3A_1003, %get3A_1006 : vector<16xf32>
      %get3A_1008 = arith.index_cast %add3A_974 : i32 to index
      %get3A_1009 = arith.constant 32 : index
      %get3A_1010 = tpu.vector_load %arg10[%get3A_1008, %get3A_1009] {strides = array<i32>} : memref<512x64xf32, #tpu.memory_space<vmem>>, vector<16xf32>,
      %mul3A_1011 = arith.mulf %mul3A_1007, %get3A_1010 : vector<16xf32>
      %add3A_1012 = arith.addf %add3A_1000, %mul3A_1011 : vector<16xf32>
      %get3A_1013 = arith.index_cast %add3A_974 : i32 to index
      %get3A_1014 = arith.constant 48 : index
      %get3A_1015 = tpu.vector_load %arg8[%get3A_1013, %get3A_1014] {strides = array<i32>} : memref<512x64xf32, #tpu.memory_space<vmem>>, vector<16xf32>,
      %get3A_1016 = arith.index_cast %add3A_974 : i32 to index
      %get3A_1017 = arith.constant 48 : index
      %get3A_1018 = tpu.vector_load %arg9[%get3A_1016, %get3A_1017] {strides = array<i32>} : memref<512x64xf32, #tpu.memory_space<vmem>>, vector<16xf32>,
      %mul3A_1019 = arith.mulf %get3A_1015, %get3A_1018 : vector<16xf32>
      %get3A_1020 = arith.index_cast %add3A_974 : i32 to index
      %get3A_1021 = arith.constant 48 : index
      %get3A_1022 = tpu.vector_load %arg10[%get3A_1020, %get3A_1021] {strides = array<i32>} : memref<512x64xf32, #tpu.memory_space<vmem>>, vector<16xf32>,
      %mul3A_1023 = arith.mulf %mul3A_1019, %get3A_1022 : vector<16xf32>
      %add3A_1024 = arith.addf %add3A_1012, %mul3A_1023 : vector<16xf32>
      %reduce_sum3A_1025 = arith.constant true
      %reduce_sum3A_1026 = vector.broadcast %reduce_sum3A_1025 : i1 to vector<16xi1>
      %reduce_sum3A_1027 = tpu.scan <sum>, %add3A_1024 masked %reduce_sum3A_1026 : vector<16xf32>, vector<16xi1> -> vector<16xf32>
      %reduce_sum3A_1028 = vector.extract %reduce_sum3A_1027[15] : f32 from vector<16xf32>
      %eq3A_1029 = arith.constant 11 : i32
      %eq3A_1030 = vector.broadcast %eq3A_1029 : i32 to vector<16xi32>
      %eq3A_1031 = arith.cmpi eq, %iota3A, %eq3A_1030 : vector<16xi32>
      %jit3A_1032 = arith.constant 0.000000e+00 : f32
      %broadcast_in_dim3A_1033 = vector.broadcast %reduce_sum3A_1028 : f32 to vector<16xf32>
      %broadcast_in_dim3A_1034 = vector.broadcast %jit3A_1032 : f32 to vector<16xf32>
      %select_n3A_1035 = arith.select %eq3A_1031, %broadcast_in_dim3A_1033, %broadcast_in_dim3A_1034 : vector<16xi1>, vector<16xf32>
      %add3A_1036 = arith.addf %add3A_972, %select_n3A_1035 : vector<16xf32>
      %add3A_1037 = arith.constant 12 : i32
      %add3A_1038 = arith.addi %mul3A_272, %add3A_1037 : i32
      %broadcast_in_dim3A_1039 = arith.constant 0.000000e+00 : f32
      %broadcast_in_dim3A_1040 = vector.broadcast %broadcast_in_dim3A_1039 : f32 to vector<16xf32>
      %get3A_1041 = arith.index_cast %add3A_1038 : i32 to index
      %get3A_1042 = arith.constant 0 : index
      %get3A_1043 = tpu.vector_load %arg8[%get3A_1041, %get3A_1042] {strides = array<i32>} : memref<512x64xf32, #tpu.memory_space<vmem>>, vector<16xf32>,
      %get3A_1044 = arith.index_cast %add3A_1038 : i32 to index
      %get3A_1045 = arith.constant 0 : index
      %get3A_1046 = tpu.vector_load %arg9[%get3A_1044, %get3A_1045] {strides = array<i32>} : memref<512x64xf32, #tpu.memory_space<vmem>>, vector<16xf32>,
      %mul3A_1047 = arith.mulf %get3A_1043, %get3A_1046 : vector<16xf32>
      %get3A_1048 = arith.index_cast %add3A_1038 : i32 to index
      %get3A_1049 = arith.constant 0 : index
      %get3A_1050 = tpu.vector_load %arg10[%get3A_1048, %get3A_1049] {strides = array<i32>} : memref<512x64xf32, #tpu.memory_space<vmem>>, vector<16xf32>,
      %mul3A_1051 = arith.mulf %mul3A_1047, %get3A_1050 : vector<16xf32>
      %add3A_1052 = arith.addf %broadcast_in_dim3A_1040, %mul3A_1051 : vector<16xf32>
      %get3A_1053 = arith.index_cast %add3A_1038 : i32 to index
      %get3A_1054 = arith.constant 16 : index
      %get3A_1055 = tpu.vector_load %arg8[%get3A_1053, %get3A_1054] {strides = array<i32>} : memref<512x64xf32, #tpu.memory_space<vmem>>, vector<16xf32>,
      %get3A_1056 = arith.index_cast %add3A_1038 : i32 to index
      %get3A_1057 = arith.constant 16 : index
      %get3A_1058 = tpu.vector_load %arg9[%get3A_1056, %get3A_1057] {strides = array<i32>} : memref<512x64xf32, #tpu.memory_space<vmem>>, vector<16xf32>,
      %mul3A_1059 = arith.mulf %get3A_1055, %get3A_1058 : vector<16xf32>
      %get3A_1060 = arith.index_cast %add3A_1038 : i32 to index
      %get3A_1061 = arith.constant 16 : index
      %get3A_1062 = tpu.vector_load %arg10[%get3A_1060, %get3A_1061] {strides = array<i32>} : memref<512x64xf32, #tpu.memory_space<vmem>>, vector<16xf32>,
      %mul3A_1063 = arith.mulf %mul3A_1059, %get3A_1062 : vector<16xf32>
      %add3A_1064 = arith.addf %add3A_1052, %mul3A_1063 : vector<16xf32>
      %get3A_1065 = arith.index_cast %add3A_1038 : i32 to index
      %get3A_1066 = arith.constant 32 : index
      %get3A_1067 = tpu.vector_load %arg8[%get3A_1065, %get3A_1066] {strides = array<i32>} : memref<512x64xf32, #tpu.memory_space<vmem>>, vector<16xf32>,
      %get3A_1068 = arith.index_cast %add3A_1038 : i32 to index
      %get3A_1069 = arith.constant 32 : index
      %get3A_1070 = tpu.vector_load %arg9[%get3A_1068, %get3A_1069] {strides = array<i32>} : memref<512x64xf32, #tpu.memory_space<vmem>>, vector<16xf32>,
      %mul3A_1071 = arith.mulf %get3A_1067, %get3A_1070 : vector<16xf32>
      %get3A_1072 = arith.index_cast %add3A_1038 : i32 to index
      %get3A_1073 = arith.constant 32 : index
      %get3A_1074 = tpu.vector_load %arg10[%get3A_1072, %get3A_1073] {strides = array<i32>} : memref<512x64xf32, #tpu.memory_space<vmem>>, vector<16xf32>,
      %mul3A_1075 = arith.mulf %mul3A_1071, %get3A_1074 : vector<16xf32>
      %add3A_1076 = arith.addf %add3A_1064, %mul3A_1075 : vector<16xf32>
      %get3A_1077 = arith.index_cast %add3A_1038 : i32 to index
      %get3A_1078 = arith.constant 48 : index
      %get3A_1079 = tpu.vector_load %arg8[%get3A_1077, %get3A_1078] {strides = array<i32>} : memref<512x64xf32, #tpu.memory_space<vmem>>, vector<16xf32>,
      %get3A_1080 = arith.index_cast %add3A_1038 : i32 to index
      %get3A_1081 = arith.constant 48 : index
      %get3A_1082 = tpu.vector_load %arg9[%get3A_1080, %get3A_1081] {strides = array<i32>} : memref<512x64xf32, #tpu.memory_space<vmem>>, vector<16xf32>,
      %mul3A_1083 = arith.mulf %get3A_1079, %get3A_1082 : vector<16xf32>
      %get3A_1084 = arith.index_cast %add3A_1038 : i32 to index
      %get3A_1085 = arith.constant 48 : index
      %get3A_1086 = tpu.vector_load %arg10[%get3A_1084, %get3A_1085] {strides = array<i32>} : memref<512x64xf32, #tpu.memory_space<vmem>>, vector<16xf32>,
      %mul3A_1087 = arith.mulf %mul3A_1083, %get3A_1086 : vector<16xf32>
      %add3A_1088 = arith.addf %add3A_1076, %mul3A_1087 : vector<16xf32>
      %reduce_sum3A_1089 = arith.constant true
      %reduce_sum3A_1090 = vector.broadcast %reduce_sum3A_1089 : i1 to vector<16xi1>
      %reduce_sum3A_1091 = tpu.scan <sum>, %add3A_1088 masked %reduce_sum3A_1090 : vector<16xf32>, vector<16xi1> -> vector<16xf32>
      %reduce_sum3A_1092 = vector.extract %reduce_sum3A_1091[15] : f32 from vector<16xf32>
      %eq3A_1093 = arith.constant 12 : i32
      %eq3A_1094 = vector.broadcast %eq3A_1093 : i32 to vector<16xi32>
      %eq3A_1095 = arith.cmpi eq, %iota3A, %eq3A_1094 : vector<16xi32>
      %jit3A_1096 = arith.constant 0.000000e+00 : f32
      %broadcast_in_dim3A_1097 = vector.broadcast %reduce_sum3A_1092 : f32 to vector<16xf32>
      %broadcast_in_dim3A_1098 = vector.broadcast %jit3A_1096 : f32 to vector<16xf32>
      %select_n3A_1099 = arith.select %eq3A_1095, %broadcast_in_dim3A_1097, %broadcast_in_dim3A_1098 : vector<16xi1>, vector<16xf32>
      %add3A_1100 = arith.addf %add3A_1036, %select_n3A_1099 : vector<16xf32>
      %add3A_1101 = arith.constant 13 : i32
      %add3A_1102 = arith.addi %mul3A_272, %add3A_1101 : i32
      %broadcast_in_dim3A_1103 = arith.constant 0.000000e+00 : f32
      %broadcast_in_dim3A_1104 = vector.broadcast %broadcast_in_dim3A_1103 : f32 to vector<16xf32>
      %get3A_1105 = arith.index_cast %add3A_1102 : i32 to index
      %get3A_1106 = arith.constant 0 : index
      %get3A_1107 = tpu.vector_load %arg8[%get3A_1105, %get3A_1106] {strides = array<i32>} : memref<512x64xf32, #tpu.memory_space<vmem>>, vector<16xf32>,
      %get3A_1108 = arith.index_cast %add3A_1102 : i32 to index
      %get3A_1109 = arith.constant 0 : index
      %get3A_1110 = tpu.vector_load %arg9[%get3A_1108, %get3A_1109] {strides = array<i32>} : memref<512x64xf32, #tpu.memory_space<vmem>>, vector<16xf32>,
      %mul3A_1111 = arith.mulf %get3A_1107, %get3A_1110 : vector<16xf32>
      %get3A_1112 = arith.index_cast %add3A_1102 : i32 to index
      %get3A_1113 = arith.constant 0 : index
      %get3A_1114 = tpu.vector_load %arg10[%get3A_1112, %get3A_1113] {strides = array<i32>} : memref<512x64xf32, #tpu.memory_space<vmem>>, vector<16xf32>,
      %mul3A_1115 = arith.mulf %mul3A_1111, %get3A_1114 : vector<16xf32>
      %add3A_1116 = arith.addf %broadcast_in_dim3A_1104, %mul3A_1115 : vector<16xf32>
      %get3A_1117 = arith.index_cast %add3A_1102 : i32 to index
      %get3A_1118 = arith.constant 16 : index
      %get3A_1119 = tpu.vector_load %arg8[%get3A_1117, %get3A_1118] {strides = array<i32>} : memref<512x64xf32, #tpu.memory_space<vmem>>, vector<16xf32>,
      %get3A_1120 = arith.index_cast %add3A_1102 : i32 to index
      %get3A_1121 = arith.constant 16 : index
      %get3A_1122 = tpu.vector_load %arg9[%get3A_1120, %get3A_1121] {strides = array<i32>} : memref<512x64xf32, #tpu.memory_space<vmem>>, vector<16xf32>,
      %mul3A_1123 = arith.mulf %get3A_1119, %get3A_1122 : vector<16xf32>
      %get3A_1124 = arith.index_cast %add3A_1102 : i32 to index
      %get3A_1125 = arith.constant 16 : index
      %get3A_1126 = tpu.vector_load %arg10[%get3A_1124, %get3A_1125] {strides = array<i32>} : memref<512x64xf32, #tpu.memory_space<vmem>>, vector<16xf32>,
      %mul3A_1127 = arith.mulf %mul3A_1123, %get3A_1126 : vector<16xf32>
      %add3A_1128 = arith.addf %add3A_1116, %mul3A_1127 : vector<16xf32>
      %get3A_1129 = arith.index_cast %add3A_1102 : i32 to index
      %get3A_1130 = arith.constant 32 : index
      %get3A_1131 = tpu.vector_load %arg8[%get3A_1129, %get3A_1130] {strides = array<i32>} : memref<512x64xf32, #tpu.memory_space<vmem>>, vector<16xf32>,
      %get3A_1132 = arith.index_cast %add3A_1102 : i32 to index
      %get3A_1133 = arith.constant 32 : index
      %get3A_1134 = tpu.vector_load %arg9[%get3A_1132, %get3A_1133] {strides = array<i32>} : memref<512x64xf32, #tpu.memory_space<vmem>>, vector<16xf32>,
      %mul3A_1135 = arith.mulf %get3A_1131, %get3A_1134 : vector<16xf32>
      %get3A_1136 = arith.index_cast %add3A_1102 : i32 to index
      %get3A_1137 = arith.constant 32 : index
      %get3A_1138 = tpu.vector_load %arg10[%get3A_1136, %get3A_1137] {strides = array<i32>} : memref<512x64xf32, #tpu.memory_space<vmem>>, vector<16xf32>,
      %mul3A_1139 = arith.mulf %mul3A_1135, %get3A_1138 : vector<16xf32>
      %add3A_1140 = arith.addf %add3A_1128, %mul3A_1139 : vector<16xf32>
      %get3A_1141 = arith.index_cast %add3A_1102 : i32 to index
      %get3A_1142 = arith.constant 48 : index
      %get3A_1143 = tpu.vector_load %arg8[%get3A_1141, %get3A_1142] {strides = array<i32>} : memref<512x64xf32, #tpu.memory_space<vmem>>, vector<16xf32>,
      %get3A_1144 = arith.index_cast %add3A_1102 : i32 to index
      %get3A_1145 = arith.constant 48 : index
      %get3A_1146 = tpu.vector_load %arg9[%get3A_1144, %get3A_1145] {strides = array<i32>} : memref<512x64xf32, #tpu.memory_space<vmem>>, vector<16xf32>,
      %mul3A_1147 = arith.mulf %get3A_1143, %get3A_1146 : vector<16xf32>
      %get3A_1148 = arith.index_cast %add3A_1102 : i32 to index
      %get3A_1149 = arith.constant 48 : index
      %get3A_1150 = tpu.vector_load %arg10[%get3A_1148, %get3A_1149] {strides = array<i32>} : memref<512x64xf32, #tpu.memory_space<vmem>>, vector<16xf32>,
      %mul3A_1151 = arith.mulf %mul3A_1147, %get3A_1150 : vector<16xf32>
      %add3A_1152 = arith.addf %add3A_1140, %mul3A_1151 : vector<16xf32>
      %reduce_sum3A_1153 = arith.constant true
      %reduce_sum3A_1154 = vector.broadcast %reduce_sum3A_1153 : i1 to vector<16xi1>
      %reduce_sum3A_1155 = tpu.scan <sum>, %add3A_1152 masked %reduce_sum3A_1154 : vector<16xf32>, vector<16xi1> -> vector<16xf32>
      %reduce_sum3A_1156 = vector.extract %reduce_sum3A_1155[15] : f32 from vector<16xf32>
      %eq3A_1157 = arith.constant 13 : i32
      %eq3A_1158 = vector.broadcast %eq3A_1157 : i32 to vector<16xi32>
      %eq3A_1159 = arith.cmpi eq, %iota3A, %eq3A_1158 : vector<16xi32>
      %jit3A_1160 = arith.constant 0.000000e+00 : f32
      %broadcast_in_dim3A_1161 = vector.broadcast %reduce_sum3A_1156 : f32 to vector<16xf32>
      %broadcast_in_dim3A_1162 = vector.broadcast %jit3A_1160 : f32 to vector<16xf32>
      %select_n3A_1163 = arith.select %eq3A_1159, %broadcast_in_dim3A_1161, %broadcast_in_dim3A_1162 : vector<16xi1>, vector<16xf32>
      %add3A_1164 = arith.addf %add3A_1100, %select_n3A_1163 : vector<16xf32>
      %add3A_1165 = arith.constant 14 : i32
      %add3A_1166 = arith.addi %mul3A_272, %add3A_1165 : i32
      %broadcast_in_dim3A_1167 = arith.constant 0.000000e+00 : f32
      %broadcast_in_dim3A_1168 = vector.broadcast %broadcast_in_dim3A_1167 : f32 to vector<16xf32>
      %get3A_1169 = arith.index_cast %add3A_1166 : i32 to index
      %get3A_1170 = arith.constant 0 : index
      %get3A_1171 = tpu.vector_load %arg8[%get3A_1169, %get3A_1170] {strides = array<i32>} : memref<512x64xf32, #tpu.memory_space<vmem>>, vector<16xf32>,
      %get3A_1172 = arith.index_cast %add3A_1166 : i32 to index
      %get3A_1173 = arith.constant 0 : index
      %get3A_1174 = tpu.vector_load %arg9[%get3A_1172, %get3A_1173] {strides = array<i32>} : memref<512x64xf32, #tpu.memory_space<vmem>>, vector<16xf32>,
      %mul3A_1175 = arith.mulf %get3A_1171, %get3A_1174 : vector<16xf32>
      %get3A_1176 = arith.index_cast %add3A_1166 : i32 to index
      %get3A_1177 = arith.constant 0 : index
      %get3A_1178 = tpu.vector_load %arg10[%get3A_1176, %get3A_1177] {strides = array<i32>} : memref<512x64xf32, #tpu.memory_space<vmem>>, vector<16xf32>,
      %mul3A_1179 = arith.mulf %mul3A_1175, %get3A_1178 : vector<16xf32>
      %add3A_1180 = arith.addf %broadcast_in_dim3A_1168, %mul3A_1179 : vector<16xf32>
      %get3A_1181 = arith.index_cast %add3A_1166 : i32 to index
      %get3A_1182 = arith.constant 16 : index
      %get3A_1183 = tpu.vector_load %arg8[%get3A_1181, %get3A_1182] {strides = array<i32>} : memref<512x64xf32, #tpu.memory_space<vmem>>, vector<16xf32>,
      %get3A_1184 = arith.index_cast %add3A_1166 : i32 to index
      %get3A_1185 = arith.constant 16 : index
      %get3A_1186 = tpu.vector_load %arg9[%get3A_1184, %get3A_1185] {strides = array<i32>} : memref<512x64xf32, #tpu.memory_space<vmem>>, vector<16xf32>,
      %mul3A_1187 = arith.mulf %get3A_1183, %get3A_1186 : vector<16xf32>
      %get3A_1188 = arith.index_cast %add3A_1166 : i32 to index
      %get3A_1189 = arith.constant 16 : index
      %get3A_1190 = tpu.vector_load %arg10[%get3A_1188, %get3A_1189] {strides = array<i32>} : memref<512x64xf32, #tpu.memory_space<vmem>>, vector<16xf32>,
      %mul3A_1191 = arith.mulf %mul3A_1187, %get3A_1190 : vector<16xf32>
      %add3A_1192 = arith.addf %add3A_1180, %mul3A_1191 : vector<16xf32>
      %get3A_1193 = arith.index_cast %add3A_1166 : i32 to index
      %get3A_1194 = arith.constant 32 : index
      %get3A_1195 = tpu.vector_load %arg8[%get3A_1193, %get3A_1194] {strides = array<i32>} : memref<512x64xf32, #tpu.memory_space<vmem>>, vector<16xf32>,
      %get3A_1196 = arith.index_cast %add3A_1166 : i32 to index
      %get3A_1197 = arith.constant 32 : index
      %get3A_1198 = tpu.vector_load %arg9[%get3A_1196, %get3A_1197] {strides = array<i32>} : memref<512x64xf32, #tpu.memory_space<vmem>>, vector<16xf32>,
      %mul3A_1199 = arith.mulf %get3A_1195, %get3A_1198 : vector<16xf32>
      %get3A_1200 = arith.index_cast %add3A_1166 : i32 to index
      %get3A_1201 = arith.constant 32 : index
      %get3A_1202 = tpu.vector_load %arg10[%get3A_1200, %get3A_1201] {strides = array<i32>} : memref<512x64xf32, #tpu.memory_space<vmem>>, vector<16xf32>,
      %mul3A_1203 = arith.mulf %mul3A_1199, %get3A_1202 : vector<16xf32>
      %add3A_1204 = arith.addf %add3A_1192, %mul3A_1203 : vector<16xf32>
      %get3A_1205 = arith.index_cast %add3A_1166 : i32 to index
      %get3A_1206 = arith.constant 48 : index
      %get3A_1207 = tpu.vector_load %arg8[%get3A_1205, %get3A_1206] {strides = array<i32>} : memref<512x64xf32, #tpu.memory_space<vmem>>, vector<16xf32>,
      %get3A_1208 = arith.index_cast %add3A_1166 : i32 to index
      %get3A_1209 = arith.constant 48 : index
      %get3A_1210 = tpu.vector_load %arg9[%get3A_1208, %get3A_1209] {strides = array<i32>} : memref<512x64xf32, #tpu.memory_space<vmem>>, vector<16xf32>,
      %mul3A_1211 = arith.mulf %get3A_1207, %get3A_1210 : vector<16xf32>
      %get3A_1212 = arith.index_cast %add3A_1166 : i32 to index
      %get3A_1213 = arith.constant 48 : index
      %get3A_1214 = tpu.vector_load %arg10[%get3A_1212, %get3A_1213] {strides = array<i32>} : memref<512x64xf32, #tpu.memory_space<vmem>>, vector<16xf32>,
      %mul3A_1215 = arith.mulf %mul3A_1211, %get3A_1214 : vector<16xf32>
      %add3A_1216 = arith.addf %add3A_1204, %mul3A_1215 : vector<16xf32>
      %reduce_sum3A_1217 = arith.constant true
      %reduce_sum3A_1218 = vector.broadcast %reduce_sum3A_1217 : i1 to vector<16xi1>
      %reduce_sum3A_1219 = tpu.scan <sum>, %add3A_1216 masked %reduce_sum3A_1218 : vector<16xf32>, vector<16xi1> -> vector<16xf32>
      %reduce_sum3A_1220 = vector.extract %reduce_sum3A_1219[15] : f32 from vector<16xf32>
      %eq3A_1221 = arith.constant 14 : i32
      %eq3A_1222 = vector.broadcast %eq3A_1221 : i32 to vector<16xi32>
      %eq3A_1223 = arith.cmpi eq, %iota3A, %eq3A_1222 : vector<16xi32>
      %jit3A_1224 = arith.constant 0.000000e+00 : f32
      %broadcast_in_dim3A_1225 = vector.broadcast %reduce_sum3A_1220 : f32 to vector<16xf32>
      %broadcast_in_dim3A_1226 = vector.broadcast %jit3A_1224 : f32 to vector<16xf32>
      %select_n3A_1227 = arith.select %eq3A_1223, %broadcast_in_dim3A_1225, %broadcast_in_dim3A_1226 : vector<16xi1>, vector<16xf32>
      %add3A_1228 = arith.addf %add3A_1164, %select_n3A_1227 : vector<16xf32>
      %add3A_1229 = arith.constant 15 : i32
      %add3A_1230 = arith.addi %mul3A_272, %add3A_1229 : i32
      %broadcast_in_dim3A_1231 = arith.constant 0.000000e+00 : f32
      %broadcast_in_dim3A_1232 = vector.broadcast %broadcast_in_dim3A_1231 : f32 to vector<16xf32>
      %get3A_1233 = arith.index_cast %add3A_1230 : i32 to index
      %get3A_1234 = arith.constant 0 : index
      %get3A_1235 = tpu.vector_load %arg8[%get3A_1233, %get3A_1234] {strides = array<i32>} : memref<512x64xf32, #tpu.memory_space<vmem>>, vector<16xf32>,
      %get3A_1236 = arith.index_cast %add3A_1230 : i32 to index
      %get3A_1237 = arith.constant 0 : index
      %get3A_1238 = tpu.vector_load %arg9[%get3A_1236, %get3A_1237] {strides = array<i32>} : memref<512x64xf32, #tpu.memory_space<vmem>>, vector<16xf32>,
      %mul3A_1239 = arith.mulf %get3A_1235, %get3A_1238 : vector<16xf32>
      %get3A_1240 = arith.index_cast %add3A_1230 : i32 to index
      %get3A_1241 = arith.constant 0 : index
      %get3A_1242 = tpu.vector_load %arg10[%get3A_1240, %get3A_1241] {strides = array<i32>} : memref<512x64xf32, #tpu.memory_space<vmem>>, vector<16xf32>,
      %mul3A_1243 = arith.mulf %mul3A_1239, %get3A_1242 : vector<16xf32>
      %add3A_1244 = arith.addf %broadcast_in_dim3A_1232, %mul3A_1243 : vector<16xf32>
      %get3A_1245 = arith.index_cast %add3A_1230 : i32 to index
      %get3A_1246 = arith.constant 16 : index
      %get3A_1247 = tpu.vector_load %arg8[%get3A_1245, %get3A_1246] {strides = array<i32>} : memref<512x64xf32, #tpu.memory_space<vmem>>, vector<16xf32>,
      %get3A_1248 = arith.index_cast %add3A_1230 : i32 to index
      %get3A_1249 = arith.constant 16 : index
      %get3A_1250 = tpu.vector_load %arg9[%get3A_1248, %get3A_1249] {strides = array<i32>} : memref<512x64xf32, #tpu.memory_space<vmem>>, vector<16xf32>,
      %mul3A_1251 = arith.mulf %get3A_1247, %get3A_1250 : vector<16xf32>
      %get3A_1252 = arith.index_cast %add3A_1230 : i32 to index
      %get3A_1253 = arith.constant 16 : index
      %get3A_1254 = tpu.vector_load %arg10[%get3A_1252, %get3A_1253] {strides = array<i32>} : memref<512x64xf32, #tpu.memory_space<vmem>>, vector<16xf32>,
      %mul3A_1255 = arith.mulf %mul3A_1251, %get3A_1254 : vector<16xf32>
      %add3A_1256 = arith.addf %add3A_1244, %mul3A_1255 : vector<16xf32>
      %get3A_1257 = arith.index_cast %add3A_1230 : i32 to index
      %get3A_1258 = arith.constant 32 : index
      %get3A_1259 = tpu.vector_load %arg8[%get3A_1257, %get3A_1258] {strides = array<i32>} : memref<512x64xf32, #tpu.memory_space<vmem>>, vector<16xf32>,
      %get3A_1260 = arith.index_cast %add3A_1230 : i32 to index
      %get3A_1261 = arith.constant 32 : index
      %get3A_1262 = tpu.vector_load %arg9[%get3A_1260, %get3A_1261] {strides = array<i32>} : memref<512x64xf32, #tpu.memory_space<vmem>>, vector<16xf32>,
      %mul3A_1263 = arith.mulf %get3A_1259, %get3A_1262 : vector<16xf32>
      %get3A_1264 = arith.index_cast %add3A_1230 : i32 to index
      %get3A_1265 = arith.constant 32 : index
      %get3A_1266 = tpu.vector_load %arg10[%get3A_1264, %get3A_1265] {strides = array<i32>} : memref<512x64xf32, #tpu.memory_space<vmem>>, vector<16xf32>,
      %mul3A_1267 = arith.mulf %mul3A_1263, %get3A_1266 : vector<16xf32>
      %add3A_1268 = arith.addf %add3A_1256, %mul3A_1267 : vector<16xf32>
      %get3A_1269 = arith.index_cast %add3A_1230 : i32 to index
      %get3A_1270 = arith.constant 48 : index
      %get3A_1271 = tpu.vector_load %arg8[%get3A_1269, %get3A_1270] {strides = array<i32>} : memref<512x64xf32, #tpu.memory_space<vmem>>, vector<16xf32>,
      %get3A_1272 = arith.index_cast %add3A_1230 : i32 to index
      %get3A_1273 = arith.constant 48 : index
      %get3A_1274 = tpu.vector_load %arg9[%get3A_1272, %get3A_1273] {strides = array<i32>} : memref<512x64xf32, #tpu.memory_space<vmem>>, vector<16xf32>,
      %mul3A_1275 = arith.mulf %get3A_1271, %get3A_1274 : vector<16xf32>
      %get3A_1276 = arith.index_cast %add3A_1230 : i32 to index
      %get3A_1277 = arith.constant 48 : index
      %get3A_1278 = tpu.vector_load %arg10[%get3A_1276, %get3A_1277] {strides = array<i32>} : memref<512x64xf32, #tpu.memory_space<vmem>>, vector<16xf32>,
      %mul3A_1279 = arith.mulf %mul3A_1275, %get3A_1278 : vector<16xf32>
      %add3A_1280 = arith.addf %add3A_1268, %mul3A_1279 : vector<16xf32>
      %reduce_sum3A_1281 = arith.constant true
      %reduce_sum3A_1282 = vector.broadcast %reduce_sum3A_1281 : i1 to vector<16xi1>
      %reduce_sum3A_1283 = tpu.scan <sum>, %add3A_1280 masked %reduce_sum3A_1282 : vector<16xf32>, vector<16xi1> -> vector<16xf32>
      %reduce_sum3A_1284 = vector.extract %reduce_sum3A_1283[15] : f32 from vector<16xf32>
      %eq3A_1285 = arith.constant 15 : i32
      %eq3A_1286 = vector.broadcast %eq3A_1285 : i32 to vector<16xi32>
      %eq3A_1287 = arith.cmpi eq, %iota3A, %eq3A_1286 : vector<16xi32>
      %jit3A_1288 = arith.constant 0.000000e+00 : f32
      %broadcast_in_dim3A_1289 = vector.broadcast %reduce_sum3A_1284 : f32 to vector<16xf32>
      %broadcast_in_dim3A_1290 = vector.broadcast %jit3A_1288 : f32 to vector<16xf32>
      %select_n3A_1291 = arith.select %eq3A_1287, %broadcast_in_dim3A_1289, %broadcast_in_dim3A_1290 : vector<16xi1>, vector<16xf32>
      %add3A_1292 = arith.addf %add3A_1228, %select_n3A_1291 : vector<16xf32>
      %neg3A = arith.constant 0.000000e+00 : f32
      %neg3A_1293 = vector.broadcast %neg3A : f32 to vector<16xf32>
      %neg3A_1294 = arith.subf %neg3A_1293, %add3A_1292 : vector<16xf32>
      %exp3A = math.exp %neg3A_1294 : vector<16xf32>
      %add3A_1295 = arith.constant 1.000000e+00 : f32
      %add3A_1296 = vector.broadcast %add3A_1295 : f32 to vector<16xf32>
      %add3A_1297 = arith.addf %add3A_1296, %exp3A : vector<16xf32>
      %div3A = arith.constant 1.000000e+00 : f32
      %div3A_1298 = vector.broadcast %div3A : f32 to vector<16xf32>
      %div3A_1299 = arith.divf %div3A_1298, %add3A_1297 : vector<16xf32>
      %swap3A = arith.index_cast %mul3A_272 : i32 to index
      %swap3A_1300 = tpu.vector_load %arg11[%swap3A] {strides = array<i32>} : memref<512xf32, #tpu.memory_space<vmem>>, vector<16xf32>,
      tpu.vector_store %arg11[%swap3A], %div3A_1299 {strides = array<i32>} : memref<512xf32, #tpu.memory_space<vmem>>, vector<16xf32>,
    }
    %scan3A_267 = arith.constant 32 : i32
    %mul3A_268 = arith.constant 512 : i32
    %mul3A_269 = arith.muli %add3A, %mul3A_268 : i32
    "tpu.region"() ({
      %run_scoped3A = tpu.sem_alloc : memref<!tpu.dma_semaphore, #tpu.memory_space<semaphore_mem>>
      %dma_start3A_270 = tpu.memref_slice %arg6[%mul3A_269] : memref<16384xf32, #tpu.memory_space<hbm>> -> memref<512xf32, #tpu.memory_space<hbm>>
      %dma_start3A_271 = tpu.memref_slice %arg6[%mul3A_269] : memref<16384xf32, #tpu.memory_space<hbm>> -> memref<512xf32, #tpu.memory_space<hbm>>
      tpu.enqueue_dma source(%arg11 : memref<512xf32, #tpu.memory_space<vmem>>) target(%dma_start3A_271 : memref<512xf32, #tpu.memory_space<hbm>>) target_semaphore(%run_scoped3A : memref<!tpu.dma_semaphore, #tpu.memory_space<semaphore_mem>>)
      %dma_wait3A_272 = tpu.memref_slice %arg6[%mul3A_269] : memref<16384xf32, #tpu.memory_space<hbm>> -> memref<512xf32, #tpu.memory_space<hbm>>
      %dma_wait3A_273 = tpu.memref_slice %arg6[%mul3A_269] : memref<16384xf32, #tpu.memory_space<hbm>> -> memref<512xf32, #tpu.memory_space<hbm>>
      tpu.wait_dma2 semaphore(%run_scoped3A : memref<!tpu.dma_semaphore, #tpu.memory_space<semaphore_mem>>) src(%arg11 : memref<512xf32, #tpu.memory_space<vmem>>) dst(%dma_wait3A_273 : memref<512xf32, #tpu.memory_space<hbm>>)
      tpu.yield
    }) : () -> ()
    return
  }
}

</mosaic_0001>

<sc_bundles>
// kernel: kernel.3.cloned.1.call-start
scs
__scs_entry_jumppad:
0x0: {  	(pc) =	sbr.rel $0x88, $3  }
0x1: {  	(tag) =	ssettag $0x0;
	lr =	simm.s32 $0x1  }
0x2: {  	[smem:$0x3F9D] =	sst lr;
	_ =	strace $0xD0000000  }
0x3: {  	_ = 	snop  }
0x4: {  	_ = 	snop  }
0x5: {  	_ = 	snop  }
0x6: {  	_ = 	snop  }
0x7: {  	_ = 	snop  }
__scs_overlays_trampoline_lowered:
0x8: {  	[smem:$0x3FAC] =	sst s0  }
0x9: {  	[smem:$0x3FAD] =	sst s1  }
0xa: {  	[smem:$0x3FAE] =	sst s2  }
0xb: {  	[smem:$0x3FAF] =	sst s3  }
0xc: {  	[smem:$0x3FB0] =	sst s4  }
0xd: {  	[smem:$0x3FB1] =	sst s5  }
0xe: {  	[smem:$0x3FB2] =	sst s6  }
0xf: {  	[smem:$0x3FB3] =	sst s7  }
0x10: {  	[smem:$0x3FB4] =	sst s8  }
0x11: {  	[smem:$0x3FB5] =	sst s9;
	s0 =	simm.s32 @!p0 $0x0  }
0x12: {  	s1 =	sld [smem:$0x3F9B];
	s0 =	simm.s32 @p0 $0x1  }
0x13: {  	[smem:$0x3FB6] =	sst s0;
	s0 =	simm.s32 @!p1 $0x0  }
0x14: {  	s2 =	sld [smem:$0x3F9A];
	s0 =	simm.s32 @p1 $0x1  }
0x15: {  	[smem:$0x3FB7] =	sst s0;
	s0 =	simm.s32 @!p2 $0x0  }
0x16: {  	s3 =	sld [smem:$0x3FDB];
	s0 =	simm.s32 @p2 $0x1  }
0x17: {  	s4 =	simm.s32 $0x1BF5;
	[smem:$0x3FB9] =	sst s0  }
0x18: {  	s0 =	sld [smem:$0x3F9C];
	_ =	swait.ge [sflag:s4], $0x0  }
0x19: {  	s7 =	sld [smem:$0x3F9D]  }
0x1a: {  	s8 =	sadd.s32 $0xFFFFE003, lr  }
0x1b: {  	s9 =	sadd.s32 $0xFFFFFEF7, lr;
	s5 =	simm.s32 $0xFFFFFFFF;
	p2 =	slt.u32 s8, $0xFFFFF086  }
0x1c: {  	p1 =	slt.u32 s9, $0xF7A;
	s5 =	simm.s32 @!p2 $0x0  }
0x1d: {  	s5 =	simm.s32 @p1 $0x1;
	p0 =	seq.s32 s7, s2  }
0x1e: {  	s7 =	smul.u32 @!p0 $0xF7A, s2;
	p2 =	seq.s32 @!p0 s5, $0x0  }
0x1f: {  	s9 =	smul.u32 $0xF7A, s1;
	s8 =	simm.s32 @!p0 $0x1BF5;
	p2 =	por !p2, p0  }
0x20: {  	[sflag:s8] =	ssyncset.s32 @!p0 $0xFFFFF086;
	s6 =	sadd.s32 @!p0 s3, s7;
	s7 =	simm.s32 @!p0 $0x108  }
0x21: {  	s3 =	sadd.s32 s3, s9;
	s6 =	sadd.s32 @!p0 $0x88, s6;
	s7 =	simm.s32 @p2 $0x1082  }
0x22: {  	[simem:s7], [sflag:s8] =	dma.local @!p0 [hbm:s6], $0xF7A  }
0x23: {  	s9 =	sor.u32 $0xD0000000, s2;
	s6 =	simm.s32 $0x108;
	_ =	swait.ge @!p0 [sflag:s8], $0x0  }
0x24: {  	s3 =	sadd.s32 $0x88, s3;
	s6 =	simm.s32 @!p1 $0x1082;
	[sflag:s4] =	ssyncset.s32 $0xFFFFF086  }
0x25: {  	[simem:s6], [sflag:s4] =	dma.local [hbm:s3], $0xF7A  }
0x26: {  	[smem:$0x3F9D] =	sst s1;
	(tag) =	ssettag s2;
	_ =	strace s9  }
0x27: {  	s1 =	sld [smem:$0x3FAD]  }
0x28: {  	s2 =	sld [smem:$0x3FAE]  }
0x29: {  	s4 =	sld [smem:$0x3FB0]  }
0x2a: {  	p0 =	seq.s32 s5, $0x0;
	s5 =	sld [smem:$0x3FB1]  }
0x2b: {  	s6 =	sld [smem:$0x3FB2]  }
0x2c: {  	s7 =	sld [smem:$0x3FB3]  }
0x2d: {  	s3 =	simm.s32 $0x108;
	s8 =	sld [smem:$0x3FB4]  }
0x2e: {  	s3 =	simm.s32 @!p0 $0x1082;
	s9 =	sld [smem:$0x3FB5]  }
0x2f: {  	lr =	sadd.s32 s0, s3;
	s0 =	sld [smem:$0x3FAC]  }
0x30: {  	s3 =	sld [smem:$0x3FAF]  }
0x31: {  	[smem:$0x3FB8] =	sst s10  }
0x32: {  	s10 =	sld [smem:$0x3FB6];
	_ =	sdelay $0x3  }
0x33: {  	p0 =	seq.s32 s10, $0x1;
	s10 =	sld [smem:$0x3FB8];
	_ =	sdelay $0x3  }
0x34: {  	[smem:$0x3FB8] =	sst s10  }
0x35: {  	s10 =	sld [smem:$0x3FB7];
	_ =	sdelay $0x3  }
0x36: {  	p1 =	seq.s32 s10, $0x1;
	s10 =	sld [smem:$0x3FB8];
	_ =	sdelay $0x3  }
0x37: {  	[smem:$0x3FB8] =	sst s10  }
0x38: {  	s10 =	sld [smem:$0x3FB9]  }
0x39: {  	_ = 	snop;
	(pc) =	sbr.ind lr, $3  }
0x3a: {  	_ = 	snop  }
0x3b: {  	_ = 	snop  }
0x3c: {  	p2 =	seq.s32 s10, $0x1;
	s10 =	sld [smem:$0x3FB8]  }
0x3d: {  	_ =	shalt  }
0x3e: {  	_ =	shalt  }
0x3f: {  	_ =	shalt  }
0x40: {  	_ =	shalt  }
0x41: {  	_ =	shalt  }
0x42: {  	_ =	shalt  }
0x43: {  	_ =	shalt  }
0x44: {  	_ =	shalt  }
0x45: {  	_ =	shalt  }
0x46: {  	_ =	shalt  }
0x47: {  	_ =	shalt  }
0x48: {  	_ =	shalt  }
0x49: {  	_ =	shalt  }
0x4a: {  	_ =	shalt  }
0x4b: {  	_ =	shalt  }
0x4c: {  	_ =	shalt  }
0x4d: {  	_ =	shalt  }
0x4e: {  	_ =	shalt  }
0x4f: {  	_ =	shalt  }
0x50: {  	_ =	shalt  }
0x51: {  	_ =	shalt  }
0x52: {  	_ =	shalt  }
0x53: {  	_ =	shalt  }
0x54: {  	_ =	shalt  }
0x55: {  	_ =	shalt  }
0x56: {  	_ =	shalt  }
0x57: {  	_ =	shalt  }
0x58: {  	_ =	shalt  }
0x59: {  	_ =	shalt  }
0x5a: {  	_ =	shalt  }
0x5b: {  	_ =	shalt  }
0x5c: {  	_ =	shalt  }
0x5d: {  	_ =	shalt  }
0x5e: {  	_ =	shalt  }
0x5f: {  	_ =	shalt  }
0x60: {  	_ =	shalt  }
0x61: {  	_ =	shalt  }
0x62: {  	_ =	shalt  }
0x63: {  	_ =	shalt  }
0x64: {  	_ =	shalt  }
0x65: {  	_ =	shalt  }
0x66: {  	_ =	shalt  }
0x67: {  	_ =	shalt  }
0x68: {  	_ =	shalt  }
0x69: {  	_ =	shalt  }
0x6a: {  	_ =	shalt  }
0x6b: {  	_ =	shalt  }
0x6c: {  	_ =	shalt  }
0x6d: {  	_ =	shalt  }
0x6e: {  	_ =	shalt  }
0x6f: {  	_ =	shalt  }
0x70: {  	_ =	shalt  }
0x71: {  	_ =	shalt  }
0x72: {  	_ =	shalt  }
0x73: {  	_ =	shalt  }
0x74: {  	_ =	shalt  }
0x75: {  	_ =	shalt  }
0x76: {  	_ =	shalt  }
0x77: {  	_ =	shalt  }
0x78: {  	_ =	shalt  }
0x79: {  	_ =	shalt  }
0x7a: {  	_ =	shalt  }
0x7b: {  	_ =	shalt  }
0x7c: {  	_ =	shalt  }
0x7d: {  	_ =	shalt  }
0x7e: {  	_ =	shalt  }
0x7f: {  	_ =	shalt  }
0x80: {  	_ =	shalt  }
0x81: {  	_ =	shalt  }
0x82: {  	_ =	shalt  }
0x83: {  	_ =	shalt  }
0x84: {  	_ =	shalt  }
0x85: {  	_ =	shalt  }
0x86: {  	_ =	shalt  }
0x87: {  	_ =	shalt  }
.Lfunc_end0:
.L_simem_size_0:
called_computation_lowered:
.L_overlay_start_0:
0x88: {  	s2 =	sld [smem:$0x3FD9]  }
0x89: {  	s3 =	sld [smem:$0x3FFE];
	_ =	sdelay $0x1  }
0x8a: {  	s1 =	srdreg.scid  }
0x8b: {  	s0 =	sand.u32 $0x1, s1  }
0x8c: {  	s17 =	sshll.u32 s0, $0xA;
	s2 =	sadd.s32 s3, s2  }
0x8d: {  	s2 =	sadd.s32 s2, s17  }
0x8e: {  	[smem:$0x3FC4] =	sst s2  }
0x8f: {  	_ = 	snop  }
0x90: {  	s2 =	sld [smem:$0x3FD0];
	(tm) =	ssettm $0x1  }
0x91: {  	s18 =	sld [smem:$0x3FFB];
	_ =	sdelay $0x3  }
0x92: {  	_ =	strace s18  }
0x93: {  	s3 =	sld [smem:$0x3FFC];
	_ =	sdelay $0x3  }
0x94: {  	_ =	strace s3  }
0x95: {  	s3 =	sld [smem:$0x3FFD];
	_ =	sdelay $0x3  }
0x96: {  	_ =	strace s3  }
0x97: {  	_ =	strace $0x8FFFFFFF  }
0x98: {  	s19 =	sld [smem:$0x3FDB];
	_ =	sdelay $0x1  }
0x99: {  	s4 =	simm.s32 $_scs_section_size  }
0x9a: {  	s5 =	simm.s32 $_size__tile_overlayer_lowered;
	s6 =	simm.s32 $_tile_overlayer_lowered  }
0x9b: {  	s22 =	simm.s32 $0x1BFF;
	s21 =	sshll.u32 s6, $0x1;
	s3 =	sadd.s32 s4, s19  }
0x9c: {  	s7 =	simm.s32 $0x0;
	s20 =	sshll.u32 s5, $0x1;
	s5 =	sadd.s32 s21, s3  }
0x9d: {  	[timem:s7], [sflag:s22] =	dma.local [hbm:s5], s20  }
0x9e: {  	_ =	swait.ge [sflag:s22], s20  }
0x9f: {  	s4 =	ssub.s32 $0x0, s20;
	[sflag:s22] =	ssyncset.done $0x0  }
0xa0: {  	[sflag:s22] =	ssyncadd.s32 s4;
	_ =	sdelay $0x1  }
0xa1: {  	s23 =	simm.s32 $0x1B8B  }
0xa2: {  	_ =	swait.ge [sflag:s23], $0x1  }
0xa3: {  	[sflag:s23] =	ssyncset.done $0x0  }
0xa4: {  	s25 =	simm.s32 $0x1B8E;
	s24 =	sld [smem:$0x3FFE];
	[sflag:s23] =	ssyncadd.s32 $0xFFFFFFFF  }
0xa5: {  	s26 =	simm.s32 $execute0_lowered;
	[smem:$0x3FD2] =	sst s25  }
0xa6: {  	s5 =	sshll.u32 s26, $0x1;
	_ =	strace $0x80000046;
	[dreg:$0x1] =	wrdreg $0xFFFFFFFF  }
0xa7: {  	s28 =	simm.s32 $_size_execute0_lowered;
	s3 =	sadd.s32 s3, s5;
	[dreg:$0x0] =	wrdreg $0x0  }
0xa8: {  	s5 =	sshll.u32 s28, $0x1;
	[dreg:$0x2] =	wrdreg s3  }
0xa9: {  	[dreg:$0x3] =	wrdreg s5  }
0xaa: {  	[dreg:$0x4] =	wrdreg $0xC0  }
0xab: {  	_ =	task [dreg:s7], $0x5FFFF  }
0xac: {  	[dreg:$0x1] =	wrdreg $0xFFFFFFFF  }
0xad: {  	[dreg:$0x0] =	wrdreg $0x60  }
0xae: {  	[dreg:$0x2] =	wrdreg s24  }
0xaf: {  	[dreg:$0x3] =	wrdreg s2  }
0xb0: {  	[dreg:$0x4] =	wrdreg $0x9  }
0xb1: {  	_ =	task.clear_ibuf [dreg:s7], $0x5FFFF;
	_ =	strace $0x90000046  }
0xb2: {  	s29 =	simm.s32 $0x9;
	_ =	strace $0x80000048  }
0xb3: {  	_ =	swait.ge [sflag:s29], $0x1  }
0xb4: {  	[sflag:s29] =	ssyncadd.s32 $0xFFFFFFFF  }
0xb5: {  	_ =	strace $0x90000048  }
0xb6: {  	_ =	sfence  }
0xb7: {  	s30 =	sld [smem:$0x0];
	_ =	sdelay $0x2  }
0xb8: {  	s31 =	sshll.u32 s1, $0xD;
	s1 =	sshrl.u32 s1, $0x2  }
0xb9: {  	s3 =	sand.u32 $0x4000, s31;
	s1 =	sadd.s32 s1, s30  }
0xba: {  	s0 =	sor.u32 s3, s0;
	s1 =	sshll.u32 s1, $0x11  }
0xbb: {  	s0 =	sor.u32 s1, s0  }
0xbc: {  	s0 =	sadd.s32 $0x8F2B, s0  }
0xbd: {  	[sflag:s0] =	ssyncadd.remote.s32 $0x1  }
0xbe: {  	_ =	sfence.sel $0xFFFF  }
0xbf: {  	[dreg:$0x0] =	wrdreg $0xFFFFFFFF;
	(pc) =	sbr.abs _section_cstart, $3  }
0xc0: {  	[dreg:$0x1] =	wrdreg $0xFFFFFFFF  }
0xc1: {  	_ =	task.clear_ibuf [dreg:s7], $0x2FFFF;
	_ =	strace $0x9FFFFFFF  }
0xc2: {  	(tm) =	ssettm $0x7FFFFFFF  }
0xc3: {  	_ =	shalt  }
tec
execute0_lowered:
.L_overlay_start_1:
0x0: {  	(tag) =	ssettag $0x1  }
0x1: {  	s0 =	srdreg.scid;
	s1 =	rddreg [dreg:$0x0]  }
0x2: {  	s2 =	stileid.u32;
	s7 =	rddreg [dreg:$0x1]  }
0x3: {  	s10 =	simm.s32 $0x80;
	s17 =	simm.s32 $0x200;
	s18 =	simm.s32 $0x8600  }
0x4: {  	s19 =	simm.s32 $0x280;
	s20 =	simm.s32 $0xA600;
	s21 =	simm.s32 $0x300  }
0x5: {  	s22 =	simm.s32 $0xC600;
	s23 =	simm.s32 $0x380;
	s24 =	simm.s32 $0xE600  }
0x6: {  	s25 =	simm.s32 $0x400;
	s28 =	simm.s32 $0x480;
	s29 =	simm.s32 $0x12600  }
0x7: {  	s30 =	simm.s32 $0x500;
	s31 =	simm.s32 $0x14600;
	s11 =	simm.s32 $0x1  }
0x8: {  	s12 =	simm.s32 $0x18600;
	s13 =	simm.s32 $0x0;
	s0 =	sand.u32 $0x1, s0  }
0x9: {  	s2 =	sshll.u32 s2, $0x1;
	s4 =	sadd.s32 $0x24C200, s1;
	s5 =	sadd.s32 $0x188C00, s1  }
0xa: {  	vm0 =	vmmov $0x1;
	s6 =	sor.u32 s0, s2;
	s2 =	simm.s32 $0x0;
	s0 =	ssub.s32 $0x2, s0  }
0xb: {  	vm1 =	vcmask $0x704;
	vm2 =	vcmask $0xB08;
	vm3 =	vcmask $0xF0C;
	s3 =	smul.u32 $0xC0, s6;
	[smem:$0x7FF] =	sst s2;
	s9 =	sshrl.u32 s0, $0x1  }
0xc: {  	vm4 =	vcmask $0x1310;
	vm5 =	vcmask $0x1714;
	vm6 =	vcmask $0x1B18;
	s26 =	sshll.u32 s6, $0x6;
	_ =	strace $0x80000047;
	s0 =	ssub.s32 s0, s9  }
0xd: {  	vm7 =	vcmask $0x1F1C;
	vm8 =	vcmask $0x2320;
	vm9 =	vcmask $0x2724;
	s7 =	sadd.s32 s7, s26;
	s9 =	simm.s32 $0x2;
	s26 =	simm.s32 $0x10600  }
0xe: {  	vm10 =	vcmask $0x2B28;
	vm11 =	vcmask $0x2F2C;
	vm12 =	vcmask $0x3330;
	s8 =	sadd.s32 s3, s1;
	s3 =	sadd.s32 $0x30F800, s1;
	s1 =	simm.s32 $0x580  }
0xf: {  	vm13 =	vcmask $0x3734;
	vm14 =	vcmask $0x3B38;
	vm15 =	vmmov $0x7fff;
	s6 =	sadd.s32 $0x2200, s8;
	s8 =	smax.u32 s0, $0x1;
	s0 =	simm.s32 $0x16600  }
.LBB2_1:
0x10: {  	[tilespmem:s2], [sflag:$0x2] =	stream.linear.gather [hbm4b:s6+s2], $0x600, $0x38;
	[tilespmem:$0x18800] =	vst v63  }
0x11: {  	_ =	swait.ge [sflag:s9], $0x600  }
0x12: {  	[sflag:s9] =	ssyncset.done $0x0  }
0x13: {  	s14 =	simm.s32 $0x600;
	[sflag:s9] =	ssyncadd.s32 $0xFFFFFA00  }
0x14: {  	[tilespmem:s14], [sflag:$0x1] =	stream.indirect.gather [hbm4b:s3+s10], $0x40, s2, s10, $0xb8;
	[tilespmem:$0x18800] =	vst v63  }
0x15: {  	s15 =	simm.s32 $0x2600  }
0x16: {  	[tilespmem:s15], [sflag:$0x1] =	stream.indirect.gather [hbm4b:s3+s10], $0x40, s10, s10, $0xb8;
	[tilespmem:$0x18800] =	vst v63  }
0x17: {  	s16 =	simm.s32 $0x100;
	s15 =	simm.s32 $0x4600  }
0x18: {  	[tilespmem:s15], [sflag:$0x1] =	stream.indirect.gather [hbm4b:s3+s10], $0x40, s16, s10, $0xb8;
	[tilespmem:$0x18800] =	vst v63  }
0x19: {  	s15 =	simm.s32 $0x180;
	s16 =	simm.s32 $0x6600  }
0x1a: {  	[tilespmem:s16], [sflag:$0x1] =	stream.indirect.gather [hbm4b:s3+s10], $0x40, s15, s10, $0xb8;
	[tilespmem:$0x18800] =	vst v63  }
0x1b: {  	_ = 	snop  }
0x1c: {  	[tilespmem:s18], [sflag:$0x1] =	stream.indirect.gather [hbm4b:s4+s10], $0x40, s17, s10, $0xb8;
	[tilespmem:$0x18800] =	vst v63  }
0x1d: {  	_ = 	snop  }
0x1e: {  	[tilespmem:s20], [sflag:$0x1] =	stream.indirect.gather [hbm4b:s4+s10], $0x40, s19, s10, $0xb8;
	[tilespmem:$0x18800] =	vst v63  }
0x1f: {  	_ = 	snop  }
0x20: {  	[tilespmem:s22], [sflag:$0x1] =	stream.indirect.gather [hbm4b:s4+s10], $0x40, s21, s10, $0xb8;
	[tilespmem:$0x18800] =	vst v63  }
0x21: {  	_ = 	snop  }
0x22: {  	[tilespmem:s24], [sflag:$0x1] =	stream.indirect.gather [hbm4b:s4+s10], $0x40, s23, s10, $0xb8;
	[tilespmem:$0x18800] =	vst v63  }
0x23: {  	_ = 	snop  }
0x24: {  	[tilespmem:s26], [sflag:$0x1] =	stream.indirect.gather [hbm4b:s5+s10], $0x40, s25, s10, $0xb8;
	[tilespmem:$0x18800] =	vst v63  }
0x25: {  	_ = 	snop  }
0x26: {  	[tilespmem:s29], [sflag:$0x1] =	stream.indirect.gather [hbm4b:s5+s10], $0x40, s28, s10, $0xb8;
	[tilespmem:$0x18800] =	vst v63  }
0x27: {  	_ = 	snop  }
0x28: {  	[tilespmem:s31], [sflag:$0x1] =	stream.indirect.gather [hbm4b:s5+s10], $0x40, s30, s10, $0xb8;
	[tilespmem:$0x18800] =	vst v63  }
0x29: {  	_ = 	snop  }
0x2a: {  	[tilespmem:s0], [sflag:$0x1] =	stream.indirect.gather [hbm4b:s5+s10], $0x40, s1, s10, $0xb8;
	[tilespmem:$0x18800] =	vst v63  }
0x2b: {  	_ =	swait.ge [sflag:s11], $0x2000  }
0x2c: {  	[sflag:s11] =	ssyncset.done $0x0  }
0x2d: {  	[sflag:s11] =	ssyncadd.s32 $0xFFFFE000  }
0x2e: {  	_ =	swait.ge [sflag:s11], $0x2000  }
0x2f: {  	[sflag:s11] =	ssyncset.done $0x0  }
0x30: {  	[sflag:s11] =	ssyncadd.s32 $0xFFFFE000  }
0x31: {  	_ =	swait.ge [sflag:s11], $0x2000  }
0x32: {  	[sflag:s11] =	ssyncset.done $0x0  }
0x33: {  	[sflag:s11] =	ssyncadd.s32 $0xFFFFE000  }
0x34: {  	_ =	swait.ge [sflag:s11], $0x2000  }
0x35: {  	[sflag:s11] =	ssyncset.done $0x0  }
0x36: {  	[sflag:s11] =	ssyncadd.s32 $0xFFFFE000  }
0x37: {  	_ =	swait.ge [sflag:s11], $0x2000  }
0x38: {  	[sflag:s11] =	ssyncset.done $0x0  }
0x39: {  	[sflag:s11] =	ssyncadd.s32 $0xFFFFE000  }
0x3a: {  	_ =	swait.ge [sflag:s11], $0x2000  }
0x3b: {  	[sflag:s11] =	ssyncset.done $0x0  }
0x3c: {  	[sflag:s11] =	ssyncadd.s32 $0xFFFFE000  }
0x3d: {  	_ =	swait.ge [sflag:s11], $0x2000  }
0x3e: {  	[sflag:s11] =	ssyncset.done $0x0  }
0x3f: {  	[sflag:s11] =	ssyncadd.s32 $0xFFFFE000  }
0x40: {  	_ =	swait.ge [sflag:s11], $0x2000  }
0x41: {  	[sflag:s11] =	ssyncset.done $0x0  }
0x42: {  	[sflag:s11] =	ssyncadd.s32 $0xFFFFE000  }
0x43: {  	_ =	swait.ge [sflag:s11], $0x2000  }
0x44: {  	[sflag:s11] =	ssyncset.done $0x0  }
0x45: {  	[sflag:s11] =	ssyncadd.s32 $0xFFFFE000  }
0x46: {  	_ =	swait.ge [sflag:s11], $0x2000  }
0x47: {  	[sflag:s11] =	ssyncset.done $0x0  }
0x48: {  	[sflag:s11] =	ssyncadd.s32 $0xFFFFE000  }
0x49: {  	_ =	swait.ge [sflag:s11], $0x2000  }
0x4a: {  	[sflag:s11] =	ssyncset.done $0x0  }
0x4b: {  	[sflag:s11] =	ssyncadd.s32 $0xFFFFE000  }
0x4c: {  	_ =	swait.ge [sflag:s11], $0x2000  }
0x4d: {  	[sflag:s11] =	ssyncset.done $0x0  }
0x4e: {  	s16 =	simm.s32 $0x0;
	[sflag:s11] =	ssyncadd.s32 $0xFFFFE000  }
0x4f: {  	v0 =	vld [tilespmem:s16+$0x89F0];
	_ =	sdelay $0x4  }
0x50: {  	[tilespmem:$0x1F710] =	vst v0;
	v0 =	vld [tilespmem:s16+$0x9E0];
	_ =	sdelay $0x4  }
0x51: {  	[tilespmem:$0x1F720] =	vst v0;
	v0 =	vld [tilespmem:s16+$0x89E0];
	_ =	sdelay $0x4  }
0x52: {  	[tilespmem:$0x1F730] =	vst v0;
	v0 =	vld [tilespmem:s16+$0x10970];
	_ =	sdelay $0x4  }
0x53: {  	[tilespmem:$0x1F760] =	vst v0;
	v0 =	vld [tilespmem:s16+$0x9B0];
	_ =	sdelay $0x4  }
0x54: {  	[tilespmem:$0x1F740] =	vst v0;
	v0 =	vld [tilespmem:s16+$0x89B0];
	_ =	sdelay $0x4  }
0x55: {  	[tilespmem:$0x1F750] =	vst v0;
	v0 =	vld [tilespmem:s16+$0x109C0];
	_ =	sdelay $0x4  }
0x56: {  	[tilespmem:$0x1F790] =	vst v0;
	v0 =	vld [tilespmem:s16+$0x10960];
	_ =	sdelay $0x4  }
0x57: {  	[tilespmem:$0x1F7C0] =	vst v0;
	v0 =	vld [tilespmem:s16+$0x10990];
	_ =	sdelay $0x4  }
0x58: {  	[tilespmem:$0x1F7D0] =	vst v0;
	v0 =	vld [tilespmem:s16+$0x9A0];
	_ =	sdelay $0x4  }
0x59: {  	[tilespmem:$0x1F770] =	vst v0;
	v0 =	vld [tilespmem:s16+$0x89A0];
	_ =	sdelay $0x4  }
0x5a: {  	[tilespmem:$0x1F780] =	vst v0;
	v0 =	vld [tilespmem:s16+$0x108F0];
	_ =	sdelay $0x4  }
0x5b: {  	[tilespmem:$0x1F7E0] =	vst v0;
	v0 =	vld [tilespmem:s16+$0x930];
	_ =	sdelay $0x4  }
0x5c: {  	[tilespmem:$0x1F7A0] =	vst v0;
	v0 =	vld [tilespmem:s16+$0x8930];
	_ =	sdelay $0x4  }
0x5d: {  	[tilespmem:$0x1F7B0] =	vst v0;
	v0 =	vld [tilespmem:s16+$0x10950];
	_ =	sdelay $0x4  }
0x5e: {  	[tilespmem:$0x1F810] =	vst v0;
	v0 =	vld [tilespmem:s16+$0x10980];
	_ =	sdelay $0x4  }
0x5f: {  	[tilespmem:$0x1F820] =	vst v0;
	v0 =	vld [tilespmem:s16+$0x108E0];
	_ =	sdelay $0x4  }
0x60: {  	[tilespmem:$0x1F850] =	vst v0;
	v0 =	vld [tilespmem:s16+$0x10910];
	_ =	sdelay $0x4  }
0x61: {  	[tilespmem:$0x1F860] =	vst v0;
	v0 =	vld [tilespmem:s16+$0x920];
	_ =	sdelay $0x4  }
0x62: {  	[tilespmem:$0x1F7F0] =	vst v0;
	v0 =	vld [tilespmem:s16+$0x8920];
	_ =	sdelay $0x4  }
0x63: {  	[tilespmem:$0x1F800] =	vst v0;
	v0 =	vld [tilespmem:s16+$0x10940];
	_ =	sdelay $0x4  }
0x64: {  	[tilespmem:$0x1F870] =	vst v0;
	v0 =	vld [tilespmem:s16+$0x10870];
	_ =	sdelay $0x4  }
0x65: {  	[tilespmem:$0x1F880] =	vst v0;
	v0 =	vld [tilespmem:s16+$0x8B0];
	_ =	sdelay $0x4  }
0x66: {  	[tilespmem:$0x1F830] =	vst v0;
	v0 =	vld [tilespmem:s16+$0x88B0];
	_ =	sdelay $0x4  }
0x67: {  	[tilespmem:$0x1F840] =	vst v0;
	v0 =	vld [tilespmem:s16+$0x108D0];
	_ =	sdelay $0x4  }
0x68: {  	[tilespmem:$0x1F8B0] =	vst v0;
	v0 =	vld [tilespmem:s16+$0x10900];
	_ =	sdelay $0x4  }
0x69: {  	[tilespmem:$0x1FAD0] =	vst v0;
	v0 =	vld [tilespmem:s16+$0x10860];
	_ =	sdelay $0x4  }
0x6a: {  	[tilespmem:$0x1F900] =	vst v0;
	v0 =	vld [tilespmem:s16+$0x8A0];
	_ =	sdelay $0x4  }
0x6b: {  	[tilespmem:$0x1F890] =	vst v0;
	v0 =	vld [tilespmem:s16+$0x88A0];
	_ =	sdelay $0x4  }
0x6c: {  	[tilespmem:$0x1F8A0] =	vst v0;
	v0 =	vld [tilespmem:s16+$0x108C0];
	_ =	sdelay $0x4  }
0x6d: {  	[tilespmem:$0x1F8E0] =	vst v0;
	v0 =	vld [tilespmem:s16+$0x900];
	_ =	sdelay $0x4  }
0x6e: {  	[tilespmem:$0x1F8C0] =	vst v0;
	v0 =	vld [tilespmem:s16+$0x107F0];
	_ =	sdelay $0x4  }
0x6f: {  	[tilespmem:$0x1F8F0] =	vst v0;
	v0 =	vld [tilespmem:s16+$0x10850];
	_ =	sdelay $0x4  }
0x70: {  	[tilespmem:$0x1F910] =	vst v0;
	v0 =	vld [tilespmem:s16+$0x860];
	_ =	sdelay $0x4  }
0x71: {  	[tilespmem:$0x1F8D0] =	vst v0;
	v0 =	vld [tilespmem:s16+$0x10880];
	_ =	sdelay $0x4  }
0x72: {  	[tilespmem:$0x1FAB0] =	vst v0;
	v0 =	vld [tilespmem:s16+$0x890];
	_ =	sdelay $0x4  }
0x73: {  	[tilespmem:$0x1FAC0] =	vst v0;
	v0 =	vld [tilespmem:s16+$0x107B0];
	_ =	sdelay $0x4  }
0x74: {  	[tilespmem:$0x1FA90] =	vst v0;
	v0 =	vld [tilespmem:s16+$0x107E0];
	_ =	sdelay $0x2  }
0x75: {  	v32 =	vld [tilespmem:s16+$0x9F0]  }
0x76: {  	v4 =	vld [tilespmem:s16+$0x109D0]  }
0x77: {  	[tilespmem:$0x1F920] =	vst v0;
	v0 =	vld [tilespmem:s16+$0x10840]  }
0x78: {  	v27 =	vld [tilespmem:s16+$0x9D0]  }
0x79: {  	v41 =	vld [tilespmem:s16+$0x89D0]  }
0x7a: {  	v20 =	vld [tilespmem:s16+$0x970]  }
0x7b: {  	v43 =	vld [tilespmem:s16+$0x8970]  }
0x7c: {  	[tilespmem:$0x1F930] =	vst v0;
	v0 =	vld [tilespmem:s16+$0x880]  }
0x7d: {  	v46 =	vld [tilespmem:s16+$0x9C0]  }
0x7e: {  	v47 =	vld [tilespmem:s16+$0x89C0]  }
0x7f: {  	v50 =	vld [tilespmem:s16+$0x960]  }
0x80: {  	v51 =	vld [tilespmem:s16+$0x8960]  }
0x81: {  	[tilespmem:$0x1FAA0] =	vst v0;
	v0 =	vld [tilespmem:s16+$0x10770]  }
0x82: {  	v52 =	vld [tilespmem:s16+$0x990]  }
0x83: {  	v53 =	vld [tilespmem:s16+$0x8990]  }
0x84: {  	v54 =	vld [tilespmem:s16+$0x8F0]  }
0x85: {  	v55 =	vld [tilespmem:s16+$0x88F0]  }
0x86: {  	[tilespmem:$0x1F940] =	vst v0;
	v0 =	vld [tilespmem:s16+$0x107A0]  }
0x87: {  	v58 =	vld [tilespmem:s16+$0x950]  }
0x88: {  	v59 =	vld [tilespmem:s16+$0x8950]  }
0x89: {  	v60 =	vld [tilespmem:s16+$0x980]  }
0x8a: {  	v61 =	vld [tilespmem:s16+$0x8980]  }
0x8b: {  	[tilespmem:$0x1FA70] =	vst v0;
	v0 =	vld [tilespmem:s16+$0x107D0]  }
0x8c: {  	v29 =	vld [tilespmem:s16+$0x8E0]  }
0x8d: {  	v24 =	vld [tilespmem:s16+$0x88E0]  }
0x8e: {  	v34 =	vld [tilespmem:s16+$0x910]  }
0x8f: {  	v30 =	vld [tilespmem:s16+$0x8910]  }
0x90: {  	[tilespmem:$0x1F970] =	vst v0;
	v0 =	vld [tilespmem:s16+$0x810]  }
0x91: {  	v37 =	vld [tilespmem:s16+$0x940]  }
0x92: {  	v35 =	vld [tilespmem:s16+$0x8940]  }
0x93: {  	v36 =	vld [tilespmem:s16+$0x870]  }
0x94: {  	v26 =	vld [tilespmem:s16+$0x8870]  }
0x95: {  	[tilespmem:$0x1FA80] =	vst v0;
	v0 =	vld [tilespmem:s16+$0x10730]  }
0x96: {  	v25 =	vld [tilespmem:s16+$0x8D0]  }
0x97: {  	v1 =	vld [tilespmem:s16+$0x88D0]  }
0x98: {  	v63 =	vld [tilespmem:s16+$0x8900]  }
0x99: {  	v49 =	vld [tilespmem:s16+$0x830]  }
0x9a: {  	[tilespmem:$0x1FA50] =	vst v0;
	v0 =	vld [tilespmem:s16+$0x10760]  }
0x9b: {  	v39 =	vld [tilespmem:s16+$0x8830]  }
0x9c: {  	v48 =	vld [tilespmem:s16+$0x8860]  }
0x9d: {  	v21 =	vld [tilespmem:s16+$0x8C0]  }
0x9e: {  	v18 =	vld [tilespmem:s16+$0x88C0]  }
0x9f: {  	[tilespmem:$0x1F980] =	vst v0;
	v0 =	vld [tilespmem:s16+$0x7A0]  }
0xa0: {  	v13 =	vld [tilespmem:s16+$0x7F0]  }
0xa1: {  	v10 =	vld [tilespmem:s16+$0x87F0]  }
0xa2: {  	v62 =	vld [tilespmem:s16+$0x820]  }
0xa3: {  	v44 =	vld [tilespmem:s16+$0x8820]  }
0xa4: {  	[tilespmem:$0x1F950] =	vst v0;
	v0 =	vld [tilespmem:s16+$0x107C0]  }
0xa5: {  	v9 =	vld [tilespmem:s16+$0x850]  }
0xa6: {  	v6 =	vld [tilespmem:s16+$0x8850]  }
0xa7: {  	v57 =	vld [tilespmem:s16+$0x7B0]  }
0xa8: {  	v40 =	vld [tilespmem:s16+$0x87B0]  }
0xa9: {  	[tilespmem:$0x1F960] =	vst v0;
	v0 =	vld [tilespmem:s16+$0x800]  }
0xaa: {  	v17 =	vld [tilespmem:s16+$0x7E0]  }
0xab: {  	v14 =	vld [tilespmem:s16+$0x87E0]  }
0xac: {  	v11 =	vld [tilespmem:s16+$0x840]  }
0xad: {  	v8 =	vld [tilespmem:s16+$0x8840]  }
0xae: {  	[tilespmem:$0x1FA60] =	vst v0;
	v0 =	vld [tilespmem:s16+$0x106F0]  }
0xaf: {  	v7 =	vld [tilespmem:s16+$0x770]  }
0xb0: {  	v5 =	vld [tilespmem:s16+$0x8770]  }
0xb1: {  	v38 =	vld [tilespmem:s16+$0x87A0]  }
0xb2: {  	v31 =	vld [tilespmem:s16+$0x7D0]  }
0xb3: {  	v28 =	vld [tilespmem:s16+$0x87D0];
	[tilespmem:$0x1F990] =	vst v0  }
0xb4: {  	v0 =	vld [tilespmem:s16+$0x10720];
	_ =	sdelay $0x4  }
0xb5: {  	[tilespmem:$0x1FA30] =	vst v0;
	v0 =	vld [tilespmem:s16+$0x10750];
	_ =	sdelay $0x4  }
0xb6: {  	[tilespmem:$0x1F9C0] =	vst v0;
	v0 =	vld [tilespmem:s16+$0x790];
	_ =	sdelay $0x4  }
0xb7: {  	[tilespmem:$0x1FA40] =	vst v0;
	v0 =	vld [tilespmem:s16+$0x106B0];
	_ =	sdelay $0x4  }
0xb8: {  	[tilespmem:$0x1FA10] =	vst v0;
	v0 =	vld [tilespmem:s16+$0x106E0];
	_ =	sdelay $0x4  }
0xb9: {  	[tilespmem:$0x1F9E0] =	vst v0;
	v0 =	vld [tilespmem:s16+$0x720];
	_ =	sdelay $0x4  }
0xba: {  	[tilespmem:$0x1F9A0] =	vst v0;
	v0 =	vld [tilespmem:s16+$0x10740];
	_ =	sdelay $0x4  }
0xbb: {  	[tilespmem:$0x1F9B0] =	vst v0;
	v0 =	vld [tilespmem:s16+$0x780];
	_ =	sdelay $0x4  }
0xbc: {  	[tilespmem:$0x1FA20] =	vst v0;
	v0 =	vld [tilespmem:s16+$0x10670];
	_ =	sdelay $0x4  }
0xbd: {  	[tilespmem:$0x1F9D0] =	vst v0;
	v0 =	vld [tilespmem:s16+$0x106A0];
	_ =	sdelay $0x4  }
0xbe: {  	[tilespmem:$0x1FA00] =	vst v0;
	v0 =	vld [tilespmem:$0x1F710];
	_ =	sdelay $0x4  }
0xbf: {  	v0 =	vmul.f32 v0, v32  }
0xc0: {  	v41 =	vmul.f32 v41, v27;
	v27 =	vld [tilespmem:$0x1F730]  }
0xc1: {  	[tilespmem:$0x1FB60] =	vst v0;
	v0 =	vld [tilespmem:$0x1F720];
	_ =	sdelay $0x4  }
0xc2: {  	v0 =	vmul.f32 v27, v0;
	_ =	sdelay $0x1  }
0xc3: {  	[tilespmem:$0x1FB50] =	vst v0;
	v0 =	vld [tilespmem:s16+$0x106D0];
	_ =	sdelay $0x3  }
0xc4: {  	v43 =	vmul.f32 v43, v20;
	v20 =	vld [tilespmem:$0x1F750]  }
0xc5: {  	[tilespmem:$0x1F9F0] =	vst v0;
	v0 =	vld [tilespmem:$0x1F740];
	_ =	sdelay $0x4  }
0xc6: {  	v0 =	vmul.f32 v20, v0  }
0xc7: {  	v47 =	vmul.f32 v47, v46;
	v46 =	vld [tilespmem:$0x1F780]  }
0xc8: {  	[tilespmem:$0x1FB30] =	vst v0;
	v0 =	vmul.f32 v4, v41;
	v4 =	vld [tilespmem:$0x1F770];
	_ =	sdelay $0x3  }
0xc9: {  	v42 =	vld [tilespmem:s16+$0x730]  }
0xca: {  	v33 =	vld [tilespmem:s16+$0x8730];
	v4 =	vmul.f32 v46, v4  }
0xcb: {  	v19 =	vld [tilespmem:s16+$0x760]  }
0xcc: {  	[tilespmem:$0x1FB10] =	vst v4;
	v4 =	vld [tilespmem:$0x1F790]  }
0xcd: {  	v12 =	vld [tilespmem:s16+$0x8760]  }
0xce: {  	v3 =	vld [tilespmem:s16+$0x7C0]  }
0xcf: {  	v2 =	vld [tilespmem:s16+$0x87C0]  }
0xd0: {  	v23 =	vld [tilespmem:s16+$0x6F0]  }
0xd1: {  	v15 =	vld [tilespmem:s16+$0x86F0];
	v4 =	vmul.f32 v4, v47  }
0xd2: {  	v47 =	vld [tilespmem:$0x1F7B0]  }
0xd3: {  	[tilespmem:$0x1FB20] =	vst v4;
	v4 =	vld [tilespmem:$0x1F7A0]  }
0xd4: {  	v45 =	vld [tilespmem:s16+$0x8720]  }
0xd5: {  	v22 =	vld [tilespmem:s16+$0x750]  }
0xd6: {  	v16 =	vld [tilespmem:s16+$0x8750]  }
0xd7: {  	v56 =	vld [tilespmem:s16+$0x6B0]  }
0xd8: {  	v50 =	vmul.f32 v51, v50;
	v51 =	vld [tilespmem:s16+$0x740];
	v4 =	vmul.f32 v47, v4  }
0xd9: {  	v24 =	vmul.f32 v24, v29;
	v29 =	vld [tilespmem:$0x1F830]  }
0xda: {  	[tilespmem:$0x1FAF0] =	vst v4;
	v4 =	vld [tilespmem:$0x1F7C0]  }
0xdb: {  	v30 =	vmul.f32 v30, v34;
	v34 =	vld [tilespmem:s16+$0x86A0]  }
0xdc: {  	v35 =	vmul.f32 v35, v37;
	v37 =	vld [tilespmem:s16+$0x106C0]  }
0xdd: {  	[tilespmem:$0x1FB40] =	vst v0;
	v0 =	vld [tilespmem:$0x1F760]  }
0xde: {  	v36 =	vmul.f32 v26, v36;
	v26 =	vld [tilespmem:$0x1F860]  }
0xdf: {  	v55 =	vmul.f32 v55, v54;
	v54 =	vmul.f32 v4, v50;
	v4 =	vld [tilespmem:$0x1F7D0]  }
0xe0: {  	v25 =	vmul.f32 v1, v25;
	v1 =	vld [tilespmem:$0x1F870]  }
0xe1: {  	v18 =	vmul.f32 v18, v21;
	v10 =	vmul.f32 v10, v13;
	v21 =	vld [tilespmem:s16+$0x630]  }
0xe2: {  	v13 =	vld [tilespmem:$0x1F8D0];
	v0 =	vmul.f32 v0, v43;
	v43 =	vmul.f32 v53, v52  }
0xe3: {  	v9 =	vmul.f32 v6, v9;
	v6 =	vld [tilespmem:$0x1F8E0]  }
0xe4: {  	v39 =	vmul.f32 v39, v49;
	v49 =	vld [tilespmem:s16+$0x10650];
	v4 =	vmul.f32 v4, v43  }
0xe5: {  	v44 =	vmul.f32 v44, v62;
	v62 =	vld [tilespmem:$0x1F910]  }
0xe6: {  	[tilespmem:$0x1FB00] =	vst v4;
	v4 =	vld [tilespmem:$0x1F7E0]  }
0xe7: {  	v8 =	vmul.f32 v8, v11;
	v11 =	vld [tilespmem:s16+$0x690]  }
0xe8: {  	v7 =	vmul.f32 v5, v7;
	v5 =	vmul.f32 v40, v57;
	v57 =	vld [tilespmem:$0x1F930]  }
0xe9: {  	v40 =	vld [tilespmem:s16+$0x610]  }
0xea: {  	v50 =	vmul.f32 v61, v60;
	v61 =	vld [tilespmem:$0x1F800]  }
0xeb: {  	v55 =	vmul.f32 v4, v55;
	v4 =	vld [tilespmem:$0x1F7F0]  }
0xec: {  	v35 =	vmul.f32 v1, v35;
	v1 =	vld [tilespmem:s16+$0x86D0]  }
0xed: {  	v13 =	vmul.f32 v48, v13;
	v48 =	vld [tilespmem:s16+$0x8630]  }
0xee: {  	v18 =	vmul.f32 v6, v18;
	v6 =	vld [tilespmem:$0x1F8F0]  }
0xef: {  	v9 =	vmul.f32 v62, v9;
	v62 =	vld [tilespmem:s16+$0x8660]  }
0xf0: {  	v2 =	vmul.f32 v2, v3;
	v3 =	vld [tilespmem:s16+$0x10610];
	v4 =	vmul.f32 v61, v4  }
0xf1: {  	v12 =	vmul.f32 v12, v19;
	v19 =	vld [tilespmem:$0x1F960]  }
0xf2: {  	[tilespmem:$0x1FAE0] =	vst v4;
	v4 =	vld [tilespmem:$0x1F810]  }
0xf3: {  	v15 =	vmul.f32 v15, v23;
	v23 =	vld [tilespmem:$0x1F980]  }
0xf4: {  	v16 =	vmul.f32 v16, v22;
	v22 =	vld [tilespmem:s16+$0x8650]  }
0xf5: {  	v59 =	vmul.f32 v59, v58;
	v8 =	vmul.f32 v57, v8;
	v57 =	vld [tilespmem:s16+$0x10600]  }
0xf6: {  	v10 =	vmul.f32 v6, v10;
	v6 =	vld [tilespmem:$0x1F900]  }
0xf7: {  	v59 =	vmul.f32 v4, v59;
	v4 =	vld [tilespmem:$0x1F820]  }
0xf8: {  	v14 =	vmul.f32 v14, v17;
	v17 =	vadd.f32 $0.0e+00, v18;
	v18 =	vld [tilespmem:s16+$0x6C0]  }
0xf9: {  	v8 =	vadd.f32 $0.0e+00, v8;
	v2 =	vmul.f32 v19, v2;
	v19 =	vld [tilespmem:s16+$0x8620]  }
0xfa: {  	v12 =	vmul.f32 v23, v12;
	v23 =	vld [tilespmem:s16+$0x650]  }
0xfb: {  	v8 =	vadd.f32 v9, v8;
	v13 =	vmul.f32 v6, v13;
	v6 =	vld [tilespmem:s16+$0x660]  }
0xfc: {  	v58 =	vmul.f32 v4, v50;
	v50 =	vld [tilespmem:$0x1F840]  }
0xfd: {  	v8 =	vadd.f32 v13, v8;
	v13 =	vld [tilespmem:$0x1F9B0]  }
0xfe: {  	v27 =	vld [tilespmem:s16+$0x6E0]  }
0xff: {  	v20 =	vld [tilespmem:s16+$0x86E0]  }
0x100: {  	v47 =	vmul.f32 v26, v30;
	v26 =	vld [tilespmem:$0x1F880]  }
0x101: {  	v50 =	vmul.f32 v50, v29;
	v29 =	vld [tilespmem:$0x1F850]  }
0x102: {  	v41 =	vld [tilespmem:s16+$0x10660]  }
0x103: {  	v53 =	vld [tilespmem:s16+$0x8740]  }
0x104: {  	v20 =	vmul.f32 v20, v27;
	v27 =	vld [tilespmem:s16+$0x8600]  }
0x105: {  	v36 =	vmul.f32 v26, v36;
	v26 =	vld [tilespmem:$0x1F890]  }
0x106: {  	v24 =	vmul.f32 v29, v24;
	v29 =	vld [tilespmem:$0x1F8A0]  }
0x107: {  	v46 =	vld [tilespmem:s16+$0x710]  }
0x108: {  	v52 =	vld [tilespmem:s16+$0x10630];
	v9 =	vmul.f32 v53, v51  }
0x109: {  	v53 =	vld [tilespmem:$0x1F990]  }
0x10a: {  	v9 =	vmul.f32 v13, v9;
	v13 =	vld [tilespmem:$0x1F9C0]  }
0x10b: {  	v43 =	vmul.f32 v29, v26;
	v26 =	vld [tilespmem:$0x1F8B0]  }
0x10c: {  	v30 =	vld [tilespmem:s16+$0x6D0]  }
0x10d: {  	v35 =	vadd.f32 $0.0e+00, v35;
	v60 =	vld [tilespmem:s16+$0x670]  }
0x10e: {  	v61 =	vld [tilespmem:s16+$0x8670]  }
0x10f: {  	v35 =	vadd.f32 v59, v35;
	v59 =	vld [tilespmem:s16+$0x86C0]  }
0x110: {  	v13 =	vmul.f32 v13, v16;
	v16 =	vld [tilespmem:s16+$0x8640];
	v25 =	vmul.f32 v26, v25  }
0x111: {  	v35 =	vadd.f32 v54, v35;
	v54 =	vld [tilespmem:$0x1F920]  }
0x112: {  	v17 =	vadd.f32 v25, v17;
	v25 =	vld [tilespmem:$0x1F940]  }
0x113: {  	v4 =	vld [tilespmem:s16+$0x6A0]  }
0x114: {  	v18 =	vmul.f32 v59, v18;
	v59 =	vmul.f32 v61, v60;
	v60 =	vld [tilespmem:s16+$0x600];
	v17 =	vadd.f32 v24, v17  }
0x115: {  	v61 =	vld [tilespmem:$0x1F9E0]  }
0x116: {  	v17 =	vadd.f32 v55, v17;
	v55 =	vld [tilespmem:s16+$0x640]  }
0x117: {  	v7 =	vmul.f32 v25, v7;
	v25 =	vld [tilespmem:$0x1F950]  }
0x118: {  	v26 =	vld [tilespmem:$0x1F8C0]  }
0x119: {  	v9 =	vadd.f32 $0.0e+00, v9;
	v24 =	vmul.f32 v33, v42;
	v42 =	vld [tilespmem:$0x1F970]  }
0x11a: {  	v14 =	vmul.f32 v54, v14;
	v54 =	vld [tilespmem:$0x1F9A0]  }
0x11b: {  	v9 =	vadd.f32 v13, v9;
	v29 =	vld [tilespmem:s16+$0x700];
	v13 =	vmul.f32 v16, v55  }
0x11c: {  	v0 =	vadd.f32 v0, v35;
	v16 =	vld [tilespmem:$0x1F9F0];
	v35 =	vmul.f32 v38, v25;
	v25 =	vmul.f32 v28, v31  }
0x11d: {  	v63 =	vmul.f32 v63, v26;
	v26 =	vld [tilespmem:s16+$0x10620]  }
0x11e: {  	v2 =	vadd.f32 $0.0e+00, v2;
	v28 =	vld [tilespmem:s16+$0x620];
	v25 =	vmul.f32 v42, v25  }
0x11f: {  	v1 =	vmul.f32 v1, v30;
	v18 =	vmul.f32 v37, v18;
	v31 =	vld [tilespmem:s16+$0x10640]  }
0x120: {  	v6 =	vmul.f32 v62, v6;
	v42 =	vld [tilespmem:s16+$0x680];
	v2 =	vadd.f32 v25, v2  }
0x121: {  	v9 =	vadd.f32 v12, v9;
	v18 =	vadd.f32 $0.0e+00, v18;
	v1 =	vmul.f32 v16, v1;
	v16 =	vld [tilespmem:s16+$0x8610]  }
0x122: {  	v6 =	vmul.f32 v41, v6;
	v8 =	vadd.f32 v36, v8;
	v2 =	vadd.f32 v14, v2;
	v14 =	vld [tilespmem:$0x1F9D0]  }
0x123: {  	v20 =	vmul.f32 v61, v20;
	v12 =	vmul.f32 v27, v60;
	v1 =	vadd.f32 v1, v18;
	v18 =	vld [tilespmem:s16+$0x8690]  }
0x124: {  	v2 =	vadd.f32 v10, v2;
	v10 =	vmul.f32 v31, v13;
	v13 =	vmul.f32 v22, v23;
	v22 =	vld [tilespmem:s16+$0x8680]  }
0x125: {  	(xrf2) =	vadd.scan.msk.f32 $0xffff, v0;
	v7 =	vadd.f32 v7, v9;
	v9 =	vmul.f32 v57, v12;
	v23 =	vld [tilespmem:s16+$0x10680];
	v1 =	vadd.f32 v20, v1  }
0x126: {  	(xrf2) =	vadd.scan.msk.f32 $0xffff, v17;
	v20 =	vld [tilespmem:s16+$0x8710];
	v12 =	vmul.f32 v16, v40;
	v13 =	vmul.f32 v49, v13;
	v10 =	vadd.f32 $0.0e+00, v10  }
0x127: {  	v15 =	vmul.f32 v53, v15;
	v4 =	vmul.f32 v34, v4;
	(xrf2) =	vadd.scan.msk.f32 $0xffff, v8;
	v9 =	vadd.f32 $0.0e+00, v9;
	v16 =	vld [tilespmem:s16+$0x8700]  }
0x128: {  	v19 =	vmul.f32 v19, v28;
	(xrf2) =	vadd.scan.msk.f32 $0xffff, v2;
	v3 =	vmul.f32 v3, v12;
	v10 =	vadd.f32 v13, v10;
	v13 =	vld [tilespmem:s16+$0x10690]  }
0x129: {  	v0 =	vadd.f32 v15, v1;
	v1 =	vmul.f32 v48, v21;
	(xrf2) =	vadd.scan.msk.f32 $0xffff, v7;
	v7 =	vld [tilespmem:$0x1FA00];
	v12 =	vmul.f32 v22, v42  }
0x12a: {  	v15 =	vld [tilespmem:s16+$0x10700];
	v14 =	vmul.f32 v14, v59;
	v3 =	vadd.f32 v3, v9;
	v9 =	vmul.f32 v26, v19  }
0x12b: {  	v17 =	vld [tilespmem:s16+$0x8780];
	v11 =	vmul.f32 v18, v11;
	v6 =	vadd.f32 v6, v10;
	v12 =	vmul.f32 v23, v12  }
0x12c: {  	v1 =	vmul.f32 v52, v1;
	v8 =	vmul.f32 v16, v29;
	v10 =	vld [tilespmem:s16+$0x10710];
	v2 =	vadd.f32 v9, v3  }
0x12d: {  	v6 =	vadd.f32 v14, v6;
	v3 =	vadd.f32 $0.0e+00, v12;
	v9 =	vmul.f32 v13, v11;
	v11 =	vld [tilespmem:s16+$0x8790]  }
0x12e: {  	(xrf2) =	vadd.scan.msk.f32 $0xffff, v0;
	v4 =	vmul.f32 v7, v4;
	v12 =	vld [tilespmem:s16+$0x10780];
	v0 =	vadd.f32 v1, v2  }
0x12f: {  	v7 =	vmul.f32 v20, v46;
	v2 =	vmul.f32 v15, v8;
	v8 =	vld [tilespmem:$0x1FA20];
	(xrf2) =	vadd.scan.msk.f32 $0xffff, v6;
	v1 =	vadd.f32 v9, v3  }
0x130: {  	(xrf2) =	vadd.scan.msk.f32 $0xffff, v0;
	v0 =	vld [tilespmem:$0x1FA30]  }
0x131: {  	v1 =	vadd.f32 v4, v1;
	v4 =	vmul.f32 v10, v7;
	v10 =	vld [tilespmem:$0x1FA40]  }
0x132: {  	v32 =	vld [tilespmem:s16+$0x86B0]  }
0x133: {  	v33 =	vmul.f32 v45, v54;
	v9 =	vld [tilespmem:s16+$0x10790]  }
0x134: {  	v13 =	vld [tilespmem:$0x1FA60];
	v2 =	vadd.f32 $0.0e+00, v2;
	v8 =	vmul.f32 v17, v8  }
0x135: {  	v15 =	vld [tilespmem:$0x1FA80];
	v0 =	vmul.f32 v0, v33  }
0x136: {  	v6 =	vld [tilespmem:$0x1FA10];
	v2 =	vadd.f32 v4, v2;
	v4 =	vmul.f32 v12, v8;
	v10 =	vmul.f32 v11, v10  }
0x137: {  	v3 =	vld [tilespmem:s16+$0x8800]  }
0x138: {  	v0 =	vadd.f32 v0, v2;
	v2 =	vadd.f32 $0.0e+00, v4;
	v4 =	vmul.f32 v9, v10;
	v10 =	vld [tilespmem:$0x1FA70]  }
0x139: {  	v25 =	vmul.f32 v32, v56;
	v12 =	vld [tilespmem:$0x1FA50]  }
0x13a: {  	v7 =	vld [tilespmem:s16+$0x8810]  }
0x13b: {  	v17 =	vld [tilespmem:$0x1FAA0];
	v6 =	vmul.f32 v6, v25  }
0x13c: {  	v3 =	vmul.f32 v3, v13;
	v13 =	vld [tilespmem:s16+$0x10810]  }
0x13d: {  	v1 =	vadd.f32 v6, v1;
	v6 =	vld [tilespmem:s16+$0x8880];
	v2 =	vadd.f32 v4, v2;
	v10 =	vmul.f32 v10, v35  }
0x13e: {  	v11 =	vld [tilespmem:s16+$0x10800];
	v12 =	vmul.f32 v12, v24  }
0x13f: {  	v2 =	vadd.f32 v10, v2;
	v10 =	vld [tilespmem:$0x1FAB0]  }
0x140: {  	v8, _, _ =	vpop (xrf2);
	v0 =	vadd.f32 v12, v0;
	v12 =	vld [tilespmem:$0x1FA90]  }
0x141: {  	v7 =	vmul.f32 v7, v15;
	v14, _, _ =	vpop (xrf2)  }
0x142: {  	v15 =	vld [tilespmem:s16+$0x10820];
	(xrf2) =	vadd.scan.msk.f32 $0xffff, v1;
	v1, _, _ =	vpop (xrf2);
	v6 =	vmul.f32 v6, v17  }
0x143: {  	v9 =	vld [tilespmem:s16+$0x8890];
	v7 =	vmul.f32 v13, v7;
	v16, _, _ =	vpop (xrf2);
	v3 =	vmul.f32 v11, v3  }
0x144: {  	v11, _, _ =	vpop (xrf2);
	v6 =	vmul.f32 v10, v6;
	v10 =	vld [tilespmem:$0x1FAC0]  }
0x145: {  	v17, _, _ =	vpop (xrf2);
	v3 =	vadd.f32 $0.0e+00, v3;
	v5 =	vmul.f32 v12, v5;
	v12 =	vld [tilespmem:s16+$0x10830]  }
0x146: {  	(xrf2) =	vadd.scan.msk.f32 $0xffff, v0;
	v0, _, _ =	vpop (xrf2)  }
0x147: {  	v4 =	vld [tilespmem:s16+$0x10890];
	v3 =	vadd.f32 v7, v3;
	v7, _, _ =	vpop (xrf2)  }
0x148: {  	v7 =	vbroadcast v7, $0xF;
	v2 =	vadd.f32 v5, v2;
	v5 =	vmul.f32 v15, v44  }
0x149: {  	v9 =	vmul.f32 v9, v10;
	v10 =	vld [tilespmem:s16+$0x108A0]  }
0x14a: {  	v3 =	vadd.f32 v5, v3;
	v5 =	vmul.f32 v12, v39;
	v12 =	vld [tilespmem:$0x1FAD0]  }
0x14b: {  	v0 =	vbroadcast v0, $0xF;
	(xrf2) =	vadd.scan.msk.f32 $0xffff, v2;
	v2 =	vnsel vm0, $0x0, v7  }
0x14c: {  	v2 =	vadd.f32 $0.0e+00, v2;
	v7, _, _ =	vpop (xrf2);
	v6 =	vadd.f32 $0.0e+00, v6;
	v4 =	vmul.f32 v4, v9  }
0x14d: {  	v0 =	vnsel vm1, $0x0, v0;
	v7 =	vbroadcast v7, $0xF;
	v3 =	vadd.f32 v5, v3;
	v9 =	vld [tilespmem:s16+$0x108B0]  }
0x14e: {  	v0 =	vadd.f32 v0, v2;
	v4 =	vadd.f32 v4, v6;
	v5 =	vmul.f32 v10, v43  }
0x14f: {  	(xrf2) =	vadd.scan.msk.f32 $0xffff, v3;
	v3 =	vnsel vm2, $0x0, v7;
	v12 =	vmul.f32 v12, v63  }
0x150: {  	v0 =	vadd.f32 v3, v0;
	v3 =	vld [tilespmem:$0x1FAE0];
	v2 =	vadd.f32 v5, v4;
	v5 =	vbroadcast v17, $0xF  }
0x151: {  	v6 =	vld [tilespmem:s16+$0x10920]  }
0x152: {  	v10 =	vadd.f32 $0.0e+00, v12;
	v12 =	vld [tilespmem:s16+$0x10930];
	v4 =	vmul.f32 v9, v50;
	v5 =	vnsel vm3, $0x0, v5  }
0x153: {  	v0 =	vadd.f32 v5, v0;
	v5 =	vld [tilespmem:$0x1FAF0];
	_ =	sdelay $0x2  }
0x154: {  	v7 =	vadd.f32 v47, v10;
	v2 =	vadd.f32 v4, v2;
	v3 =	vmul.f32 v6, v3;
	v4, _, _ =	vpop (xrf2)  }
0x155: {  	v4 =	vbroadcast v4, $0xF  }
0x156: {  	v9 =	vld [tilespmem:s16+$0x109A0];
	v3 =	vadd.f32 v3, v7;
	v5 =	vmul.f32 v12, v5  }
0x157: {  	(xrf2) =	vadd.scan.msk.f32 $0xffff, v2;
	v7 =	vld [tilespmem:$0x1FB00];
	v2 =	vnsel vm4, $0x0, v4;
	v4 =	vbroadcast v11, $0xF  }
0x158: {  	v0 =	vadd.f32 v2, v0;
	v2 =	vadd.f32 v5, v3;
	v3 =	vld [tilespmem:$0x1FB10]  }
0x159: {  	v10 =	vld [tilespmem:s16+$0x109B0];
	v4 =	vnsel vm5, $0x0, v4  }
0x15a: {  	v0 =	vadd.f32 v4, v0;
	v4 =	vld [tilespmem:$0x1FB30]  }
0x15b: {  	v6 =	vadd.f32 $0.0e+00, v58;
	_ =	sdelay $0x1  }
0x15c: {  	v6 =	vadd.f32 v7, v6;
	v5, _, _ =	vpop (xrf2);
	v3 =	vmul.f32 v9, v3  }
0x15d: {  	v7 =	vld [tilespmem:s16+$0x109E0];
	v5 =	vbroadcast v5, $0xF  }
0x15e: {  	v9 =	vld [tilespmem:$0x1FB20];
	v4 =	vmul.f32 v10, v4;
	v3 =	vadd.f32 v3, v6  }
0x15f: {  	(xrf2) =	vadd.scan.msk.f32 $0xffff, v2;
	v2 =	vnsel vm6, $0x0, v5;
	v6 =	vld [tilespmem:$0x1FB40]  }
0x160: {  	v0 =	vadd.f32 v2, v0;
	v2 =	vadd.f32 v4, v3;
	v3 =	vld [tilespmem:$0x1FB50]  }
0x161: {  	v5 =	vbroadcast v16, $0xF;
	_ =	sdelay $0x1  }
0x162: {  	v11 =	vld [tilespmem:s16+$0x109F0];
	v5 =	vnsel vm7, $0x0, v5;
	v9 =	vadd.f32 $0.0e+00, v9  }
0x163: {  	v0 =	vadd.f32 v5, v0;
	v5 =	vld [tilespmem:$0x1FB60]  }
0x164: {  	v6 =	vadd.f32 v6, v9;
	v3 =	vmul.f32 v7, v3;
	_ =	sdelay $0x1  }
0x165: {  	v4, _, _ =	vpop (xrf2);
	v3 =	vadd.f32 v3, v6  }
0x166: {  	v4 =	vbroadcast v4, $0xF  }
0x167: {  	v5 =	vmul.f32 v11, v5  }
0x168: {  	(xrf2) =	vadd.scan.msk.f32 $0xffff, v2;
	v2 =	vnsel vm8, $0x0, v4  }
0x169: {  	v1 =	vbroadcast v1, $0xF;
	v0 =	vadd.f32 v2, v0;
	v2 =	vadd.f32 v5, v3;
	v3, _, _ =	vpop (xrf2)  }
0x16a: {  	v3 =	vbroadcast v3, $0xF  }
0x16b: {  	v1 =	vnsel vm9, $0x0, v1  }
0x16c: {  	v0 =	vadd.f32 v1, v0;
	v1 =	vnsel vm10, $0x0, v3;
	_ =	sdelay $0x2  }
0x16d: {  	v0 =	vadd.f32 v1, v0;
	v1, _, _ =	vpop (xrf2)  }
0x16e: {  	(xrf2) =	vadd.scan.msk.f32 $0xffff, v2;
	v2 =	vbroadcast v14, $0xF;
	v1 =	vbroadcast v1, $0xF;
	_ =	sdelay $0x1  }
0x16f: {  	v2 =	vnsel vm11, $0x0, v2;
	v1 =	vnsel vm12, $0x0, v1  }
0x170: {  	v0 =	vadd.f32 v2, v0;
	_ =	sdelay $0x1  }
0x171: {  	v0 =	vadd.f32 v1, v0;
	v1, _, _ =	vpop (xrf2)  }
0x172: {  	v2 =	vbroadcast v8, $0xF;
	v1 =	vbroadcast v1, $0xF;
	_ =	sdelay $0x1  }
0x173: {  	v2 =	vnsel vm13, $0x0, v2;
	v1 =	vnsel vm14, $0x0, v1  }
0x174: {  	v0 =	vadd.f32 v2, v0;
	_ =	sdelay $0x1  }
0x175: {  	v0 =	vadd.f32 v1, v0;
	v1, _, _ =	vpop (xrf2)  }
0x176: {  	v1 =	vsel vm15, $0x0, v1  }
0x177: {  	v0 =	vadd.f32 v1, v0;
	_ =	sdelay $0x1  }
0x178: {  	v0 =	vsub.f32 $0.0e+00, v0;
	_ =	sdelay $0x1  }
0x179: {  	v0 =	vmul.f32 $1.442695020e+00, v0;
	_ =	sdelay $0x1  }
0x17a: {  	(erf) = vpow2.f32 v0;
	_ =	sdelay $0x8  }
0x17b: {  	v0 =	vpop (erf)  }
0x17c: {  	v0 =	vadd.f32 $1.000000000e+00, v0;
	_ =	sdelay $0x1  }
0x17d: {  	(erf) = vrcp.f32 v0;
	_ =	sdelay $0x8  }
0x17e: {  	v0 =	vpop (erf)  }
0x17f: {  	s14 =	simm.s32 $0x400;
	[tilespmem:s12+$0x0] =	vst v0  }
0x180: {  	v4 =	vld [tilespmem:s14+$0x10980];
	_ =	sdelay $0x4  }
0x181: {  	[tilespmem:$0x1FDE0] =	vst v4;
	v4 =	vld [tilespmem:s14+$0x108E0];
	_ =	sdelay $0x4  }
0x182: {  	[tilespmem:$0x1FE20] =	vst v4;
	v4 =	vld [tilespmem:s14+$0x10910];
	_ =	sdelay $0x4  }
0x183: {  	[tilespmem:$0x1FE30] =	vst v4;
	v4 =	vld [tilespmem:s14+$0x920];
	_ =	sdelay $0x4  }
0x184: {  	[tilespmem:$0x1FDA0] =	vst v4;
	v4 =	vld [tilespmem:s14+$0x8920];
	_ =	sdelay $0x4  }
0x185: {  	[tilespmem:$0x1FDB0] =	vst v4;
	v4 =	vld [tilespmem:s14+$0x10940];
	_ =	sdelay $0x4  }
0x186: {  	[tilespmem:$0x1FE40] =	vst v4;
	v4 =	vld [tilespmem:s14+$0x10870];
	_ =	sdelay $0x4  }
0x187: {  	[tilespmem:$0x1FE50] =	vst v4;
	v4 =	vld [tilespmem:s14+$0x8B0];
	_ =	sdelay $0x4  }
0x188: {  	[tilespmem:$0x1FE00] =	vst v4;
	v4 =	vld [tilespmem:s14+$0x108D0]  }
0x189: {  	v51 =	vld [tilespmem:s14+$0x9F0]  }
0x18a: {  	v35 =	vld [tilespmem:s14+$0x89F0]  }
0x18b: {  	v0 =	vld [tilespmem:s14+$0x109D0]  }
0x18c: {  	v28 =	vld [tilespmem:s14+$0x89D0]  }
0x18d: {  	[tilespmem:$0x1FE80] =	vst v4;
	v4 =	vld [tilespmem:s14+$0x10900]  }
0x18e: {  	v1 =	vld [tilespmem:s14+$0x10960]  }
0x18f: {  	v5 =	vld [tilespmem:s14+$0x970]  }
0x190: {  	v2 =	vld [tilespmem:s14+$0x8970]  }
0x191: {  	v3 =	vld [tilespmem:s14+$0x89A0]  }
0x192: {  	[tilespmem:$0x1FB70] =	vst v4;
	v4 =	vld [tilespmem:s14+$0x10860]  }
0x193: {  	v33 =	vld [tilespmem:s14+$0x9C0]  }
0x194: {  	v36 =	vld [tilespmem:s14+$0x89C0]  }
0x195: {  	v38 =	vld [tilespmem:s14+$0x8930]  }
0x196: {  	v39 =	vld [tilespmem:s14+$0x960]  }
0x197: {  	[tilespmem:$0x1FED0] =	vst v4;
	v4 =	vld [tilespmem:s14+$0x8A0]  }
0x198: {  	v41 =	vld [tilespmem:s14+$0x990]  }
0x199: {  	[tilespmem:$0x1FCB0] =	vst v0;
	v0 =	vld [tilespmem:s14+$0x9E0]  }
0x19a: {  	v42 =	vld [tilespmem:s14+$0x8990]  }
0x19b: {  	v43 =	vld [tilespmem:s14+$0x8F0]  }
0x19c: {  	[tilespmem:$0x1FE60] =	vst v4;
	v4 =	vld [tilespmem:s14+$0x88A0]  }
0x19d: {  	v44 =	vld [tilespmem:s14+$0x88F0]  }
0x19e: {  	[tilespmem:$0x1FC50] =	vst v0;
	v0 =	vld [tilespmem:s14+$0x89E0]  }
0x19f: {  	v47 =	vld [tilespmem:s14+$0x950]  }
0x1a0: {  	v21 =	vld [tilespmem:s14+$0x720]  }
0x1a1: {  	[tilespmem:$0x1FE70] =	vst v4;
	v4 =	vld [tilespmem:s14+$0x108C0]  }
0x1a2: {  	v30 =	vld [tilespmem:s14+$0x8950]  }
0x1a3: {  	[tilespmem:$0x1FC60] =	vst v0;
	v0 =	vld [tilespmem:s14+$0x10970]  }
0x1a4: {  	v48 =	vld [tilespmem:s14+$0x980]  }
0x1a5: {  	[tilespmem:$0x1FFB0] =	vst v21;
	v21 =	vld [tilespmem:s14+$0x8720]  }
0x1a6: {  	[tilespmem:$0x1FEB0] =	vst v4;
	v4 =	vld [tilespmem:s14+$0x900]  }
0x1a7: {  	v31 =	vld [tilespmem:s14+$0x8980]  }
0x1a8: {  	[tilespmem:$0x1FCD0] =	vst v0;
	v0 =	vld [tilespmem:s14+$0x9B0]  }
0x1a9: {  	v37 =	vld [tilespmem:s14+$0x88B0]  }
0x1aa: {  	[tilespmem:$0x1FFC0] =	vst v21;
	v21 =	vld [tilespmem:s14+$0x10740]  }
0x1ab: {  	[tilespmem:$0x1FE90] =	vst v4;
	v4 =	vld [tilespmem:s14+$0x107F0]  }
0x1ac: {  	v52 =	vld [tilespmem:s14+$0x8E0]  }
0x1ad: {  	[tilespmem:$0x1FC80] =	vst v0;
	v0 =	vld [tilespmem:s14+$0x89B0]  }
0x1ae: {  	v53 =	vld [tilespmem:s14+$0x88E0]  }
0x1af: {  	[tilespmem:$0x1FFD0] =	vst v21;
	v21 =	vld [tilespmem:s14+$0x106A0]  }
0x1b0: {  	[tilespmem:$0x1FEC0] =	vst v4;
	v4 =	vld [tilespmem:s14+$0x10850]  }
0x1b1: {  	v54 =	vld [tilespmem:s14+$0x910]  }
0x1b2: {  	[tilespmem:$0x1FC90] =	vst v0;
	v0 =	vld [tilespmem:s14+$0x109C0]  }
0x1b3: {  	v55 =	vld [tilespmem:s14+$0x8910]  }
0x1b4: {  	[tilespmem:$0x1FC30] =	vst v21;
	v21 =	vld [tilespmem:s14+$0x6B0]  }
0x1b5: {  	[tilespmem:$0x1FEF0] =	vst v4;
	v4 =	vld [tilespmem:s14+$0x860]  }
0x1b6: {  	v56 =	vld [tilespmem:s14+$0x940]  }
0x1b7: {  	[tilespmem:$0x1FD10] =	vst v0;
	v0 =	vld [tilespmem:s14+$0x9D0]  }
0x1b8: {  	v57 =	vld [tilespmem:s14+$0x8940]  }
0x1b9: {  	v59 =	vld [tilespmem:s14+$0x870];
	[tilespmem:$0x1FFF0] =	vst v21;
	v21 =	vmul.f32 v35, v51  }
0x1ba: {  	[tilespmem:$0x1FEA0] =	vst v4;
	v4 =	vld [tilespmem:s14+$0x10880]  }
0x1bb: {  	[tilespmem:$0x1FC40] =	vst v21;
	v21 =	vld [tilespmem:$0x1FC50]  }
0x1bc: {  	v0 =	vmul.f32 v28, v0;
	v28 =	vld [tilespmem:$0x1FC60]  }
0x1bd: {  	v58 =	vld [tilespmem:s14+$0x8870]  }
0x1be: {  	v62 =	vld [tilespmem:s14+$0x8D0]  }
0x1bf: {  	[tilespmem:$0x1FB80] =	vst v4;
	v4 =	vld [tilespmem:s14+$0x890]  }
0x1c0: {  	v11 =	vld [tilespmem:s14+$0x88D0]  }
0x1c1: {  	[tilespmem:$0x1FD50] =	vst v1;
	v1 =	vld [tilespmem:s14+$0x10990];
	v21 =	vmul.f32 v28, v21  }
0x1c2: {  	v5 =	vmul.f32 v2, v5;
	v2 =	vld [tilespmem:$0x1FC80]  }
0x1c3: {  	[tilespmem:$0x1FC70] =	vst v21;
	v21 =	vld [tilespmem:$0x1FC90]  }
0x1c4: {  	[tilespmem:$0x1FB90] =	vst v4;
	v4 =	vld [tilespmem:s14+$0x107B0]  }
0x1c5: {  	v49 =	vld [tilespmem:s14+$0x8900]  }
0x1c6: {  	v32 =	vld [tilespmem:s14+$0x830]  }
0x1c7: {  	[tilespmem:$0x1FD70] =	vst v1;
	v1 =	vld [tilespmem:s14+$0x9A0]  }
0x1c8: {  	v2 =	vmul.f32 v21, v2;
	v21 =	vld [tilespmem:$0x1FCB0]  }
0x1c9: {  	[tilespmem:$0x1FBA0] =	vst v4;
	v4 =	vld [tilespmem:s14+$0x107E0]  }
0x1ca: {  	v29 =	vld [tilespmem:s14+$0x8830]  }
0x1cb: {  	v61 =	vld [tilespmem:s14+$0x8860]  }
0x1cc: {  	[tilespmem:$0x1FCE0] =	vst v1;
	v1 =	vld [tilespmem:s14+$0x108F0]  }
0x1cd: {  	v18 =	vld [tilespmem:s14+$0x8C0]  }
0x1ce: {  	v0 =	vmul.f32 v21, v0;
	[tilespmem:$0x1FF20] =	vst v4;
	v4 =	vld [tilespmem:s14+$0x820]  }
0x1cf: {  	v14 =	vld [tilespmem:s14+$0x88C0]  }
0x1d0: {  	[tilespmem:$0x1FCC0] =	vst v0;
	v0 =	vld [tilespmem:$0x1FCD0]  }
0x1d1: {  	[tilespmem:$0x1FD90] =	vst v1;
	v1 =	vld [tilespmem:s14+$0x930]  }
0x1d2: {  	v13 =	vld [tilespmem:s14+$0x7F0]  }
0x1d3: {  	[tilespmem:$0x1FEE0] =	vst v4;
	v4 =	vld [tilespmem:s14+$0x10840]  }
0x1d4: {  	v8 =	vld [tilespmem:s14+$0x87F0]  }
0x1d5: {  	[tilespmem:$0x1FCA0] =	vst v2;
	v2 =	vmul.f32 v36, v33;
	v36 =	vmul.f32 v0, v5;
	v0 =	vld [tilespmem:$0x1FCE0]  }
0x1d6: {  	[tilespmem:$0x1FD30] =	vst v1;
	v1 =	vld [tilespmem:s14+$0x10950]  }
0x1d7: {  	v45 =	vld [tilespmem:s14+$0x8820]  }
0x1d8: {  	[tilespmem:$0x1FF30] =	vst v4;
	v4 =	vld [tilespmem:s14+$0x880]  }
0x1d9: {  	v10 =	vld [tilespmem:s14+$0x850]  }
0x1da: {  	v6 =	vld [tilespmem:s14+$0x8850];
	v0 =	vmul.f32 v3, v0  }
0x1db: {  	[tilespmem:$0x1FDD0] =	vst v1;
	v1 =	vld [tilespmem:s14+$0x8960]  }
0x1dc: {  	[tilespmem:$0x1FCF0] =	vst v0;
	v0 =	vld [tilespmem:s14+$0x710]  }
0x1dd: {  	[tilespmem:$0x1FBB0] =	vst v4;
	v4 =	vld [tilespmem:s14+$0x10770]  }
0x1de: {  	v20 =	vld [tilespmem:s14+$0x7E0]  }
0x1df: {  	v17 =	vld [tilespmem:s14+$0x87E0]  }
0x1e0: {  	v15 =	vld [tilespmem:s14+$0x840]  }
0x1e1: {  	[tilespmem:$0x1FD00] =	vst v0;
	v0 =	vmul.f32 v1, v39;
	v1 =	vld [tilespmem:$0x1FD10]  }
0x1e2: {  	[tilespmem:$0x1FF40] =	vst v4;
	v4 =	vld [tilespmem:s14+$0x107A0]  }
0x1e3: {  	v9 =	vld [tilespmem:s14+$0x8840]  }
0x1e4: {  	v12 =	vld [tilespmem:s14+$0x770]  }
0x1e5: {  	v7 =	vld [tilespmem:s14+$0x8770]  }
0x1e6: {  	v50 =	vld [tilespmem:s14+$0x87A0];
	v1 =	vmul.f32 v1, v2  }
0x1e7: {  	[tilespmem:$0x1FBC0] =	vst v4;
	v4 =	vld [tilespmem:s14+$0x7B0]  }
0x1e8: {  	[tilespmem:$0x1FD20] =	vst v1;
	v1 =	vld [tilespmem:$0x1FD30]  }
0x1e9: {  	v27 =	vld [tilespmem:s14+$0x7D0]  }
0x1ea: {  	v26 =	vld [tilespmem:s14+$0x87D0]  }
0x1eb: {  	v21 =	vmul.f32 v44, v43;
	v44 =	vld [tilespmem:$0x1FD70]  }
0x1ec: {  	[tilespmem:$0x1FF00] =	vst v4;
	v4 =	vld [tilespmem:s14+$0x87B0]  }
0x1ed: {  	v46 =	vld [tilespmem:s14+$0x8730];
	v1 =	vmul.f32 v38, v1  }
0x1ee: {  	v23 =	vld [tilespmem:s14+$0x760]  }
0x1ef: {  	v5 =	vmul.f32 v42, v41;
	[tilespmem:$0x1FD40] =	vst v1;
	v1 =	vld [tilespmem:$0x1FD50]  }
0x1f0: {  	v16 =	vld [tilespmem:s14+$0x8760]  }
0x1f1: {  	v5 =	vmul.f32 v44, v5;
	[tilespmem:$0x1FF10] =	vst v4;
	v4 =	vld [tilespmem:s14+$0x107D0]  }
0x1f2: {  	v40 =	vld [tilespmem:s14+$0x87C0]  }
0x1f3: {  	[tilespmem:$0x1FD80] =	vst v5;
	v5 =	vld [tilespmem:$0x1FD90]  }
0x1f4: {  	v1 =	vmul.f32 v1, v0;
	v0 =	vld [tilespmem:s14+$0x10630]  }
0x1f5: {  	v19 =	vld [tilespmem:s14+$0x106B0]  }
0x1f6: {  	[tilespmem:$0x1FF80] =	vst v4;
	v4 =	vld [tilespmem:s14+$0x810]  }
0x1f7: {  	v63 =	vld [tilespmem:s14+$0x106E0]  }
0x1f8: {  	v24 =	vld [tilespmem:s14+$0x6F0]  }
0x1f9: {  	[tilespmem:$0x1FD60] =	vst v0;
	v0 =	vmul.f32 v30, v47;
	v30 =	vmul.f32 v5, v21;
	v21 =	vld [tilespmem:$0x1FDA0]  }
0x1fa: {  	v47 =	vld [tilespmem:$0x1FDB0]  }
0x1fb: {  	[tilespmem:$0x1FBD0] =	vst v4;
	v4 =	vld [tilespmem:s14+$0x10730]  }
0x1fc: {  	v25 =	vld [tilespmem:s14+$0x750]  }
0x1fd: {  	v22 =	vld [tilespmem:s14+$0x8750]  }
0x1fe: {  	v60 =	vld [tilespmem:s14+$0x780]  }
0x1ff: {  	v34 =	vld [tilespmem:s14+$0x10670];
	v21 =	vmul.f32 v47, v21  }
0x200: {  	[tilespmem:$0x1FBE0] =	vst v4;
	v4 =	vld [tilespmem:s14+$0x10760]  }
0x201: {  	[tilespmem:$0x1FDC0] =	vst v21;
	v21 =	vld [tilespmem:$0x1FDD0]  }
0x202: {  	[tilespmem:$0x1FC20] =	vst v19;
	v19 =	vld [tilespmem:s14+$0x86F0]  }
0x203: {  	v9 =	vmul.f32 v9, v15;
	v15 =	vld [tilespmem:s14+$0x6C0]  }
0x204: {  	v23 =	vmul.f32 v16, v23;
	v16 =	vld [tilespmem:s14+$0x10640]  }
0x205: {  	[tilespmem:$0x1FF90] =	vst v4;
	v4 =	vld [tilespmem:s14+$0x7A0]  }
0x206: {  	v21 =	vmul.f32 v21, v0;
	v0 =	vmul.f32 v53, v52;
	v53 =	vld [tilespmem:$0x1FDE0]  }
0x207: {  	v51 =	vld [tilespmem:s14+$0x86B0]  }
0x208: {  	v35 =	vld [tilespmem:s14+$0x106D0]  }
0x209: {  	v5 =	vmul.f32 v31, v48;
	v47 =	vmul.f32 v57, v56;
	v57 =	vld [tilespmem:$0x1FE60]  }
0x20a: {  	[tilespmem:$0x1FF50] =	vst v4;
	v4 =	vld [tilespmem:s14+$0x107C0]  }
0x20b: {  	v5 =	vmul.f32 v53, v5;
	v53 =	vmul.f32 v58, v59;
	v58 =	vld [tilespmem:$0x1FE70]  }
0x20c: {  	v62 =	vmul.f32 v11, v62;
	v11 =	vld [tilespmem:$0x1FE40]  }
0x20d: {  	v28 =	vld [tilespmem:s14+$0x6E0]  }
0x20e: {  	v33 =	vld [tilespmem:s14+$0x86E0]  }
0x20f: {  	[tilespmem:$0x1FF60] =	vst v4;
	v4 =	vld [tilespmem:s14+$0x800]  }
0x210: {  	v43 =	vld [tilespmem:s14+$0x6A0];
	v57 =	vmul.f32 v58, v57  }
0x211: {  	v58 =	vmul.f32 v29, v32;
	v29 =	vmul.f32 v6, v10;
	v6 =	vld [tilespmem:$0x1FEB0]  }
0x212: {  	v42 =	vld [tilespmem:$0x1FE20]  }
0x213: {  	v41 =	vld [tilespmem:s14+$0x630]  }
0x214: {  	v14 =	vmul.f32 v14, v18;
	[tilespmem:$0x1FBF0] =	vst v4;
	v4 =	vld [tilespmem:s14+$0x106F0]  }
0x215: {  	[tilespmem:$0x1FDF0] =	vst v5;
	v5 =	vld [tilespmem:$0x1FE00]  }
0x216: {  	v14 =	vmul.f32 v6, v14;
	v6 =	vld [tilespmem:$0x1FEC0]  }
0x217: {  	v44 =	vld [tilespmem:s14+$0x86A0];
	v47 =	vmul.f32 v11, v47  }
0x218: {  	v3 =	vld [tilespmem:s14+$0x740]  }
0x219: {  	v8 =	vmul.f32 v8, v13;
	v18 =	vadd.f32 $0.0e+00, v47;
	[tilespmem:$0x1FFA0] =	vst v4;
	v4 =	vld [tilespmem:s14+$0x10720]  }
0x21a: {  	v59 =	vld [tilespmem:$0x1FE30]  }
0x21b: {  	v5 =	vmul.f32 v37, v5;
	v10 =	vmul.f32 v6, v8;
	v8 =	vadd.f32 v21, v18;
	v18 =	vld [tilespmem:$0x1FEE0]  }
0x21c: {  	v39 =	vld [tilespmem:s14+$0x10620]  }
0x21d: {  	v2 =	vld [tilespmem:s14+$0x8740];
	[tilespmem:$0x1FE10] =	vst v5;
	v5 =	vmul.f32 v55, v54  }
0x21e: {  	[tilespmem:$0x1FC00] =	vst v4;
	v4 =	vld [tilespmem:s14+$0x730]  }
0x21f: {  	v56 =	vmul.f32 v59, v5;
	v59 =	vld [tilespmem:$0x1FE80]  }
0x220: {  	v54 =	vmul.f32 v45, v18;
	v18 =	vld [tilespmem:$0x1FEF0]  }
0x221: {  	v1 =	vadd.f32 v1, v8;
	v8 =	vld [tilespmem:$0x1FF00]  }
0x222: {  	v7 =	vmul.f32 v7, v12;
	v12 =	vld [tilespmem:$0x1FF10]  }
0x223: {  	[tilespmem:$0x1FF70] =	vst v4;
	v4 =	vld [tilespmem:s14+$0x10750]  }
0x224: {  	v38 =	vld [tilespmem:s14+$0x10660]  }
0x225: {  	v13 =	vld [tilespmem:$0x1FEA0]  }
0x226: {  	v48 =	vld [tilespmem:s14+$0x670];
	v62 =	vmul.f32 v59, v62;
	v18 =	vmul.f32 v18, v29;
	v29 =	vadd.f32 $0.0e+00, v14  }
0x227: {  	v31 =	vld [tilespmem:s14+$0x8670]  }
0x228: {  	v52 =	vmul.f32 v42, v0;
	v32 =	vmul.f32 v12, v8;
	v12 =	vadd.f32 v62, v29;
	[tilespmem:$0x1FFE0] =	vst v4;
	v4 =	vld [tilespmem:s14+$0x790]  }
0x229: {  	v8 =	vld [tilespmem:$0x1FF20]  }
0x22a: {  	v11 =	vld [tilespmem:s14+$0x86D0];
	v12 =	vadd.f32 v52, v12  }
0x22b: {  	v47 =	vld [tilespmem:s14+$0x10650]  }
0x22c: {  	v17 =	vmul.f32 v17, v20;
	v21 =	vadd.f32 v30, v12;
	v12 =	vld [tilespmem:$0x1FF70]  }
0x22d: {  	[tilespmem:$0x1FC10] =	vst v4;
	v4 =	vld [tilespmem:s14+$0x7C0]  }
0x22e: {  	v29 =	vmul.f32 v8, v17;
	v8 =	vld [tilespmem:$0x1FF30]  }
0x22f: {  	v0 =	vld [tilespmem:s14+$0x106C0]  }
0x230: {  	v42 =	vld [tilespmem:s14+$0x8630]  }
0x231: {  	v6 =	vld [tilespmem:$0x1FED0]  }
0x232: {  	v17 =	vmul.f32 v40, v4;
	v40 =	vmul.f32 v46, v12;
	v12 =	vld [tilespmem:$0x1FF80]  }
0x233: {  	v37 =	vld [tilespmem:s14+$0x700];
	v9 =	vmul.f32 v8, v9  }
0x234: {  	v55 =	vld [tilespmem:$0x1FE50]  }
0x235: {  	v20 =	vmul.f32 v26, v27;
	v13 =	vmul.f32 v61, v13;
	v5 =	vld [tilespmem:s14+$0x6D0];
	v26 =	vadd.f32 $0.0e+00, v9  }
0x236: {  	v59 =	vld [tilespmem:$0x1FE90]  }
0x237: {  	v13 =	vmul.f32 v6, v13;
	v6 =	vld [tilespmem:s14+$0x660];
	v27 =	vmul.f32 v12, v20;
	v12 =	vadd.f32 v18, v26  }
0x238: {  	v18 =	vmul.f32 v19, v24;
	v19 =	vld [tilespmem:$0x1FF90]  }
0x239: {  	v13 =	vadd.f32 v13, v12;
	v12 =	vld [tilespmem:$0x1FFA0]  }
0x23a: {  	v1 =	vadd.f32 v36, v1;
	v8 =	vld [tilespmem:$0x1FF40]  }
0x23b: {  	v45 =	vld [tilespmem:s14+$0x690]  }
0x23c: {  	(xrf2) =	vadd.scan.msk.f32 $0xffff, v1;
	v1 =	vld [tilespmem:$0x1FFF0]  }
0x23d: {  	v24 =	vmul.f32 v19, v23;
	v19 =	vld [tilespmem:$0x1FFC0]  }
0x23e: {  	v12 =	vmul.f32 v12, v18;
	v18 =	vld [tilespmem:$0x1FFB0]  }
0x23f: {  	v8 =	vmul.f32 v8, v7;
	v7 =	vld [tilespmem:$0x1FF50]  }
0x240: {  	v14 =	vld [tilespmem:s14+$0x8660]  }
0x241: {  	v9 =	vld [tilespmem:$0x1FF60]  }
0x242: {  	v62 =	vld [tilespmem:s14+$0x86C0]  }
0x243: {  	v46 =	vmul.f32 v19, v18;
	v18 =	vld [tilespmem:$0x1FFD0]  }
0x244: {  	v36 =	vmul.f32 v50, v7;
	v7 =	vld [tilespmem:s14+$0x620]  }
0x245: {  	v4 =	vld [tilespmem:s14+$0x10610]  }
0x246: {  	v2 =	vmul.f32 v2, v3;
	v17 =	vmul.f32 v9, v17;
	v9 =	vld [tilespmem:s14+$0x8620]  }
0x247: {  	v20 =	vld [tilespmem:s14+$0x650]  }
0x248: {  	v17 =	vadd.f32 $0.0e+00, v17;
	v23 =	vmul.f32 v18, v2;
	v2 =	vld [tilespmem:$0x1FFE0]  }
0x249: {  	v3 =	vmul.f32 v22, v25;
	v26 =	vld [tilespmem:s14+$0x8650]  }
0x24a: {  	v22 =	vmul.f32 v31, v48;
	v53 =	vmul.f32 v55, v53;
	v19 =	vadd.f32 v27, v17;
	v17 =	vld [tilespmem:s14+$0x640]  }
0x24b: {  	v49 =	vmul.f32 v49, v59;
	v27 =	vmul.f32 v62, v15;
	v15 =	vld [tilespmem:s14+$0x8600]  }
0x24c: {  	v1 =	vmul.f32 v51, v1;
	v19 =	vadd.f32 v29, v19;
	v18 =	vld [tilespmem:s14+$0x8640];
	v23 =	vadd.f32 $0.0e+00, v23  }
0x24d: {  	s15 =	simm.s32 $0x18600;
	s16 =	simm.s32 $0x2000;
	(xrf2) =	vadd.scan.msk.f32 $0xffff, v21;
	v25 =	vmul.f32 v2, v3;
	v3 =	vadd.f32 v53, v13;
	v13 =	vld [tilespmem:s14+$0x10600];
	v2 =	vmul.f32 v33, v28  }
.LBB2_2:
0x24e: {  	_ =	sdelay $0x1  }
0x24f: {  	v28 =	vld [tilespmem:s14+$0x600]  }
0x250: {  	v10 =	vadd.f32 v10, v19;
	v0 =	vmul.f32 v0, v27;
	v5 =	vmul.f32 v11, v5;
	v11 =	vld [tilespmem:s14+$0x610]  }
0x251: {  	v21 =	vadd.f32 v25, v23;
	v19 =	vmul.f32 v34, v22;
	v22 =	vld [tilespmem:s14+$0x8610];
	v17 =	vmul.f32 v18, v17  }
0x252: {  	v2 =	vmul.f32 v63, v2;
	v0 =	vadd.f32 $0.0e+00, v0;
	v5 =	vmul.f32 v35, v5  }
0x253: {  	v18 =	vadd.f32 v24, v21;
	v16 =	vmul.f32 v16, v17;
	v17 =	vmul.f32 v26, v20  }
0x254: {  	(xrf2) =	vadd.scan.msk.f32 $0xffff, v3;
	v3 =	vmul.f32 v14, v6;
	v0 =	vadd.f32 v5, v0;
	v5 =	vmul.f32 v15, v28  }
0x255: {  	(xrf2) =	vadd.scan.msk.f32 $0xffff, v10;
	v8 =	vadd.f32 v8, v18;
	v15 =	vld [tilespmem:s14+$0x8690];
	v10 =	vadd.f32 $0.0e+00, v16;
	v16 =	vmul.f32 v47, v17  }
0x256: {  	v6 =	vld [tilespmem:s14+$0x680];
	v18 =	vadd.f32 v2, v0;
	v2 =	vmul.f32 v13, v5;
	v5 =	vmul.f32 v22, v11  }
0x257: {  	v7 =	vmul.f32 v9, v7;
	v9 =	vadd.f32 v16, v10;
	v10 =	vld [tilespmem:s14+$0x10690]  }
0x258: {  	v20 =	vld [tilespmem:s14+$0x8680];
	v3 =	vmul.f32 v38, v3;
	v2 =	vadd.f32 $0.0e+00, v2;
	v4 =	vmul.f32 v4, v5  }
0x259: {  	v7 =	vmul.f32 v39, v7  }
0x25a: {  	v17 =	vld [tilespmem:s14+$0x10680];
	v3 =	vadd.f32 v3, v9;
	v9 =	vmul.f32 v15, v45;
	v4 =	vadd.f32 v4, v2  }
0x25b: {  	v11 =	vld [tilespmem:s14+$0x8700]  }
0x25c: {  	v4 =	vadd.f32 v7, v4;
	v7 =	vmul.f32 v10, v9;
	v10 =	vld [tilespmem:$0x1FC30]  }
0x25d: {  	v5 =	vmul.f32 v20, v6  }
0x25e: {  	v13 =	vld [tilespmem:s14+$0x10700]  }
0x25f: {  	v14 =	vmul.f32 v44, v43;
	v6 =	vld [tilespmem:s14+$0x8710];
	v5 =	vmul.f32 v17, v5  }
0x260: {  	v2 =	vld [tilespmem:$0x1FD60]  }
0x261: {  	v11 =	vmul.f32 v11, v37;
	v5 =	vadd.f32 $0.0e+00, v5;
	v10 =	vmul.f32 v10, v14;
	v14 =	vld [tilespmem:$0x1FD00]  }
0x262: {  	v12 =	vadd.f32 v12, v18;
	v15 =	vld [tilespmem:s14+$0x8780]  }
0x263: {  	v33, _, _ =	vpop (xrf2);
	(xrf2) =	vadd.scan.msk.f32 $0xffff, v8;
	v8 =	vmul.f32 v42, v41;
	v5 =	vadd.f32 v7, v5;
	v7 =	vmul.f32 v13, v11;
	v11 =	vld [tilespmem:$0x1FC20]  }
0x264: {  	v0, _, _ =	vpop (xrf2);
	(xrf2) =	vadd.scan.msk.f32 $0xffff, v12;
	v12 =	vld [tilespmem:s14+$0x10710]  }
0x265: {  	v17 =	vld [tilespmem:$0x1FBB0];
	v8 =	vmul.f32 v2, v8  }
0x266: {  	v16 =	vadd.f32 v19, v3;
	v6 =	vmul.f32 v6, v14;
	v14 =	vld [tilespmem:s14+$0x10780]  }
0x267: {  	v9 =	vld [tilespmem:s14+$0x8790];
	v4 =	vadd.f32 v8, v4  }
0x268: {  	v13 =	vld [tilespmem:s14+$0x10790];
	v2, _, _ =	vpop (xrf2);
	(xrf2) =	vadd.scan.msk.f32 $0xffff, v16;
	v7 =	vadd.f32 $0.0e+00, v7;
	v1 =	vmul.f32 v11, v1  }
0x269: {  	v3, _, _ =	vpop (xrf2);
	v11 =	vmul.f32 v15, v60;
	v5 =	vadd.f32 v10, v5;
	(xrf2) =	vadd.scan.msk.f32 $0xffff, v4;
	v4 =	vld [tilespmem:$0x1FC00];
	v6 =	vmul.f32 v12, v6  }
0x26a: {  	v12 =	vld [tilespmem:$0x1FC10]  }
0x26b: {  	v16 =	vadd.f32 v1, v5;
	v5 =	vadd.f32 v6, v7;
	v6 =	vmul.f32 v14, v11;
	v11 =	vld [tilespmem:$0x1FBE0]  }
0x26c: {  	v8 =	vld [tilespmem:s14+$0x8800]  }
0x26d: {  	v10 =	vld [tilespmem:s14+$0x8810]  }
0x26e: {  	v4 =	vmul.f32 v4, v46;
	v14 =	vld [tilespmem:$0x1FBF0]  }
0x26f: {  	v7 =	vld [tilespmem:s14+$0x8880]  }
0x270: {  	v15, _, _ =	vpop (xrf2);
	(xrf2) =	vadd.scan.msk.f32 $0xffff, v16;
	v16 =	vld [tilespmem:$0x1FBD0];
	v4 =	vadd.f32 v4, v5;
	v9 =	vmul.f32 v9, v12;
	v11 =	vmul.f32 v11, v40  }
0x271: {  	v12 =	vld [tilespmem:s14+$0x10800]  }
0x272: {  	v5 =	vadd.f32 $0.0e+00, v6;
	v6 =	vmul.f32 v13, v9;
	v13 =	vld [tilespmem:$0x1FBC0];
	v4 =	vadd.f32 v11, v4  }
0x273: {  	v1, _, _ =	vpop (xrf2);
	v8 =	vmul.f32 v8, v14;
	v14 =	vld [tilespmem:s14+$0x10810]  }
0x274: {  	v7 =	vmul.f32 v7, v17;
	v17, _, _ =	vpop (xrf2);
	(xrf2) =	vadd.scan.msk.f32 $0xffff, v4;
	v4 =	vld [tilespmem:$0x1FB80]  }
0x275: {  	v11 =	vld [tilespmem:$0x1FBA0]  }
0x276: {  	v10 =	vmul.f32 v10, v16;
	v16 =	vld [tilespmem:s14+$0x10820]  }
0x277: {  	v9 =	vld [tilespmem:s14+$0x8890];
	v5 =	vadd.f32 v6, v5;
	v6 =	vmul.f32 v12, v8  }
0x278: {  	v12 =	vld [tilespmem:s14+$0x10830];
	v13 =	vmul.f32 v13, v36  }
0x279: {  	v6 =	vadd.f32 $0.0e+00, v6;
	v10 =	vmul.f32 v14, v10;
	v4 =	vmul.f32 v4, v7;
	v7 =	vld [tilespmem:$0x1FB90]  }
0x27a: {  	v5 =	vadd.f32 v13, v5;
	v18 =	vmul.f32 v11, v32  }
0x27b: {  	v6 =	vadd.f32 v10, v6;
	v10 =	vmul.f32 v16, v54;
	v11, _, _ =	vpop (xrf2)  }
0x27c: {  	v8 =	vld [tilespmem:s14+$0x10890];
	v11 =	vbroadcast v11, $0xF;
	v5 =	vadd.f32 v18, v5  }
0x27d: {  	v13 =	vmul.f32 v12, v58;
	v6 =	vadd.f32 v10, v6  }
0x27e: {  	(xrf2) =	vadd.scan.msk.f32 $0xffff, v5;
	v5 =	vnsel vm0, $0x0, v11;
	v11 =	vbroadcast v17, $0xF;
	v7 =	vmul.f32 v9, v7;
	v9 =	vld [tilespmem:s14+$0x108A0]  }
0x27f: {  	v10, _, _ =	vpop (xrf2);
	v5 =	vadd.f32 $0.0e+00, v5  }
0x280: {  	v6 =	vadd.f32 v13, v6;
	v10 =	vbroadcast v10, $0xF;
	v11 =	vnsel vm1, $0x0, v11  }
0x281: {  	v12 =	vld [tilespmem:$0x1FB70];
	v4 =	vadd.f32 $0.0e+00, v4;
	v5 =	vadd.f32 v11, v5;
	v7 =	vmul.f32 v8, v7  }
0x282: {  	(xrf2) =	vadd.scan.msk.f32 $0xffff, v6;
	v6 =	vnsel vm2, $0x0, v10;
	v8 =	vld [tilespmem:s14+$0x108B0]  }
0x283: {  	v5 =	vadd.f32 v6, v5;
	v6 =	vld [tilespmem:$0x1FDC0];
	v4 =	vadd.f32 v7, v4;
	v9 =	vmul.f32 v9, v57  }
0x284: {  	v7 =	vld [tilespmem:s14+$0x10920]  }
0x285: {  	v4 =	vadd.f32 v9, v4;
	v9 =	vld [tilespmem:$0x1FE10]  }
0x286: {  	v12 =	vmul.f32 v12, v49;
	_ =	sdelay $0x1  }
0x287: {  	v12 =	vadd.f32 $0.0e+00, v12  }
0x288: {  	v1 =	vbroadcast v1, $0xF  }
0x289: {  	v6 =	vmul.f32 v7, v6;
	v8 =	vmul.f32 v8, v9;
	v9 =	vadd.f32 v56, v12  }
0x28a: {  	v1 =	vnsel vm3, $0x0, v1;
	v13 =	vld [tilespmem:s14+$0x10930]  }
0x28b: {  	v1 =	vadd.f32 v1, v5;
	v5 =	vadd.f32 v6, v9;
	v6 =	vld [tilespmem:$0x1FD40];
	_ =	sdelay $0x2  }
0x28c: {  	v7, _, _ =	vpop (xrf2)  }
0x28d: {  	v10 =	vld [tilespmem:s14+$0x109A0];
	v7 =	vbroadcast v7, $0xF;
	v4 =	vadd.f32 v8, v4  }
0x28e: {  	v8 =	vld [tilespmem:$0x1FDF0];
	v12 =	vmul.f32 v13, v6  }
0x28f: {  	v9 =	vld [tilespmem:$0x1FD80];
	(xrf2) =	vadd.scan.msk.f32 $0xffff, v4;
	v4 =	vnsel vm4, $0x0, v7;
	v7 =	vbroadcast v15, $0xF  }
0x290: {  	v1 =	vadd.f32 v4, v1;
	v4 =	vadd.f32 v12, v5;
	v5 =	vld [tilespmem:$0x1FCF0]  }
0x291: {  	v11 =	vld [tilespmem:s14+$0x109B0];
	v7 =	vnsel vm5, $0x0, v7  }
0x292: {  	v1 =	vadd.f32 v7, v1;
	v7 =	vld [tilespmem:$0x1FCA0]  }
0x293: {  	v8 =	vadd.f32 $0.0e+00, v8;
	_ =	sdelay $0x1  }
0x294: {  	v6, _, _ =	vpop (xrf2);
	v8 =	vadd.f32 v9, v8;
	v5 =	vmul.f32 v10, v5  }
0x295: {  	v6 =	vbroadcast v6, $0xF;
	v9 =	vld [tilespmem:s14+$0x109E0]  }
0x296: {  	v10 =	vld [tilespmem:$0x1FD20];
	v5 =	vadd.f32 v5, v8;
	v8 =	vmul.f32 v11, v7  }
0x297: {  	(xrf2) =	vadd.scan.msk.f32 $0xffff, v4;
	v4 =	vnsel vm6, $0x0, v6;
	v6 =	vld [tilespmem:$0x1FCC0]  }
0x298: {  	v1 =	vadd.f32 v4, v1;
	v4 =	vadd.f32 v8, v5;
	v5 =	vld [tilespmem:$0x1FC70];
	_ =	sdelay $0x2  }
0x299: {  	v10 =	vadd.f32 $0.0e+00, v10  }
0x29a: {  	v3 =	vbroadcast v3, $0xF  }
0x29b: {  	v6 =	vadd.f32 v6, v10;
	v5 =	vmul.f32 v9, v5  }
0x29c: {  	v3 =	vnsel vm7, $0x0, v3;
	v12 =	vld [tilespmem:s14+$0x109F0]  }
0x29d: {  	v1 =	vadd.f32 v3, v1;
	v3 =	vadd.f32 v5, v6;
	v5 =	vld [tilespmem:$0x1FC40];
	_ =	sdelay $0x2  }
0x29e: {  	v7, _, _ =	vpop (xrf2)  }
0x29f: {  	v7 =	vbroadcast v7, $0xF  }
0x2a0: {  	(xrf2) =	vadd.scan.msk.f32 $0xffff, v4;
	v5 =	vmul.f32 v12, v5  }
0x2a1: {  	v2 =	vbroadcast v2, $0xF;
	v6 =	vnsel vm8, $0x0, v7  }
0x2a2: {  	v4, _, _ =	vpop (xrf2);
	v1 =	vadd.f32 v6, v1;
	v3 =	vadd.f32 v5, v3  }
0x2a3: {  	v2 =	vnsel vm9, $0x0, v2;
	v4 =	vbroadcast v4, $0xF  }
0x2a4: {  	v1 =	vadd.f32 v2, v1;
	(xrf2) =	vadd.scan.msk.f32 $0xffff, v3  }
0x2a5: {  	v0 =	vbroadcast v0, $0xF;
	v3 =	vnsel vm10, $0x0, v4  }
0x2a6: {  	v2, _, _ =	vpop (xrf2);
	v1 =	vadd.f32 v3, v1  }
0x2a7: {  	v0 =	vnsel vm11, $0x0, v0;
	v2 =	vbroadcast v2, $0xF  }
0x2a8: {  	v0 =	vadd.f32 v0, v1  }
0x2a9: {  	v3 =	vnsel vm12, $0x0, v2;
	v2 =	vbroadcast v33, $0xF  }
0x2aa: {  	v0 =	vadd.f32 v3, v0;
	v1, _, _ =	vpop (xrf2)  }
0x2ab: {  	v2 =	vnsel vm13, $0x0, v2;
	v3 =	vbroadcast v1, $0xF  }
0x2ac: {  	v0 =	vadd.f32 v2, v0  }
0x2ad: {  	v2 =	vnsel vm14, $0x0, v3  }
0x2ae: {  	v0 =	vadd.f32 v2, v0;
	v1, _, _ =	vpop (xrf2)  }
0x2af: {  	v1 =	vsel vm15, $0x0, v1  }
0x2b0: {  	v0 =	vadd.f32 v1, v0;
	_ =	sdelay $0x1  }
0x2b1: {  	v0 =	vsub.f32 $0.0e+00, v0;
	_ =	sdelay $0x1  }
0x2b2: {  	v0 =	vmul.f32 $1.442695020e+00, v0;
	_ =	sdelay $0x1  }
0x2b3: {  	(erf) = vpow2.f32 v0;
	_ =	sdelay $0x8  }
0x2b4: {  	v0 =	vpop (erf)  }
0x2b5: {  	v0 =	vadd.f32 $1.000000000e+00, v0;
	_ =	sdelay $0x1  }
0x2b6: {  	(erf) = vrcp.f32 v0;
	_ =	sdelay $0x8  }
0x2b7: {  	s15 =	sadd.s32 $0x10, s15;
	v0 =	vpop (erf)  }
0x2b8: {  	s14 =	sshra.s32 s16, $0x2;
	[tilespmem:s15+$0x0] =	vst v0  }
0x2b9: {  	v0 =	vld [tilespmem:s14+$0x9D0];
	_ =	sdelay $0x4  }
0x2ba: {  	[tilespmem:$0x1F410] =	vst v0;
	v0 =	vld [tilespmem:s14+$0x89D0];
	_ =	sdelay $0x4  }
0x2bb: {  	[tilespmem:$0x1F420] =	vst v0;
	v0 =	vld [tilespmem:s14+$0x970];
	_ =	sdelay $0x4  }
0x2bc: {  	[tilespmem:$0x1F430] =	vst v0;
	v0 =	vld [tilespmem:s14+$0x8970];
	_ =	sdelay $0x4  }
0x2bd: {  	[tilespmem:$0x1F440] =	vst v0;
	v0 =	vld [tilespmem:s14+$0x89A0];
	_ =	sdelay $0x4  }
0x2be: {  	[tilespmem:$0x1F470] =	vst v0;
	v0 =	vld [tilespmem:s14+$0x9C0];
	_ =	sdelay $0x4  }
0x2bf: {  	[tilespmem:$0x1F450] =	vst v0;
	v0 =	vld [tilespmem:s14+$0x89C0];
	_ =	sdelay $0x4  }
0x2c0: {  	[tilespmem:$0x1F460] =	vst v0;
	v0 =	vld [tilespmem:s14+$0x930];
	_ =	sdelay $0x4  }
0x2c1: {  	[tilespmem:$0x1F4A0] =	vst v0;
	v0 =	vld [tilespmem:s14+$0x8930];
	_ =	sdelay $0x4  }
0x2c2: {  	[tilespmem:$0x1F4B0] =	vst v0;
	v0 =	vld [tilespmem:s14+$0x960];
	_ =	sdelay $0x4  }
0x2c3: {  	[tilespmem:$0x1F480] =	vst v0;
	v0 =	vld [tilespmem:s14+$0x8960];
	_ =	sdelay $0x4  }
0x2c4: {  	[tilespmem:$0x1F490] =	vst v0;
	v0 =	vld [tilespmem:s14+$0x990];
	_ =	sdelay $0x4  }
0x2c5: {  	[tilespmem:$0x1F4C0] =	vst v0;
	v0 =	vld [tilespmem:s14+$0x8F0];
	_ =	sdelay $0x4  }
0x2c6: {  	[tilespmem:$0x1F4D0] =	vst v0;
	v0 =	vld [tilespmem:s14+$0x920];
	_ =	sdelay $0x4  }
0x2c7: {  	[tilespmem:$0x1F510] =	vst v0;
	v0 =	vld [tilespmem:s14+$0x8920];
	_ =	sdelay $0x4  }
0x2c8: {  	[tilespmem:$0x1F520] =	vst v0;
	v0 =	vld [tilespmem:s14+$0x950];
	_ =	sdelay $0x4  }
0x2c9: {  	[tilespmem:$0x1F4E0] =	vst v0;
	v0 =	vld [tilespmem:s14+$0x980];
	_ =	sdelay $0x4  }
0x2ca: {  	[tilespmem:$0x1F4F0] =	vst v0;
	v0 =	vld [tilespmem:s14+$0x8980];
	_ =	sdelay $0x4  }
0x2cb: {  	[tilespmem:$0x1F500] =	vst v0;
	v0 =	vld [tilespmem:s14+$0x10870];
	_ =	sdelay $0x4  }
0x2cc: {  	[tilespmem:$0x1F5A0] =	vst v0;
	v0 =	vld [tilespmem:s14+$0x8B0];
	_ =	sdelay $0x4  }
0x2cd: {  	[tilespmem:$0x1F540] =	vst v0;
	v0 =	vld [tilespmem:s14+$0x88B0];
	_ =	sdelay $0x4  }
0x2ce: {  	[tilespmem:$0x1F550] =	vst v0;
	v0 =	vld [tilespmem:s14+$0x108D0];
	_ =	sdelay $0x4  }
0x2cf: {  	[tilespmem:$0x1F5D0] =	vst v0;
	v0 =	vld [tilespmem:s14+$0x8E0];
	_ =	sdelay $0x4  }
0x2d0: {  	[tilespmem:$0x1F530] =	vst v0;
	v0 =	vld [tilespmem:s14+$0x10900];
	_ =	sdelay $0x4  }
0x2d1: {  	[tilespmem:$0x1FB70] =	vst v0;
	v0 =	vld [tilespmem:s14+$0x910];
	_ =	sdelay $0x4  }
0x2d2: {  	[tilespmem:$0x1F560] =	vst v0;
	v0 =	vld [tilespmem:s14+$0x8910];
	_ =	sdelay $0x4  }
0x2d3: {  	[tilespmem:$0x1F570] =	vst v0;
	v0 =	vld [tilespmem:s14+$0x940];
	_ =	sdelay $0x4  }
0x2d4: {  	[tilespmem:$0x1F580] =	vst v0;
	v0 =	vld [tilespmem:s14+$0x10860];
	_ =	sdelay $0x4  }
0x2d5: {  	[tilespmem:$0x1F630] =	vst v0;
	v0 =	vld [tilespmem:s14+$0x870];
	_ =	sdelay $0x4  }
0x2d6: {  	[tilespmem:$0x1F590] =	vst v0;
	v0 =	vld [tilespmem:s14+$0x8A0];
	_ =	sdelay $0x4  }
0x2d7: {  	[tilespmem:$0x1F5B0] =	vst v0;
	v0 =	vld [tilespmem:s14+$0x88A0];
	_ =	sdelay $0x4  }
0x2d8: {  	[tilespmem:$0x1F5C0] =	vst v0;
	v0 =	vld [tilespmem:s14+$0x108C0];
	_ =	sdelay $0x4  }
0x2d9: {  	[tilespmem:$0x1F610] =	vst v0;
	v0 =	vld [tilespmem:s14+$0x900];
	_ =	sdelay $0x4  }
0x2da: {  	[tilespmem:$0x1F5E0] =	vst v0;
	v0 =	vld [tilespmem:s14+$0x107F0];
	_ =	sdelay $0x4  }
0x2db: {  	[tilespmem:$0x1F620] =	vst v0;
	v0 =	vld [tilespmem:s14+$0x830];
	_ =	sdelay $0x4  }
0x2dc: {  	[tilespmem:$0x1F5F0] =	vst v0;
	v0 =	vld [tilespmem:s14+$0x10850];
	_ =	sdelay $0x4  }
0x2dd: {  	[tilespmem:$0x1F650] =	vst v0;
	v0 =	vld [tilespmem:s14+$0x860];
	_ =	sdelay $0x4  }
0x2de: {  	[tilespmem:$0x1F600] =	vst v0;
	v0 =	vld [tilespmem:s14+$0x10880];
	_ =	sdelay $0x4  }
0x2df: {  	[tilespmem:$0x1FB80] =	vst v0;
	v0 =	vld [tilespmem:s14+$0x890];
	_ =	sdelay $0x4  }
0x2e0: {  	[tilespmem:$0x1FB90] =	vst v0;
	v0 =	vld [tilespmem:s14+$0x107B0];
	_ =	sdelay $0x4  }
0x2e1: {  	[tilespmem:$0x1FBA0] =	vst v0;
	v0 =	vld [tilespmem:s14+$0x107E0];
	_ =	sdelay $0x4  }
0x2e2: {  	[tilespmem:$0x1F670] =	vst v0;
	v0 =	vld [tilespmem:s14+$0x820];
	_ =	sdelay $0x4  }
0x2e3: {  	[tilespmem:$0x1F640] =	vst v0;
	v0 =	vld [tilespmem:s14+$0x10840];
	_ =	sdelay $0x4  }
0x2e4: {  	[tilespmem:$0x1F680] =	vst v0;
	v0 =	vld [tilespmem:s14+$0x880];
	_ =	sdelay $0x4  }
0x2e5: {  	[tilespmem:$0x1FBB0] =	vst v0;
	v0 =	vld [tilespmem:s14+$0x10770];
	_ =	sdelay $0x4  }
0x2e6: {  	[tilespmem:$0x1F690] =	vst v0;
	v0 =	vld [tilespmem:s14+$0x107A0];
	_ =	sdelay $0x4  }
0x2e7: {  	[tilespmem:$0x1FBC0] =	vst v0;
	v0 =	vld [tilespmem:s14+$0x7B0];
	_ =	sdelay $0x4  }
0x2e8: {  	[tilespmem:$0x1F660] =	vst v0;
	v0 =	vld [tilespmem:s14+$0x107D0];
	_ =	sdelay $0x4  }
0x2e9: {  	[tilespmem:$0x1F6D0] =	vst v0;
	v0 =	vld [tilespmem:s14+$0x810];
	_ =	sdelay $0x4  }
0x2ea: {  	[tilespmem:$0x1FBD0] =	vst v0;
	v0 =	vld [tilespmem:s14+$0x10730];
	_ =	sdelay $0x4  }
0x2eb: {  	[tilespmem:$0x1FBE0] =	vst v0;
	v0 =	vld [tilespmem:s14+$0x10760];
	_ =	sdelay $0x4  }
0x2ec: {  	[tilespmem:$0x1F6E0] =	vst v0;
	v0 =	vld [tilespmem:s14+$0x7A0];
	_ =	sdelay $0x3  }
0x2ed: {  	v2 =	vld [tilespmem:s14+$0x9F0]  }
0x2ee: {  	[tilespmem:$0x1F6A0] =	vst v0;
	v0 =	vld [tilespmem:s14+$0x107C0]  }
0x2ef: {  	v35 =	vld [tilespmem:s14+$0x89F0]  }
0x2f0: {  	v48 =	vld [tilespmem:s14+$0x109D0]  }
0x2f1: {  	v21 =	vld [tilespmem:s14+$0x9E0]  }
0x2f2: {  	v30 =	vld [tilespmem:s14+$0x89E0]  }
0x2f3: {  	[tilespmem:$0x1F6B0] =	vst v0;
	v0 =	vld [tilespmem:s14+$0x800]  }
0x2f4: {  	v49 =	vld [tilespmem:s14+$0x10970]  }
0x2f5: {  	v23 =	vld [tilespmem:s14+$0x9B0]  }
0x2f6: {  	v55 =	vld [tilespmem:s14+$0x89B0]  }
0x2f7: {  	v50 =	vld [tilespmem:s14+$0x109C0]  }
0x2f8: {  	[tilespmem:$0x1FBF0] =	vst v0;
	v0 =	vld [tilespmem:s14+$0x106F0]  }
0x2f9: {  	v51 =	vld [tilespmem:s14+$0x10960]  }
0x2fa: {  	v52 =	vld [tilespmem:s14+$0x10990]  }
0x2fb: {  	v62 =	vld [tilespmem:s14+$0x9A0]  }
0x2fc: {  	v53 =	vld [tilespmem:s14+$0x108F0]  }
0x2fd: {  	[tilespmem:$0x1F6F0] =	vst v0;
	v0 =	vld [tilespmem:s14+$0x10720]  }
0x2fe: {  	v54 =	vld [tilespmem:s14+$0x10950]  }
0x2ff: {  	v57 =	vld [tilespmem:s14+$0x10980]  }
0x300: {  	v31 =	vld [tilespmem:s14+$0x8990]  }
0x301: {  	v56 =	vld [tilespmem:s14+$0x108E0]  }
0x302: {  	[tilespmem:$0x1FC00] =	vst v0;
	v0 =	vld [tilespmem:s14+$0x730]  }
0x303: {  	v38 =	vld [tilespmem:s14+$0x88F0]  }
0x304: {  	v58 =	vld [tilespmem:s14+$0x10910]  }
0x305: {  	v60 =	vld [tilespmem:s14+$0x10940]  }
0x306: {  	v43 =	vld [tilespmem:s14+$0x8950]  }
0x307: {  	[tilespmem:$0x1F6C0] =	vst v0;
	v0 =	vld [tilespmem:s14+$0x10750]  }
0x308: {  	v44 =	vld [tilespmem:s14+$0x88E0]  }
0x309: {  	v5 =	vld [tilespmem:s14+$0x8940]  }
0x30a: {  	v11 =	vld [tilespmem:s14+$0x8870]  }
0x30b: {  	v39 =	vld [tilespmem:s14+$0x8D0]  }
0x30c: {  	[tilespmem:$0x1F700] =	vst v0;
	v0 =	vld [tilespmem:s14+$0x790]  }
0x30d: {  	v37 =	vld [tilespmem:s14+$0x88D0]  }
0x30e: {  	v41 =	vld [tilespmem:s14+$0x8900]  }
0x30f: {  	v42 =	vld [tilespmem:s14+$0x8830]  }
0x310: {  	v47 =	vld [tilespmem:s14+$0x8860]  }
0x311: {  	[tilespmem:$0x1FC10] =	vst v0;
	v0 =	vld [tilespmem:s14+$0x106B0]  }
0x312: {  	v40 =	vld [tilespmem:s14+$0x8C0]  }
0x313: {  	v36 =	vld [tilespmem:s14+$0x88C0]  }
0x314: {  	v28 =	vld [tilespmem:s14+$0x7F0]  }
0x315: {  	v14 =	vld [tilespmem:s14+$0x87F0]  }
0x316: {  	[tilespmem:$0x1FC20] =	vst v0;
	v0 =	vld [tilespmem:s14+$0x106A0]  }
0x317: {  	v45 =	vld [tilespmem:s14+$0x8820]  }
0x318: {  	v10 =	vld [tilespmem:s14+$0x850]  }
0x319: {  	v6 =	vld [tilespmem:s14+$0x8850]  }
0x31a: {  	v32 =	vld [tilespmem:s14+$0x87B0]  }
0x31b: {  	v8 =	vld [tilespmem:s14+$0x7E0];
	[tilespmem:$0x1FC30] =	vst v0;
	v0 =	vmul.f32 v35, v2  }
0x31c: {  	v2 =	vld [tilespmem:$0x1F420]  }
0x31d: {  	[tilespmem:$0x1FC40] =	vst v0;
	v0 =	vld [tilespmem:$0x1F410]  }
0x31e: {  	v59 =	vld [tilespmem:s14+$0x87E0]  }
0x31f: {  	v24 =	vld [tilespmem:s14+$0x840]  }
0x320: {  	v26 =	vld [tilespmem:s14+$0x8840]  }
0x321: {  	v7 =	vld [tilespmem:s14+$0x770]  }
0x322: {  	v4 =	vld [tilespmem:s14+$0x8770];
	v0 =	vmul.f32 v2, v0  }
0x323: {  	v25 =	vld [tilespmem:s14+$0x87A0]  }
0x324: {  	v27 =	vld [tilespmem:s14+$0x7D0];
	v0 =	vmul.f32 v48, v0  }
0x325: {  	v9 =	vld [tilespmem:s14+$0x87D0]  }
0x326: {  	[tilespmem:$0x1FCC0] =	vst v0;
	v0 =	vld [tilespmem:s14+$0x710]  }
0x327: {  	v46 =	vld [tilespmem:s14+$0x8730]  }
0x328: {  	v33 =	vld [tilespmem:s14+$0x760]  }
0x329: {  	v2 =	vmul.f32 v30, v21;
	v21 =	vld [tilespmem:$0x1F430]  }
0x32a: {  	v30 =	vld [tilespmem:$0x1F440]  }
0x32b: {  	[tilespmem:$0x1FD00] =	vst v0;
	v0 =	vld [tilespmem:$0x1F470]  }
0x32c: {  	v16 =	vld [tilespmem:s14+$0x8760]  }
0x32d: {  	v20 =	vld [tilespmem:s14+$0x7C0]  }
0x32e: {  	v29 =	vld [tilespmem:s14+$0x87C0]  }
0x32f: {  	v23 =	vmul.f32 v55, v23;
	v55 =	vld [tilespmem:$0x1F460]  }
0x330: {  	v21 =	vmul.f32 v30, v21;
	v30 =	vld [tilespmem:$0x1F450];
	v0 =	vmul.f32 v0, v62  }
0x331: {  	v62 =	vld [tilespmem:$0x1F490]  }
0x332: {  	[tilespmem:$0x1FCF0] =	vst v0;
	v0 =	vld [tilespmem:$0x1F480]  }
0x333: {  	v63 =	vld [tilespmem:s14+$0x106E0]  }
0x334: {  	v15 =	vld [tilespmem:s14+$0x6F0]  }
0x335: {  	v12 =	vld [tilespmem:s14+$0x86F0]  }
0x336: {  	v30 =	vmul.f32 v55, v30;
	v55 =	vld [tilespmem:$0x1F4A0]  }
0x337: {  	v0 =	vmul.f32 v62, v0;
	v62 =	vld [tilespmem:$0x1F4B0]  }
0x338: {  	v3 =	vld [tilespmem:s14+$0x720]  }
0x339: {  	v1 =	vld [tilespmem:s14+$0x8720]  }
0x33a: {  	v13 =	vld [tilespmem:s14+$0x10740]  }
0x33b: {  	v17 =	vld [tilespmem:s14+$0x750]  }
0x33c: {  	v30 =	vmul.f32 v50, v30;
	v50 =	vmul.f32 v62, v55;
	v55 =	vld [tilespmem:$0x1F4C0]  }
0x33d: {  	v18 =	vld [tilespmem:s14+$0x8750]  }
0x33e: {  	v61 =	vld [tilespmem:s14+$0x780]  }
0x33f: {  	v7 =	vmul.f32 v4, v7;
	v4 =	vld [tilespmem:$0x1F660]  }
0x340: {  	v62 =	vld [tilespmem:s14+$0x10630]  }
0x341: {  	v31 =	vmul.f32 v31, v55;
	v55 =	vld [tilespmem:$0x1F4D0]  }
0x342: {  	v34 =	vld [tilespmem:s14+$0x10670]  }
0x343: {  	v19 =	vld [tilespmem:s14+$0x6B0]  }
0x344: {  	v22 =	vld [tilespmem:s14+$0x86B0]  }
0x345: {  	v32 =	vmul.f32 v32, v4;
	v4 =	vld [tilespmem:$0x1F670]  }
0x346: {  	v51 =	vmul.f32 v51, v0;
	v0 =	vld [tilespmem:$0x1F4E0];
	[tilespmem:$0x1FD60] =	vst v62;
	v62 =	vmul.f32 v38, v55  }
0x347: {  	v55 =	vld [tilespmem:$0x1F500]  }
0x348: {  	v8 =	vmul.f32 v59, v8;
	[tilespmem:$0x1FD40] =	vst v50;
	v50 =	vmul.f32 v53, v62;
	v53 =	vld [tilespmem:$0x1F4F0]  }
0x349: {  	v14 =	vmul.f32 v14, v28;
	v28 =	vld [tilespmem:$0x1F600]  }
0x34a: {  	v59 =	vmul.f32 v4, v8;
	v4 =	vld [tilespmem:$0x1F680]  }
0x34b: {  	v8 =	vld [tilespmem:$0x1F690]  }
0x34c: {  	v0 =	vmul.f32 v43, v0;
	v62 =	vld [tilespmem:$0x1F510]  }
0x34d: {  	v31 =	vmul.f32 v52, v31;
	v52 =	vmul.f32 v55, v53;
	v55 =	vld [tilespmem:$0x1F520]  }
0x34e: {  	v54 =	vmul.f32 v54, v0;
	v0 =	vld [tilespmem:$0x1F530]  }
0x34f: {  	v26 =	vmul.f32 v26, v24;
	[tilespmem:$0x1FCA0] =	vst v23;
	v23 =	vld [tilespmem:s14+$0x86E0]  }
0x350: {  	v28 =	vmul.f32 v47, v28;
	v47 =	vld [tilespmem:s14+$0x10650]  }
0x351: {  	v12 =	vmul.f32 v12, v15;
	v26 =	vmul.f32 v4, v26;
	v4 =	vld [tilespmem:s14+$0x10610]  }
0x352: {  	v8 =	vmul.f32 v8, v7;
	v7 =	vld [tilespmem:s14+$0x620];
	v43 =	vmul.f32 v55, v62  }
0x353: {  	v15 =	vld [tilespmem:$0x1F6E0];
	v55 =	vmul.f32 v44, v0;
	v0 =	vmul.f32 v57, v52  }
0x354: {  	v62 =	vld [tilespmem:$0x1F550]  }
0x355: {  	[tilespmem:$0x1FDF0] =	vst v0;
	v0 =	vld [tilespmem:$0x1F540]  }
0x356: {  	v24 =	vld [tilespmem:$0x1F6A0]  }
0x357: {  	v35 =	vld [tilespmem:s14+$0x106D0]  }
0x358: {  	[tilespmem:$0x1FC70] =	vst v2;
	v2 =	vld [tilespmem:s14+$0x6E0]  }
0x359: {  	v52 =	vld [tilespmem:$0x1F570]  }
0x35a: {  	v57 =	vld [tilespmem:$0x1F580];
	v0 =	vmul.f32 v62, v0  }
0x35b: {  	v62 =	vld [tilespmem:$0x1F590]  }
0x35c: {  	[tilespmem:$0x1FE10] =	vst v0;
	v0 =	vld [tilespmem:$0x1F560]  }
0x35d: {  	v21 =	vmul.f32 v49, v21;
	v49 =	vld [tilespmem:$0x1F5A0]  }
0x35e: {  	v48 =	vld [tilespmem:s14+$0x740]  }
0x35f: {  	[tilespmem:$0x1FD20] =	vst v30;
	v30 =	vld [tilespmem:s14+$0x8740];
	v55 =	vmul.f32 v56, v55  }
0x360: {  	[tilespmem:$0x1FD80] =	vst v31;
	v31 =	vld [tilespmem:s14+$0x670];
	v56 =	vmul.f32 v5, v57;
	v57 =	vmul.f32 v11, v62  }
0x361: {  	v38 =	vld [tilespmem:s14+$0x10660];
	v52 =	vmul.f32 v52, v0  }
0x362: {  	v56 =	vmul.f32 v60, v56;
	v60 =	vmul.f32 v49, v57;
	v57 =	vld [tilespmem:$0x1F5C0]  }
0x363: {  	v62 =	vmul.f32 v58, v52;
	v58 =	vld [tilespmem:$0x1F5B0]  }
0x364: {  	v53 =	vld [tilespmem:s14+$0x8670]  }
0x365: {  	v44 =	vld [tilespmem:s14+$0x86A0]  }
0x366: {  	v36 =	vmul.f32 v36, v40;
	v40 =	vadd.f32 $0.0e+00, v56;
	v56 =	vmul.f32 v6, v10;
	v6 =	vld [tilespmem:$0x1F610]  }
0x367: {  	[tilespmem:$0x1FDC0] =	vst v43;
	v43 =	vld [tilespmem:s14+$0x6A0]  }
0x368: {  	v57 =	vmul.f32 v57, v58;
	v58 =	vld [tilespmem:$0x1F5D0]  }
0x369: {  	v5 =	vld [tilespmem:s14+$0x6D0]  }
0x36a: {  	v10 =	vld [tilespmem:$0x1F620]  }
0x36b: {  	v40 =	vadd.f32 v54, v40;
	v54 =	vld [tilespmem:$0x1F640];
	v36 =	vmul.f32 v6, v36;
	v52 =	vmul.f32 v37, v39  }
0x36c: {  	v11 =	vld [tilespmem:s14+$0x86D0]  }
0x36d: {  	v40 =	vadd.f32 v51, v40;
	v51 =	vld [tilespmem:s14+$0x6C0];
	v36 =	vadd.f32 $0.0e+00, v36;
	v52 =	vmul.f32 v58, v52  }
0x36e: {  	v0 =	vld [tilespmem:s14+$0x106C0]  }
0x36f: {  	v6 =	vld [tilespmem:s14+$0x660];
	v36 =	vadd.f32 v52, v36  }
0x370: {  	v10 =	vmul.f32 v10, v14;
	v14 =	vld [tilespmem:$0x1F630]  }
0x371: {  	v20 =	vmul.f32 v29, v20;
	v37 =	vld [tilespmem:s14+$0x700];
	v29 =	vadd.f32 v55, v36;
	v36 =	vmul.f32 v25, v24  }
0x372: {  	v24 =	vmul.f32 v9, v27;
	v27 =	vmul.f32 v16, v33;
	v16 =	vld [tilespmem:$0x1F6B0]  }
0x373: {  	v54 =	vmul.f32 v45, v54;
	v45 =	vld [tilespmem:$0x1F650]  }
0x374: {  	v39 =	vld [tilespmem:s14+$0x10620]  }
0x375: {  	v28 =	vmul.f32 v14, v28;
	v14 =	vld [tilespmem:s14+$0x8660]  }
0x376: {  	v58 =	vld [tilespmem:$0x1F5E0]  }
0x377: {  	v25 =	vmul.f32 v16, v20;
	v20 =	vld [tilespmem:$0x1F6C0]  }
0x378: {  	v56 =	vmul.f32 v45, v56;
	v45 =	vld [tilespmem:s14+$0x690]  }
0x379: {  	v52 =	vld [tilespmem:s14+$0x86C0]  }
0x37a: {  	v9 =	vld [tilespmem:s14+$0x8620]  }
0x37b: {  	v49 =	vmul.f32 v41, v58;
	v58 =	vld [tilespmem:$0x1F5F0]  }
0x37c: {  	v26 =	vadd.f32 $0.0e+00, v26;
	v21 =	vadd.f32 v21, v40;
	v40 =	vmul.f32 v46, v20;
	v20 =	vld [tilespmem:$0x1F6D0]  }
0x37d: {  	v41 =	vld [tilespmem:s14+$0x630]  }
0x37e: {  	v29 =	vadd.f32 v50, v29;
	v50 =	vadd.f32 v56, v26;
	v26 =	vld [tilespmem:s14+$0x8650]  }
0x37f: {  	v16 =	vld [tilespmem:s14+$0x10640]  }
0x380: {  	v46 =	vmul.f32 v1, v3;
	v1 =	vld [tilespmem:$0x1F700]  }
0x381: {  	v58 =	vmul.f32 v42, v58;
	v42 =	vld [tilespmem:s14+$0x8630];
	v33 =	vmul.f32 v20, v24  }
0x382: {  	p0 =	sne.s32 s16, $0x1F000;
	v24 =	vmul.f32 v15, v27;
	v15 =	vadd.f32 $0.0e+00, v25;
	v27 =	vmul.f32 v18, v17;
	v18 =	vld [tilespmem:$0x1F6F0]  }
.Ltmp0:
0x383: {  	v28 =	vadd.f32 v28, v50;
	v20 =	vld [tilespmem:s14+$0x650];
	v25 =	vmul.f32 v30, v48;
	(pc) =	sbr.rel @p0 .LBB2_2-.Ltmp0, $4  }
0x384: {  	v2 =	vmul.f32 v23, v2;
	v17 =	vld [tilespmem:s14+$0x640];
	v15 =	vadd.f32 v33, v15  }
0x385: {  	(xrf2) =	vadd.scan.msk.f32 $0xffff, v21;
	v3 =	vadd.f32 v60, v28;
	v21 =	vmul.f32 v13, v25;
	v25 =	vmul.f32 v1, v27;
	v13 =	vld [tilespmem:s14+$0x10600]  }
0x386: {  	v56 =	vmovc v62;
	v1 =	vmul.f32 v22, v19;
	v27 =	vmul.f32 v52, v51;
	v19 =	vadd.f32 v59, v15;
	v15 =	vld [tilespmem:s14+$0x8600]  }
0x387: {  	s16 =	sadd.s32 $0x1000, s16;
	(xrf2) =	vadd.scan.msk.f32 $0xffff, v29;
	v60 =	vmovc v61;
	v22 =	vmul.f32 v53, v31;
	v23 =	vadd.f32 $0.0e+00, v21;
	v12 =	vmul.f32 v18, v12;
	v18 =	vld [tilespmem:s14+$0x8640]  }
0x388: {  	v59 =	vld [tilespmem:s14+$0x600]  }
0x389: {  	v61 =	vld [tilespmem:s14+$0x610]  }
0x38a: {  	v62 =	vld [tilespmem:s14+$0x8610]  }
0x38b: {  	v2 =	vmul.f32 v63, v2;
	v63 =	vld [tilespmem:s14+$0x680]  }
0x38c: {  	v29 =	vld [tilespmem:s14+$0x8680]  }
0x38d: {  	v33 =	vld [tilespmem:s14+$0x8690]  }
0x38e: {  	v6 =	vmul.f32 v14, v6;
	v14 =	vmul.f32 v44, v43;
	v43 =	vld [tilespmem:s14+$0x8700]  }
0x38f: {  	v48 =	vld [tilespmem:s14+$0x10690]  }
0x390: {  	v51 =	vld [tilespmem:s14+$0x8710]  }
0x391: {  	v53 =	vld [tilespmem:s14+$0x10700]  }
0x392: {  	v28 =	vmul.f32 v26, v20;
	v20 =	vld [tilespmem:s14+$0x8790]  }
0x393: {  	v52 =	vmul.f32 v42, v41;
	v41 =	vld [tilespmem:s14+$0x8880]  }
0x394: {  	v5 =	vmul.f32 v11, v5;
	v42 =	vld [tilespmem:$0x1FBE0]  }
0x395: {  	v21 =	vmul.f32 v34, v22;
	v22 =	vld [tilespmem:$0x1FC30]  }
0x396: {  	v23 =	vadd.f32 v25, v23;
	v5 =	vmul.f32 v35, v5;
	v35 =	vld [tilespmem:s14+$0x10680]  }
0x397: {  	v34 =	vmul.f32 v47, v28;
	v28 =	vld [tilespmem:s14+$0x8800]  }
0x398: {  	v30 =	vadd.f32 v24, v23;
	v23 =	vld [tilespmem:$0x1FD00]  }
0x399: {  	v24 =	vld [tilespmem:s14+$0x10780]  }
0x39a: {  	v31 =	vmul.f32 v15, v59;
	v59 =	vld [tilespmem:s14+$0x8780]  }
0x39b: {  	v6 =	vmul.f32 v38, v6;
	v38 =	vmul.f32 v62, v61;
	v62 =	vld [tilespmem:$0x1FD60]  }
0x39c: {  	v0 =	vmul.f32 v0, v27;
	v50 =	vmul.f32 v29, v63;
	v29 =	vld [tilespmem:$0x1FC20]  }
0x39d: {  	v63 =	vmul.f32 v43, v37;
	v37 =	vld [tilespmem:$0x1FC10]  }
0x39e: {  	v0 =	vadd.f32 $0.0e+00, v0;
	v17 =	vmul.f32 v18, v17;
	v43 =	vld [tilespmem:$0x1FBF0]  }
0x39f: {  	v44 =	vmul.f32 v9, v7;
	v11 =	vmul.f32 v33, v45;
	v45 =	vld [tilespmem:s14+$0x8890]  }
0x3a0: {  	v0 =	vadd.f32 v5, v0;
	v7 =	vmul.f32 v42, v40;
	v42 =	vld [tilespmem:s14+$0x109E0];
	v16 =	vmul.f32 v16, v17  }
0x3a1: {  	v17 =	vld [tilespmem:s14+$0x10710];
	v5 =	vmul.f32 v13, v31  }
0x3a2: {  	v0 =	vadd.f32 v2, v0;
	v2 =	vmul.f32 v39, v44;
	v44 =	vld [tilespmem:s14+$0x10810];
	v16 =	vadd.f32 $0.0e+00, v16  }
0x3a3: {  	v4 =	vmul.f32 v4, v38;
	v31 =	vld [tilespmem:s14+$0x10790];
	v5 =	vadd.f32 $0.0e+00, v5  }
0x3a4: {  	v10 =	vadd.f32 v10, v19;
	v55 =	vmul.f32 v35, v50;
	v35 =	vld [tilespmem:$0x1FC00];
	v47 =	vadd.f32 v34, v16  }
0x3a5: {  	v8 =	vadd.f32 v8, v30;
	v19 =	vmul.f32 v48, v11;
	v38 =	vld [tilespmem:s14+$0x10800];
	v4 =	vadd.f32 v4, v5  }
0x3a6: {  	(xrf2) =	vadd.scan.msk.f32 $0xffff, v3;
	v27 =	vmul.f32 v53, v63;
	v48 =	vld [tilespmem:s14+$0x10820];
	v0 =	vadd.f32 v12, v0;
	v61 =	vadd.f32 v6, v47  }
0x3a7: {  	(xrf2) =	vadd.scan.msk.f32 $0xffff, v10;
	v63 =	vld [tilespmem:$0x1FB90];
	v18 =	vadd.f32 $0.0e+00, v55;
	v6 =	vmul.f32 v62, v52;
	v2 =	vadd.f32 v2, v4  }
0x3a8: {  	(xrf2) =	vadd.scan.msk.f32 $0xffff, v8;
	v8 =	vmul.f32 v22, v14;
	v22 =	vld [tilespmem:$0x1FB70];
	v10 =	vmul.f32 v51, v23;
	v3 =	vadd.f32 v21, v61  }
0x3a9: {  	v51 =	vld [tilespmem:s14+$0x10890];
	(xrf2) =	vadd.scan.msk.f32 $0xffff, v0;
	v1 =	vmul.f32 v29, v1;
	v26 =	vadd.f32 v19, v18;
	v25 =	vadd.f32 v6, v2  }
0x3aa: {  	v30 =	vmul.f32 v59, v60;
	v34 =	vld [tilespmem:s14+$0x8810];
	v33 =	vmul.f32 v17, v10;
	(xrf2) =	vadd.scan.msk.f32 $0xffff, v3  }
0x3ab: {  	v47 =	vld [tilespmem:$0x1FBD0];
	v4 =	vadd.f32 $0.0e+00, v27;
	v2 =	vadd.f32 v8, v26;
	v8 =	vmul.f32 v35, v46;
	(xrf2) =	vadd.scan.msk.f32 $0xffff, v25  }
0x3ac: {  	v9 =	vmul.f32 v20, v37;
	v46 =	vld [tilespmem:$0x1FBC0]  }
0x3ad: {  	v55 =	vld [tilespmem:$0x1FBB0];
	v39 =	vadd.f32 v33, v4;
	v3 =	vmul.f32 v24, v30;
	v1 =	vadd.f32 v1, v2  }
0x3ae: {  	v11, _, _ =	vpop (xrf2);
	v5 =	vmul.f32 v28, v43;
	v52 =	vld [tilespmem:$0x1FBA0]  }
0x3af: {  	v61 =	vld [tilespmem:$0x1FB80];
	v6 =	vmul.f32 v31, v9;
	v2 =	vadd.f32 v8, v39;
	v3 =	vadd.f32 $0.0e+00, v3;
	v8, _, _ =	vpop (xrf2);
	(xrf2) =	vadd.scan.msk.f32 $0xffff, v1  }
0x3b0: {  	v59 =	vld [tilespmem:s14+$0x10830];
	v5 =	vmul.f32 v38, v5;
	v0 =	vmul.f32 v34, v47;
	v13, _, _ =	vpop (xrf2)  }
0x3b1: {  	v20 =	vld [tilespmem:s14+$0x108B0];
	v2 =	vadd.f32 v7, v2;
	v9 =	vmul.f32 v46, v36;
	v3 =	vadd.f32 v6, v3;
	v50, _, _ =	vpop (xrf2)  }
0x3b2: {  	v29 =	vld [tilespmem:$0x1FE10];
	v4 =	vmul.f32 v41, v55;
	v5 =	vadd.f32 $0.0e+00, v5;
	v53, _, _ =	vpop (xrf2)  }
0x3b3: {  	v17 =	vld [tilespmem:s14+$0x108A0];
	v10 =	vmul.f32 v52, v32;
	v0 =	vmul.f32 v44, v0;
	(xrf2) =	vadd.scan.msk.f32 $0xffff, v2;
	v3 =	vadd.f32 v9, v3;
	v60, _, _ =	vpop (xrf2)  }
0x3b4: {  	v28 =	vld [tilespmem:s14+$0x10930];
	v4 =	vmul.f32 v61, v4;
	v1 =	vmul.f32 v45, v63;
	v62, _, _ =	vpop (xrf2)  }
0x3b5: {  	v18 =	vmul.f32 v48, v54;
	v48 =	vld [tilespmem:$0x1FCA0];
	v0 =	vadd.f32 v0, v5;
	v3 =	vadd.f32 v10, v3;
	v19, _, _ =	vpop (xrf2)  }
0x3b6: {  	v38 =	vld [tilespmem:$0x1FD40];
	v4 =	vadd.f32 $0.0e+00, v4;
	v1 =	vmul.f32 v51, v1;
	v10 =	vbroadcast v19, $0xF  }
0x3b7: {  	v14 =	vmul.f32 v22, v49;
	v21 =	vmul.f32 v59, v58;
	v33 =	vld [tilespmem:$0x1FDC0];
	v0 =	vadd.f32 v18, v0;
	(xrf2) =	vadd.scan.msk.f32 $0xffff, v3  }
0x3b8: {  	v24 =	vld [tilespmem:s14+$0x10920];
	v1 =	vadd.f32 v1, v4;
	v9 =	vbroadcast v62, $0xF;
	v23 =	vnsel vm0, $0x0, v10  }
0x3b9: {  	v35 =	vld [tilespmem:$0x1FDF0];
	v25 =	vmul.f32 v17, v57;
	v0 =	vadd.f32 v21, v0;
	v26, _, _ =	vpop (xrf2);
	v3 =	vadd.f32 $0.0e+00, v23  }
0x3ba: {  	v27 =	vadd.f32 $0.0e+00, v14;
	v41 =	vld [tilespmem:$0x1FD80];
	v9 =	vnsel vm1, $0x0, v9;
	v10 =	vbroadcast v26, $0xF  }
0x3bb: {  	v32 =	vld [tilespmem:s14+$0x109A0];
	v5 =	vmul.f32 v20, v29;
	v1 =	vadd.f32 v25, v1;
	(xrf2) =	vadd.scan.msk.f32 $0xffff, v0;
	v3 =	vadd.f32 v9, v3  }
0x3bc: {  	v31 =	vadd.f32 v56, v27;
	v44 =	vld [tilespmem:$0x1FCF0];
	v2 =	vbroadcast v60, $0xF;
	v30 =	vnsel vm2, $0x0, v10  }
0x3bd: {  	v46 =	vld [tilespmem:$0x1FD20];
	v1 =	vadd.f32 v5, v1;
	v34, _, _ =	vpop (xrf2);
	v0 =	vadd.f32 v30, v3;
	v3 =	vmul.f32 v24, v33  }
0x3be: {  	v36 =	vld [tilespmem:s14+$0x109B0];
	v2 =	vnsel vm3, $0x0, v2;
	v5 =	vadd.f32 $0.0e+00, v35;
	v4 =	vbroadcast v34, $0xF  }
0x3bf: {  	v49 =	vld [tilespmem:$0x1FCC0];
	(xrf2) =	vadd.scan.msk.f32 $0xffff, v1;
	v0 =	vadd.f32 v2, v0;
	v37 =	vadd.f32 v3, v31;
	v3 =	vmul.f32 v28, v38  }
0x3c0: {  	v51 =	vld [tilespmem:$0x1FC70];
	v40 =	vbroadcast v53, $0xF;
	v5 =	vadd.f32 v41, v5;
	v39 =	vnsel vm4, $0x0, v4  }
0x3c1: {  	v47 =	vld [tilespmem:s14+$0x109F0];
	v45, _, _ =	vpop (xrf2);
	v2 =	vmul.f32 v32, v44;
	v0 =	vadd.f32 v39, v0;
	v43 =	vadd.f32 v3, v37  }
0x3c2: {  	v53 =	vld [tilespmem:$0x1FC40];
	v9 =	vadd.f32 $0.0e+00, v46;
	v4 =	vnsel vm5, $0x0, v40;
	v3 =	vbroadcast v45, $0xF  }
0x3c3: {  	v2 =	vadd.f32 v2, v5;
	v0 =	vadd.f32 v4, v0;
	v4 =	vmul.f32 v36, v48;
	(xrf2) =	vadd.scan.msk.f32 $0xffff, v43  }
0x3c4: {  	v50 =	vbroadcast v50, $0xF;
	v1 =	vadd.f32 v49, v9;
	v3 =	vnsel vm6, $0x0, v3  }
0x3c5: {  	v52, _, _ =	vpop (xrf2);
	v0 =	vadd.f32 v3, v0;
	v2 =	vadd.f32 v4, v2;
	v3 =	vmul.f32 v42, v51  }
0x3c6: {  	v5 =	vnsel vm7, $0x0, v50;
	v4 =	vbroadcast v52, $0xF  }
0x3c7: {  	v0 =	vadd.f32 v5, v0;
	v1 =	vadd.f32 v3, v1;
	v3 =	vmul.f32 v47, v53;
	(xrf2) =	vadd.scan.msk.f32 $0xffff, v2  }
0x3c8: {  	v55 =	vbroadcast v13, $0xF;
	v54 =	vnsel vm8, $0x0, v4  }
0x3c9: {  	v56, _, _ =	vpop (xrf2);
	v0 =	vadd.f32 v54, v0;
	v1 =	vadd.f32 v3, v1  }
0x3ca: {  	v57 =	vnsel vm9, $0x0, v55;
	v2 =	vbroadcast v56, $0xF  }
0x3cb: {  	v0 =	vadd.f32 v57, v0;
	(xrf2) =	vadd.scan.msk.f32 $0xffff, v1  }
0x3cc: {  	v59 =	vbroadcast v8, $0xF;
	v58 =	vnsel vm10, $0x0, v2  }
0x3cd: {  	v0 =	vadd.f32 v58, v0;
	v60, _, _ =	vpop (xrf2)  }
0x3ce: {  	v2 =	vnsel vm11, $0x0, v59;
	v1 =	vbroadcast v60, $0xF  }
0x3cf: {  	v0 =	vadd.f32 v2, v0  }
0x3d0: {  	v61 =	vbroadcast v11, $0xF;
	v1 =	vnsel vm12, $0x0, v1  }
0x3d1: {  	v0 =	vadd.f32 v1, v0;
	v62, _, _ =	vpop (xrf2)  }
0x3d2: {  	v2 =	vnsel vm13, $0x0, v61;
	v1 =	vbroadcast v62, $0xF  }
0x3d3: {  	v0 =	vadd.f32 v2, v0  }
0x3d4: {  	v1 =	vnsel vm14, $0x0, v1  }
0x3d5: {  	v0 =	vadd.f32 v1, v0;
	v63, _, _ =	vpop (xrf2)  }
0x3d6: {  	v1 =	vsel vm15, $0x0, v63  }
0x3d7: {  	v0 =	vadd.f32 v1, v0;
	_ =	sdelay $0x1  }
0x3d8: {  	v0 =	vsub.f32 $0.0e+00, v0;
	_ =	sdelay $0x1  }
0x3d9: {  	v0 =	vmul.f32 $1.442695020e+00, v0;
	_ =	sdelay $0x1  }
0x3da: {  	(erf) = vpow2.f32 v0;
	_ =	sdelay $0x8  }
0x3db: {  	v0 =	vpop (erf)  }
0x3dc: {  	v0 =	vadd.f32 $1.000000000e+00, v0;
	_ =	sdelay $0x1  }
0x3dd: {  	(erf) = vrcp.f32 v0;
	_ =	sdelay $0x7  }
0x3de: {  	s13 =	sadd.s32 $0x1, s13  }
0x3df: {  	s16 =	sadd.s32 $0x10, s15;
	p0 =	sne.s32 s13, s8;
	v0 =	vpop (erf)  }
.Ltmp1:
0x3e0: {  	[tilespmem:s16+$0x0] =	vst v0;
	(pc) =	sbr.rel @p0 .LBB2_1-.Ltmp1, $4  }
0x3e1: {  	[hbm4b:s7+s2] =	stream.linear.scatter [tilespmem:s12], [sflag:$0x2], $0x200, $0x38;
	[tilespmem:$0x18800] =	vst v63  }
0x3e2: {  	_ =	swait.ge [sflag:s9], $0x200  }
0x3e3: {  	[sflag:s9] =	ssyncset.done $0x0  }
0x3e4: {  	[sflag:s9] =	ssyncadd.s32 $0xFFFFFE00  }
0x3e5: {  	_ =	sfence.sel $0x180000  }
0x3e6: {  	[bflag:$0x0] =	sbarrier.arrive $0xFFFF  }
0x3e7: {  	_ =	strace $0x90000047  }
0x3e8: {  	s0 =	stileid.u32;
	[bflag:$0x2] =	sbarrier.arrive $0xFFFF  }
0x3e9: {  	p0 =	sne.s32 s0, $0x0;
	s0 =	rddreg [dreg:$0x2]  }
0x3ea: {  	s0 =	sadd.s32 @!p0 $0x100000, s0  }
0x3eb: {  	[sflag:s0] =	ssyncadd.tile.s32 @!p0 $0x1;
	_ =	shalt  }
.Lfunc_end2:
_tile_overlayer_lowered:
.L_overlay_start_2:
0x3ec: {  	(tag) =	ssettag $0x2  }
0x3ed: {  	s0 =	rddreg [dreg:$0x0];
	s2 =	stileid.u32  }
0x3ee: {  	s1 =	rddreg [dreg:$0x1];
	p0 =	sne.s32 s2, $0x0  }
0x3ef: {  	s3 =	rddreg [dreg:$0x2];
	[bflag:$0x3] =	sbarrier.arrive $0xFFFF;
	s2 =	simm.s32 @!p0 $0x1C02  }
0x3f0: {  	[timem:s3], [sflag:s2] =	dma.local @!p0 [hbm:s0], s1  }
0x3f1: {  	s0 =	simm.s32 @!p0 $0x2  }
0x3f2: {  	_ =	swait.ge @!p0 [sflag:s0], s1  }
0x3f3: {  	s1 =	ssub.s32 @!p0 $0x0, s1;
	[sflag:s0] =	ssyncset.done @!p0 $0x0  }
0x3f4: {  	[sflag:s0] =	ssyncadd.s32 @!p0 s1  }
0x3f5: {  	[bflag:$0x3] =	sbarrier.arrive $0xFFFF  }
0x3f6: {  	_ =	shalt  }

</sc_bundles>
